<compile_context>
chip_gen: v7x
topology: tpu7x:2x2x1
jax: 0.10.2.dev20260603
libtpu: 0.0.44.dev20260713+nightly
codegen_flags: <defaults>
</compile_context>

<pallas_src>
import functools

import jax
import jax.numpy as jnp
from jax import lax
from jax.experimental import pallas as pl
from jax.experimental.pallas import tpu as pltpu
from jax.experimental.pallas import tpu_sc as plsc

T, D, F, E, K = 2048, 1024, 768, 64, 2
N = T * K
TILE = 64
P = 8192
P_TILES = P // TILE
NW = 32
LANES = 16
WL = 128
RB = 128
NB = T // RB


def _rtne_bf16_bits(v):
    bits = lax.bitcast_convert_type(v, jnp.int32)
    lsb = lax.shift_right_logical(bits, 16) & 1
    return (bits + 0x7FFF + lsb) & jnp.int32(-65536)


def _route_body(x_ref, rk_ref, s1_ref, s2_ref, w1_ref, w2_ref, te_ref,
                xp_ref):
    xv = x_ref[...]
    ha = _rtne_bf16_bits(xv[:, : D // 2])
    hb = _rtne_bf16_bits(xv[:, D // 2:])
    xp_ref[...] = ha | lax.shift_right_logical(hb, 16)

    s = jnp.dot(xv, rk_ref[...], preferred_element_type=jnp.float32)
    iota = lax.broadcasted_iota(jnp.int32, (T, E), 1)
    m1 = jnp.max(s, axis=1, keepdims=True)
    i1 = jnp.min(jnp.where(s == m1, iota, E), axis=1, keepdims=True)
    sm = jnp.where(iota == i1, -jnp.inf, s)
    m2 = jnp.max(sm, axis=1, keepdims=True)
    i2 = jnp.min(jnp.where(sm == m2, iota, E), axis=1, keepdims=True)
    w1 = 1.0 / (1.0 + jnp.exp(m2 - m1))
    w1_ref[...] = jnp.broadcast_to(w1, (T, WL))
    w2_ref[...] = jnp.broadcast_to(1.0 - w1, (T, WL))

    oh1 = (iota == i1).astype(jnp.float32)
    oh2 = (iota == i2).astype(jnp.float32)
    a = oh1 + oh2
    li = lax.broadcasted_iota(jnp.int32, (RB, RB), 0)
    lj = lax.broadcasted_iota(jnp.int32, (RB, RB), 1)
    ltri = (lj < li).astype(jnp.float32)
    bsums = []
    sx_blocks = []
    for b in range(NB):
        ab = a[b * RB:(b + 1) * RB, :]
        sx_blocks.append(jnp.dot(ltri, ab, preferred_element_type=jnp.float32))
        bsums.append(jnp.sum(ab, axis=0, keepdims=True))
    bs = jnp.concatenate(bsums, axis=0)
    ci = lax.broadcasted_iota(jnp.int32, (NB, NB), 0)
    cj = lax.broadcasted_iota(jnp.int32, (NB, NB), 1)
    ctri = (cj < ci).astype(jnp.float32)
    carry = jnp.dot(ctri, bs, preferred_element_type=jnp.float32)

    counts = jnp.sum(bs, axis=0, keepdims=True)
    tilecnt = lax.shift_right_logical(
        counts.astype(jnp.int32) + (TILE - 1), 6).astype(jnp.float32)
    ui = lax.broadcasted_iota(jnp.int32, (E, E), 0)
    uj = lax.broadcasted_iota(jnp.int32, (E, E), 1)
    uex = (ui < uj).astype(jnp.float32)
    uin = (ui <= uj).astype(jnp.float32)
    starts = jnp.dot(tilecnt, uex,
                     preferred_element_type=jnp.float32) * float(TILE)
    tcum = jnp.dot(tilecnt, uin, preferred_element_type=jnp.float32)

    r1_blocks = []
    r2_blocks = []
    for b in range(NB):
        sx = sx_blocks[b] + carry[b:b + 1, :]
        o1 = oh1[b * RB:(b + 1) * RB, :]
        o2 = oh2[b * RB:(b + 1) * RB, :]
        r1_blocks.append(jnp.sum((sx + starts) * o1, axis=1, keepdims=True))
        r2_blocks.append(jnp.sum((sx + starts) * o2, axis=1, keepdims=True))
    s1_ref[...] = jnp.concatenate(r1_blocks, axis=0).astype(jnp.int32)
    s2_ref[...] = (jnp.concatenate(r2_blocks, axis=0)
                   + jnp.sum(oh1 * oh2, axis=1, keepdims=True)
                   ).astype(jnp.int32)

    jt = lax.broadcasted_iota(jnp.int32, (P_TILES, E), 0)
    te = jnp.sum((tcum.astype(jnp.int32) <= jt).astype(jnp.int32),
                 axis=1, keepdims=True)
    te_ref[...] = jnp.minimum(te, E - 1)


def _route(xf, rk):
    return pl.pallas_call(
        _route_body,
        out_shape=[
            jax.ShapeDtypeStruct((T, 1), jnp.int32),
            jax.ShapeDtypeStruct((T, 1), jnp.int32),
            jax.ShapeDtypeStruct((T, WL), jnp.float32),
            jax.ShapeDtypeStruct((T, WL), jnp.float32),
            jax.ShapeDtypeStruct((P_TILES, 1), jnp.int32),
            jax.ShapeDtypeStruct((T, D // 2), jnp.int32),
        ],
    )(xf, rk)


def _dispatch(xpacked, s1, s2, w1, w2):
    mesh = plsc.VectorSubcoreMesh(core_axis_name="c", subcore_axis_name="s")
    tok_w = T // NW
    s1r = s1.reshape(NW, tok_w)
    s2r = s2.reshape(NW, tok_w)
    w1r = w1.reshape(NW, tok_w, WL)
    w2r = w2.reshape(NW, tok_w, WL)

    @functools.partial(
        pl.kernel,
        out_type=[
            jax.ShapeDtypeStruct((P, D // 2), jnp.int32),
            jax.ShapeDtypeStruct((P, WL), jnp.float32),
        ],
        mesh=mesh,
        scratch_types=[
            pltpu.VMEM((tok_w,), jnp.int32),
            pltpu.VMEM((tok_w,), jnp.int32),
            pltpu.VMEM((tok_w, D // 2), jnp.int32),
            pltpu.VMEM((tok_w, WL), jnp.float32),
            pltpu.VMEM((tok_w, WL), jnp.float32),
            pltpu.SemaphoreType.DMA,
            pltpu.SemaphoreType.DMA,
        ],
    )
    def k(s1_hbm, s2_hbm, w1_hbm, w2_hbm, x_hbm, xs_hbm, sw_hbm,
          i1_v, i2_v, rows_v, wa_v, wb_v, sem_i, sem_d):
        wid = lax.axis_index("s") * 2 + lax.axis_index("c")
        base = wid * tok_w
        c1 = pltpu.async_copy(s1_hbm.at[wid], i1_v, sem_i)
        c2 = pltpu.async_copy(s2_hbm.at[wid], i2_v, sem_i)
        c3 = pltpu.async_copy(w1_hbm.at[wid], wa_v, sem_i)
        c4 = pltpu.async_copy(w2_hbm.at[wid], wb_v, sem_i)
        c5 = pltpu.async_copy(x_hbm.at[pl.ds(base, tok_w)], rows_v, sem_d)
        c1.wait()
        c2.wait()
        c3.wait()
        c4.wait()
        c5.wait()
        o1 = pltpu.async_copy(rows_v, xs_hbm.at[i1_v], sem_d)
        o2 = pltpu.async_copy(rows_v, xs_hbm.at[i2_v], sem_d)
        o3 = pltpu.async_copy(wa_v, sw_hbm.at[i1_v], sem_i)
        o4 = pltpu.async_copy(wb_v, sw_hbm.at[i2_v], sem_i)
        o1.wait()
        o2.wait()
        o3.wait()
        o4.wait()

    return k(s1r, s2r, w1r, w2r, xpacked)


def _ffn_body(te_ref, xs_ref, g_ref, u_ref, d_ref, sw_ref, ys_ref):
    packed = xs_ref[...]
    xa = lax.bitcast_convert_type(packed & jnp.int32(-65536), jnp.float32)
    xb = lax.bitcast_convert_type(lax.shift_left(packed, 16), jnp.float32)
    xt = jnp.concatenate([xa, xb], axis=1)
    g = jnp.dot(xt, g_ref[0], preferred_element_type=jnp.float32)
    u = jnp.dot(xt, u_ref[0], preferred_element_type=jnp.float32)
    h = g * jax.nn.sigmoid(g) * u
    y = jnp.dot(h, d_ref[0], preferred_element_type=jnp.float32)
    ys_ref[...] = y * sw_ref[...][:, 0:1]


def _ffn(xs, gate_proj, up_proj, down_proj, sw, tile_expert):
    grid_spec = pltpu.PrefetchScalarGridSpec(
        num_scalar_prefetch=1,
        grid=(P_TILES,),
        in_specs=[
            pl.BlockSpec((TILE, D // 2), lambda i, te: (i, 0)),
            pl.BlockSpec((1, D, F), lambda i, te: (te[i], 0, 0)),
            pl.BlockSpec((1, D, F), lambda i, te: (te[i], 0, 0)),
            pl.BlockSpec((1, F, D), lambda i, te: (te[i], 0, 0)),
            pl.BlockSpec((TILE, WL), lambda i, te: (i, 0)),
        ],
        out_specs=pl.BlockSpec((TILE, D), lambda i, te: (i, 0)),
    )
    return pl.pallas_call(
        _ffn_body,
        grid_spec=grid_spec,
        out_shape=jax.ShapeDtypeStruct((P, D), jnp.float32),
    )(tile_expert, xs, gate_proj, up_proj, down_proj, sw)


def _combine(ys, s1, s2):
    mesh = plsc.VectorSubcoreMesh(core_axis_name="c", subcore_axis_name="s")
    tok_w = T // NW
    chunk = 16
    nch = tok_w // chunk
    s1r = s1.reshape(NW, nch, chunk)
    s2r = s2.reshape(NW, nch, chunk)

    @functools.partial(
        pl.kernel,
        out_type=jax.ShapeDtypeStruct((T, D), jnp.float32),
        mesh=mesh,
        scratch_types=[
            pltpu.VMEM((nch, chunk), jnp.int32),
            pltpu.VMEM((nch, chunk), jnp.int32),
            pltpu.VMEM((2, chunk, D), jnp.float32),
            pltpu.VMEM((2, chunk, D), jnp.float32),
            pltpu.SemaphoreType.DMA,
            pltpu.SemaphoreType.DMA,
            pltpu.SemaphoreType.DMA,
        ],
    )
    def k(s1_hbm, s2_hbm, ys_hbm, out_hbm,
          i1_v, i2_v, y1_v, y2_v, sem_i, sem_d, sem_o):
        wid = lax.axis_index("s") * 2 + lax.axis_index("c")
        base = wid * tok_w
        ca = pltpu.async_copy(s1_hbm.at[wid], i1_v, sem_i)
        cb = pltpu.async_copy(s2_hbm.at[wid], i2_v, sem_i)
        ca.wait()
        cb.wait()
        pltpu.async_copy(ys_hbm.at[i1_v.at[0]], y1_v.at[0], sem_d)
        pltpu.async_copy(ys_hbm.at[i2_v.at[0]], y2_v.at[0], sem_d)
        for c in range(nch):
            r = c % 2
            pltpu.make_async_copy(
                ys_hbm.at[i1_v.at[c]], y1_v.at[r], sem_d).wait()
            pltpu.make_async_copy(
                ys_hbm.at[i2_v.at[c]], y2_v.at[r], sem_d).wait()
            if c >= 1:
                pltpu.make_async_copy(
                    y1_v.at[(c - 1) % 2],
                    out_hbm.at[pl.ds(base + (c - 1) * chunk, chunk)],
                    sem_o).wait()
            if c + 1 < nch:
                pltpu.async_copy(
                    ys_hbm.at[i1_v.at[c + 1]], y1_v.at[(c + 1) % 2], sem_d)
                pltpu.async_copy(
                    ys_hbm.at[i2_v.at[c + 1]], y2_v.at[(c + 1) % 2], sem_d)

            def row_body(rr, carry2, _r=r):
                def col_body(cc, carry3):
                    sl = pl.ds(cc * LANES, LANES)
                    y1_v[_r, rr, sl] = y1_v[_r, rr, sl] + y2_v[_r, rr, sl]
                    return carry3

                lax.fori_loop(0, D // LANES, col_body, 0)
                return carry2

            lax.fori_loop(0, chunk, row_body, 0)
            pltpu.async_copy(
                y1_v.at[r],
                out_hbm.at[pl.ds(base + c * chunk, chunk)], sem_o)
        pltpu.make_async_copy(
            y1_v.at[(nch - 1) % 2],
            out_hbm.at[pl.ds(base + (nch - 1) * chunk, chunk)],
            sem_o).wait()

    return k(s1r, s2r, ys)


def kernel(x, router_kernel, gate_proj, up_proj, down_proj):
    b, t, d = x.shape
    xf = x.reshape(t, d)
    s1, s2, w1, w2, te, xpacked = _route(xf, router_kernel)
    s1 = s1[:, 0]
    s2 = s2[:, 0]
    xs_packed, sw = _dispatch(xpacked, s1, s2, w1, w2)
    ys = _ffn(xs_packed, gate_proj, up_proj, down_proj, sw, te[:, 0])
    out = _combine(ys, s1, s2)
    return out.reshape(b, t, d)

# --- scband reference (transcript-rebuilt; emitter-appended) ---
"""Pipeline reference for scband-mo-elayer-10514079940880 (READ-ONLY COPY).

The authoritative reference and input builder live on the scoring server;
editing this copy changes nothing except your own understanding.
"""

import jax, jax.numpy as jnp
import numpy as np

B, T, D, F, E, K, CH = 1, 2048, 1024, 768, 64, 2, 32

def setup_inputs(seed: int = 0):
    key = jax.random.key(seed)
    k0, k1, k2, k3, k4 = jax.random.split(key, 5)
    x = jax.random.normal(k0, (B, T, D), dtype=jnp.float32)
    router_kernel = jax.random.normal(k1, (D, E), dtype=jnp.float32) * 0.02
    gate_proj = jax.random.normal(k2, (E, D, F), dtype=jnp.float32) * 0.02
    up_proj = jax.random.normal(k3, (E, D, F), dtype=jnp.float32) * 0.02
    down_proj = jax.random.normal(k4, (E, F, D), dtype=jnp.float32) * 0.02
    return {"x": x, "router_kernel": router_kernel, "gate_proj": gate_proj,
            "up_proj": up_proj, "down_proj": down_proj}

def _moe(x, router_kernel, gate_proj, up_proj, down_proj):
    b, t, d = x.shape
    xf = x.reshape(-1, d)
    # router (nnx.Linear, no bias) + float32 softmax + top-k, renormalize
    scores = (xf @ router_kernel).astype(jnp.float32)
    probs = jax.nn.softmax(scores, axis=-1)
    w, idx = jax.lax.top_k(probs, K)
    w = (w / jnp.sum(w, axis=-1, keepdims=True)).astype(x.dtype)
    n = xf.shape[0]
    xr = xf.reshape(n // CH, CH, d)
    ir = idx.reshape(n // CH, CH, K)
    wr = w.reshape(n // CH, CH, K)
    # Equivalent to the dense one-hot dispatch/combine: each token is processed
    # by its top-k experts (expert weights gathered per token) and results are
    # combined with the normalized routing weights. Chunked to bound memory.
    def chunk_fn(xc, ic, wc):
        out = jnp.zeros((CH, d), dtype=xc.dtype)
        for k in range(K):
            e = ic[:, k]
            g = jnp.einsum('nd,ndf->nf', xc, gate_proj[e])
            u = jnp.einsum('nd,ndf->nf', xc, up_proj[e])
            h = jax.nn.silu(g) * u
            o = jnp.einsum('nf,nfd->nd', h, down_proj[e])
            out = out + wc[:, k][:, None] * o
        return out
    out = jax.lax.map(lambda a: chunk_fn(*a), (xr, ir, wr))
    return out.reshape(b, t, d)

def reference(x, router_kernel, gate_proj, up_proj, down_proj):
    return _moe(x, router_kernel, gate_proj, up_proj, down_proj)

if __name__ == "__main__":
    import jax
    _d = setup_inputs()
    print(jax.jit(kernel)(*tuple(_d.values())))

</pallas_src>

<mosaic_0001>
#map = affine_map<(d0, d1) -> (0, 0)>
#map1 = affine_map<(d0, d1) -> (0, 0, 0)>
module attributes {stable_mosaic.version = 14 : i64} {
  func.func @k(%arg0: i32, %arg1: i32, %arg2: memref<32x64xi32, #tpu.memory_space<hbm>>, %arg3: memref<32x64xi32, #tpu.memory_space<hbm>>, %arg4: memref<32x64x128xf32, #tpu.memory_space<hbm>>, %arg5: memref<32x64x128xf32, #tpu.memory_space<hbm>>, %arg6: memref<2048x512xi32, #tpu.memory_space<hbm>>, %arg7: memref<8192x512xi32, #tpu.memory_space<hbm>>, %arg8: memref<8192x128xf32, #tpu.memory_space<hbm>>, %arg9: memref<64xi32, #tpu.memory_space<vmem>>, %arg10: memref<64xi32, #tpu.memory_space<vmem>>, %arg11: memref<64x512xi32, #tpu.memory_space<vmem>>, %arg12: memref<64x128xf32, #tpu.memory_space<vmem>>, %arg13: memref<64x128xf32, #tpu.memory_space<vmem>>, %arg14: memref<!tpu.dma_semaphore, #tpu.memory_space<semaphore_mem>>, %arg15: memref<!tpu.dma_semaphore, #tpu.memory_space<semaphore_mem>>) attributes {dimension_semantics = [#tpu.dimension_semantics<core_parallel>, #tpu.dimension_semantics<subcore_parallel>], iteration_bounds = array<i64: 2, 16>, scalar_prefetch = 0 : i64, scratch_operands = 7 : i64, tpu.core_type = #tpu.core_type<sc_vector_subcore>, window_params = [{transform_indices = #map}, {transform_indices = #map}, {transform_indices = #map1}, {transform_indices = #map1}, {transform_indices = #map}, {transform_indices = #map}, {transform_indices = #map}]} {
    %mul3A = arith.constant 2 : i32
    %mul3A_0 = arith.muli %arg1, %mul3A : i32
    %add3A = arith.addi %mul3A_0, %arg0 : i32
    %mul3A_1 = arith.constant 64 : i32
    %mul3A_2 = arith.muli %add3A, %mul3A_1 : i32
    %dma_start3A = arith.constant 0 : i32
    %dma_start3A_3 = tpu.memref_slice %arg2[%add3A, %dma_start3A] : memref<32x64xi32, #tpu.memory_space<hbm>> -> memref<1x64xi32, #tpu.memory_space<hbm>>
    %dma_start3A_4 = tpu.memref_squeeze %dma_start3A_3 : memref<1x64xi32, #tpu.memory_space<hbm>> -> memref<64xi32, #tpu.memory_space<hbm>>
    %dma_start3A_5 = arith.constant 0 : i32
    %dma_start3A_6 = tpu.memref_slice %arg2[%add3A, %dma_start3A_5] : memref<32x64xi32, #tpu.memory_space<hbm>> -> memref<1x64xi32, #tpu.memory_space<hbm>>
    %dma_start3A_7 = tpu.memref_squeeze %dma_start3A_6 : memref<1x64xi32, #tpu.memory_space<hbm>> -> memref<64xi32, #tpu.memory_space<hbm>>
    tpu.enqueue_dma source(%dma_start3A_7 : memref<64xi32, #tpu.memory_space<hbm>>) target(%arg9 : memref<64xi32, #tpu.memory_space<vmem>>) target_semaphore(%arg14 : memref<!tpu.dma_semaphore, #tpu.memory_space<semaphore_mem>>)
    %dma_start3A_8 = arith.constant 0 : i32
    %dma_start3A_9 = tpu.memref_slice %arg3[%add3A, %dma_start3A_8] : memref<32x64xi32, #tpu.memory_space<hbm>> -> memref<1x64xi32, #tpu.memory_space<hbm>>
    %dma_start3A_10 = tpu.memref_squeeze %dma_start3A_9 : memref<1x64xi32, #tpu.memory_space<hbm>> -> memref<64xi32, #tpu.memory_space<hbm>>
    %dma_start3A_11 = arith.constant 0 : i32
    %dma_start3A_12 = tpu.memref_slice %arg3[%add3A, %dma_start3A_11] : memref<32x64xi32, #tpu.memory_space<hbm>> -> memref<1x64xi32, #tpu.memory_space<hbm>>
    %dma_start3A_13 = tpu.memref_squeeze %dma_start3A_12 : memref<1x64xi32, #tpu.memory_space<hbm>> -> memref<64xi32, #tpu.memory_space<hbm>>
    tpu.enqueue_dma source(%dma_start3A_13 : memref<64xi32, #tpu.memory_space<hbm>>) target(%arg10 : memref<64xi32, #tpu.memory_space<vmem>>) target_semaphore(%arg14 : memref<!tpu.dma_semaphore, #tpu.memory_space<semaphore_mem>>)
    %dma_start3A_14 = arith.constant 0 : i32
    %dma_start3A_15 = arith.constant 0 : i32
    %dma_start3A_16 = tpu.memref_slice %arg4[%add3A, %dma_start3A_14, %dma_start3A_15] : memref<32x64x128xf32, #tpu.memory_space<hbm>> -> memref<1x64x128xf32, #tpu.memory_space<hbm>>
    %dma_start3A_17 = tpu.memref_squeeze %dma_start3A_16 : memref<1x64x128xf32, #tpu.memory_space<hbm>> -> memref<64x128xf32, #tpu.memory_space<hbm>>
    %dma_start3A_18 = arith.constant 0 : i32
    %dma_start3A_19 = arith.constant 0 : i32
    %dma_start3A_20 = tpu.memref_slice %arg4[%add3A, %dma_start3A_18, %dma_start3A_19] : memref<32x64x128xf32, #tpu.memory_space<hbm>> -> memref<1x64x128xf32, #tpu.memory_space<hbm>>
    %dma_start3A_21 = tpu.memref_squeeze %dma_start3A_20 : memref<1x64x128xf32, #tpu.memory_space<hbm>> -> memref<64x128xf32, #tpu.memory_space<hbm>>
    tpu.enqueue_dma source(%dma_start3A_21 : memref<64x128xf32, #tpu.memory_space<hbm>>) target(%arg12 : memref<64x128xf32, #tpu.memory_space<vmem>>) target_semaphore(%arg14 : memref<!tpu.dma_semaphore, #tpu.memory_space<semaphore_mem>>)
    %dma_start3A_22 = arith.constant 0 : i32
    %dma_start3A_23 = arith.constant 0 : i32
    %dma_start3A_24 = tpu.memref_slice %arg5[%add3A, %dma_start3A_22, %dma_start3A_23] : memref<32x64x128xf32, #tpu.memory_space<hbm>> -> memref<1x64x128xf32, #tpu.memory_space<hbm>>
    %dma_start3A_25 = tpu.memref_squeeze %dma_start3A_24 : memref<1x64x128xf32, #tpu.memory_space<hbm>> -> memref<64x128xf32, #tpu.memory_space<hbm>>
    %dma_start3A_26 = arith.constant 0 : i32
    %dma_start3A_27 = arith.constant 0 : i32
    %dma_start3A_28 = tpu.memref_slice %arg5[%add3A, %dma_start3A_26, %dma_start3A_27] : memref<32x64x128xf32, #tpu.memory_space<hbm>> -> memref<1x64x128xf32, #tpu.memory_space<hbm>>
    %dma_start3A_29 = tpu.memref_squeeze %dma_start3A_28 : memref<1x64x128xf32, #tpu.memory_space<hbm>> -> memref<64x128xf32, #tpu.memory_space<hbm>>
    tpu.enqueue_dma source(%dma_start3A_29 : memref<64x128xf32, #tpu.memory_space<hbm>>) target(%arg13 : memref<64x128xf32, #tpu.memory_space<vmem>>) target_semaphore(%arg14 : memref<!tpu.dma_semaphore, #tpu.memory_space<semaphore_mem>>)
    %dma_start3A_30 = arith.constant 0 : i32
    %dma_start3A_31 = tpu.memref_slice %arg6[%mul3A_2, %dma_start3A_30] : memref<2048x512xi32, #tpu.memory_space<hbm>> -> memref<64x512xi32, #tpu.memory_space<hbm>>
    %dma_start3A_32 = arith.constant 0 : i32
    %dma_start3A_33 = tpu.memref_slice %arg6[%mul3A_2, %dma_start3A_32] : memref<2048x512xi32, #tpu.memory_space<hbm>> -> memref<64x512xi32, #tpu.memory_space<hbm>>
    tpu.enqueue_dma source(%dma_start3A_33 : memref<64x512xi32, #tpu.memory_space<hbm>>) target(%arg11 : memref<64x512xi32, #tpu.memory_space<vmem>>) target_semaphore(%arg15 : memref<!tpu.dma_semaphore, #tpu.memory_space<semaphore_mem>>)
    %dma_wait3A = arith.constant 0 : i32
    %dma_wait3A_34 = tpu.memref_slice %arg2[%add3A, %dma_wait3A] : memref<32x64xi32, #tpu.memory_space<hbm>> -> memref<1x64xi32, #tpu.memory_space<hbm>>
    %dma_wait3A_35 = tpu.memref_squeeze %dma_wait3A_34 : memref<1x64xi32, #tpu.memory_space<hbm>> -> memref<64xi32, #tpu.memory_space<hbm>>
    %dma_wait3A_36 = arith.constant 0 : i32
    %dma_wait3A_37 = tpu.memref_slice %arg2[%add3A, %dma_wait3A_36] : memref<32x64xi32, #tpu.memory_space<hbm>> -> memref<1x64xi32, #tpu.memory_space<hbm>>
    %dma_wait3A_38 = tpu.memref_squeeze %dma_wait3A_37 : memref<1x64xi32, #tpu.memory_space<hbm>> -> memref<64xi32, #tpu.memory_space<hbm>>
    tpu.wait_dma2 semaphore(%arg14 : memref<!tpu.dma_semaphore, #tpu.memory_space<semaphore_mem>>) src(%dma_wait3A_38 : memref<64xi32, #tpu.memory_space<hbm>>) dst(%arg9 : memref<64xi32, #tpu.memory_space<vmem>>)
    %dma_wait3A_39 = arith.constant 0 : i32
    %dma_wait3A_40 = tpu.memref_slice %arg3[%add3A, %dma_wait3A_39] : memref<32x64xi32, #tpu.memory_space<hbm>> -> memref<1x64xi32, #tpu.memory_space<hbm>>
    %dma_wait3A_41 = tpu.memref_squeeze %dma_wait3A_40 : memref<1x64xi32, #tpu.memory_space<hbm>> -> memref<64xi32, #tpu.memory_space<hbm>>
    %dma_wait3A_42 = arith.constant 0 : i32
    %dma_wait3A_43 = tpu.memref_slice %arg3[%add3A, %dma_wait3A_42] : memref<32x64xi32, #tpu.memory_space<hbm>> -> memref<1x64xi32, #tpu.memory_space<hbm>>
    %dma_wait3A_44 = tpu.memref_squeeze %dma_wait3A_43 : memref<1x64xi32, #tpu.memory_space<hbm>> -> memref<64xi32, #tpu.memory_space<hbm>>
    tpu.wait_dma2 semaphore(%arg14 : memref<!tpu.dma_semaphore, #tpu.memory_space<semaphore_mem>>) src(%dma_wait3A_44 : memref<64xi32, #tpu.memory_space<hbm>>) dst(%arg10 : memref<64xi32, #tpu.memory_space<vmem>>)
    %dma_wait3A_45 = arith.constant 0 : i32
    %dma_wait3A_46 = arith.constant 0 : i32
    %dma_wait3A_47 = tpu.memref_slice %arg4[%add3A, %dma_wait3A_45, %dma_wait3A_46] : memref<32x64x128xf32, #tpu.memory_space<hbm>> -> memref<1x64x128xf32, #tpu.memory_space<hbm>>
    %dma_wait3A_48 = tpu.memref_squeeze %dma_wait3A_47 : memref<1x64x128xf32, #tpu.memory_space<hbm>> -> memref<64x128xf32, #tpu.memory_space<hbm>>
    %dma_wait3A_49 = arith.constant 0 : i32
    %dma_wait3A_50 = arith.constant 0 : i32
    %dma_wait3A_51 = tpu.memref_slice %arg4[%add3A, %dma_wait3A_49, %dma_wait3A_50] : memref<32x64x128xf32, #tpu.memory_space<hbm>> -> memref<1x64x128xf32, #tpu.memory_space<hbm>>
    %dma_wait3A_52 = tpu.memref_squeeze %dma_wait3A_51 : memref<1x64x128xf32, #tpu.memory_space<hbm>> -> memref<64x128xf32, #tpu.memory_space<hbm>>
    tpu.wait_dma2 semaphore(%arg14 : memref<!tpu.dma_semaphore, #tpu.memory_space<semaphore_mem>>) src(%dma_wait3A_52 : memref<64x128xf32, #tpu.memory_space<hbm>>) dst(%arg12 : memref<64x128xf32, #tpu.memory_space<vmem>>)
    %dma_wait3A_53 = arith.constant 0 : i32
    %dma_wait3A_54 = arith.constant 0 : i32
    %dma_wait3A_55 = tpu.memref_slice %arg5[%add3A, %dma_wait3A_53, %dma_wait3A_54] : memref<32x64x128xf32, #tpu.memory_space<hbm>> -> memref<1x64x128xf32, #tpu.memory_space<hbm>>
    %dma_wait3A_56 = tpu.memref_squeeze %dma_wait3A_55 : memref<1x64x128xf32, #tpu.memory_space<hbm>> -> memref<64x128xf32, #tpu.memory_space<hbm>>
    %dma_wait3A_57 = arith.constant 0 : i32
    %dma_wait3A_58 = arith.constant 0 : i32
    %dma_wait3A_59 = tpu.memref_slice %arg5[%add3A, %dma_wait3A_57, %dma_wait3A_58] : memref<32x64x128xf32, #tpu.memory_space<hbm>> -> memref<1x64x128xf32, #tpu.memory_space<hbm>>
    %dma_wait3A_60 = tpu.memref_squeeze %dma_wait3A_59 : memref<1x64x128xf32, #tpu.memory_space<hbm>> -> memref<64x128xf32, #tpu.memory_space<hbm>>
    tpu.wait_dma2 semaphore(%arg14 : memref<!tpu.dma_semaphore, #tpu.memory_space<semaphore_mem>>) src(%dma_wait3A_60 : memref<64x128xf32, #tpu.memory_space<hbm>>) dst(%arg13 : memref<64x128xf32, #tpu.memory_space<vmem>>)
    %dma_wait3A_61 = arith.constant 0 : i32
    %dma_wait3A_62 = tpu.memref_slice %arg6[%mul3A_2, %dma_wait3A_61] : memref<2048x512xi32, #tpu.memory_space<hbm>> -> memref<64x512xi32, #tpu.memory_space<hbm>>
    %dma_wait3A_63 = arith.constant 0 : i32
    %dma_wait3A_64 = tpu.memref_slice %arg6[%mul3A_2, %dma_wait3A_63] : memref<2048x512xi32, #tpu.memory_space<hbm>> -> memref<64x512xi32, #tpu.memory_space<hbm>>
    tpu.wait_dma2 semaphore(%arg15 : memref<!tpu.dma_semaphore, #tpu.memory_space<semaphore_mem>>) src(%dma_wait3A_64 : memref<64x512xi32, #tpu.memory_space<hbm>>) dst(%arg11 : memref<64x512xi32, #tpu.memory_space<vmem>>)
    %dma_start3A_65 = arith.constant 0 : i32
    %dma_start3A_66 = arith.constant 0 : i32
    %dma_start3A_67 = tpu.memref_slice %arg7[%dma_start3A_65, %dma_start3A_66] : memref<8192x512xi32, #tpu.memory_space<hbm>> -> memref<8192x512xi32, #tpu.memory_space<hbm>>
    tpu.enqueue_indirect_dma source(%arg11 : memref<64x512xi32, #tpu.memory_space<vmem>>) target(%dma_start3A_67 : memref<8192x512xi32, #tpu.memory_space<hbm>>) offsets(%arg9 : memref<64xi32, #tpu.memory_space<vmem>>) semaphore(%arg15 : memref<!tpu.dma_semaphore, #tpu.memory_space<semaphore_mem>>)
    %dma_start3A_68 = arith.constant 0 : i32
    %dma_start3A_69 = arith.constant 0 : i32
    %dma_start3A_70 = tpu.memref_slice %arg7[%dma_start3A_68, %dma_start3A_69] : memref<8192x512xi32, #tpu.memory_space<hbm>> -> memref<8192x512xi32, #tpu.memory_space<hbm>>
    tpu.enqueue_indirect_dma source(%arg11 : memref<64x512xi32, #tpu.memory_space<vmem>>) target(%dma_start3A_70 : memref<8192x512xi32, #tpu.memory_space<hbm>>) offsets(%arg10 : memref<64xi32, #tpu.memory_space<vmem>>) semaphore(%arg15 : memref<!tpu.dma_semaphore, #tpu.memory_space<semaphore_mem>>)
    %dma_start3A_71 = arith.constant 0 : i32
    %dma_start3A_72 = arith.constant 0 : i32
    %dma_start3A_73 = tpu.memref_slice %arg8[%dma_start3A_71, %dma_start3A_72] : memref<8192x128xf32, #tpu.memory_space<hbm>> -> memref<8192x128xf32, #tpu.memory_space<hbm>>
    tpu.enqueue_indirect_dma source(%arg12 : memref<64x128xf32, #tpu.memory_space<vmem>>) target(%dma_start3A_73 : memref<8192x128xf32, #tpu.memory_space<hbm>>) offsets(%arg9 : memref<64xi32, #tpu.memory_space<vmem>>) semaphore(%arg14 : memref<!tpu.dma_semaphore, #tpu.memory_space<semaphore_mem>>)
    %dma_start3A_74 = arith.constant 0 : i32
    %dma_start3A_75 = arith.constant 0 : i32
    %dma_start3A_76 = tpu.memref_slice %arg8[%dma_start3A_74, %dma_start3A_75] : memref<8192x128xf32, #tpu.memory_space<hbm>> -> memref<8192x128xf32, #tpu.memory_space<hbm>>
    tpu.enqueue_indirect_dma source(%arg13 : memref<64x128xf32, #tpu.memory_space<vmem>>) target(%dma_start3A_76 : memref<8192x128xf32, #tpu.memory_space<hbm>>) offsets(%arg10 : memref<64xi32, #tpu.memory_space<vmem>>) semaphore(%arg14 : memref<!tpu.dma_semaphore, #tpu.memory_space<semaphore_mem>>)
    %dma_wait3A_77 = arith.constant 0 : i32
    %dma_wait3A_78 = arith.constant 0 : i32
    %dma_wait3A_79 = tpu.memref_slice %arg7[%dma_wait3A_77, %dma_wait3A_78] : memref<8192x512xi32, #tpu.memory_space<hbm>> -> memref<8192x512xi32, #tpu.memory_space<hbm>>
    tpu.wait_indirect_dma semaphore(%arg15 : memref<!tpu.dma_semaphore, #tpu.memory_space<semaphore_mem>>) src(%arg11 : memref<64x512xi32, #tpu.memory_space<vmem>>) dst(%dma_wait3A_79 : memref<8192x512xi32, #tpu.memory_space<hbm>>)
    %dma_wait3A_80 = arith.constant 0 : i32
    %dma_wait3A_81 = arith.constant 0 : i32
    %dma_wait3A_82 = tpu.memref_slice %arg7[%dma_wait3A_80, %dma_wait3A_81] : memref<8192x512xi32, #tpu.memory_space<hbm>> -> memref<8192x512xi32, #tpu.memory_space<hbm>>
    tpu.wait_indirect_dma semaphore(%arg15 : memref<!tpu.dma_semaphore, #tpu.memory_space<semaphore_mem>>) src(%arg11 : memref<64x512xi32, #tpu.memory_space<vmem>>) dst(%dma_wait3A_82 : memref<8192x512xi32, #tpu.memory_space<hbm>>)
    %dma_wait3A_83 = arith.constant 0 : i32
    %dma_wait3A_84 = arith.constant 0 : i32
    %dma_wait3A_85 = tpu.memref_slice %arg8[%dma_wait3A_83, %dma_wait3A_84] : memref<8192x128xf32, #tpu.memory_space<hbm>> -> memref<8192x128xf32, #tpu.memory_space<hbm>>
    tpu.wait_indirect_dma semaphore(%arg14 : memref<!tpu.dma_semaphore, #tpu.memory_space<semaphore_mem>>) src(%arg12 : memref<64x128xf32, #tpu.memory_space<vmem>>) dst(%dma_wait3A_85 : memref<8192x128xf32, #tpu.memory_space<hbm>>)
    %dma_wait3A_86 = arith.constant 0 : i32
    %dma_wait3A_87 = arith.constant 0 : i32
    %dma_wait3A_88 = tpu.memref_slice %arg8[%dma_wait3A_86, %dma_wait3A_87] : memref<8192x128xf32, #tpu.memory_space<hbm>> -> memref<8192x128xf32, #tpu.memory_space<hbm>>
    tpu.wait_indirect_dma semaphore(%arg14 : memref<!tpu.dma_semaphore, #tpu.memory_space<semaphore_mem>>) src(%arg13 : memref<64x128xf32, #tpu.memory_space<vmem>>) dst(%dma_wait3A_88 : memref<8192x128xf32, #tpu.memory_space<hbm>>)
    return
  }
}

#map = affine_map<(d0, d1) -> (0, 0, 0)>
#map1 = affine_map<(d0, d1) -> (0, 0)>
module attributes {stable_mosaic.version = 14 : i64} {
  func.func @k(%arg0: i32, %arg1: i32, %arg2: memref<32x4x16xi32, #tpu.memory_space<hbm>>, %arg3: memref<32x4x16xi32, #tpu.memory_space<hbm>>, %arg4: memref<8192x1024xf32, #tpu.memory_space<hbm>>, %arg5: memref<2048x1024xf32, #tpu.memory_space<hbm>>, %arg6: memref<4x16xi32, #tpu.memory_space<vmem>>, %arg7: memref<4x16xi32, #tpu.memory_space<vmem>>, %arg8: memref<2x16x1024xf32, #tpu.memory_space<vmem>>, %arg9: memref<2x16x1024xf32, #tpu.memory_space<vmem>>, %arg10: memref<!tpu.dma_semaphore, #tpu.memory_space<semaphore_mem>>, %arg11: memref<!tpu.dma_semaphore, #tpu.memory_space<semaphore_mem>>, %arg12: memref<!tpu.dma_semaphore, #tpu.memory_space<semaphore_mem>>) attributes {dimension_semantics = [#tpu.dimension_semantics<core_parallel>, #tpu.dimension_semantics<subcore_parallel>], iteration_bounds = array<i64: 2, 16>, scalar_prefetch = 0 : i64, scratch_operands = 7 : i64, tpu.core_type = #tpu.core_type<sc_vector_subcore>, window_params = [{transform_indices = #map}, {transform_indices = #map}, {transform_indices = #map1}, {transform_indices = #map1}]} {
    %mul3A = arith.constant 2 : i32
    %mul3A_0 = arith.muli %arg1, %mul3A : i32
    %add3A = arith.addi %mul3A_0, %arg0 : i32
    %mul3A_1 = arith.constant 64 : i32
    %mul3A_2 = arith.muli %add3A, %mul3A_1 : i32
    %dma_start3A = arith.constant 0 : i32
    %dma_start3A_3 = arith.constant 0 : i32
    %dma_start3A_4 = tpu.memref_slice %arg2[%add3A, %dma_start3A, %dma_start3A_3] : memref<32x4x16xi32, #tpu.memory_space<hbm>> -> memref<1x4x16xi32, #tpu.memory_space<hbm>>
    %dma_start3A_5 = tpu.memref_squeeze %dma_start3A_4 : memref<1x4x16xi32, #tpu.memory_space<hbm>> -> memref<4x16xi32, #tpu.memory_space<hbm>>
    %dma_start3A_6 = arith.constant 0 : i32
    %dma_start3A_7 = arith.constant 0 : i32
    %dma_start3A_8 = tpu.memref_slice %arg2[%add3A, %dma_start3A_6, %dma_start3A_7] : memref<32x4x16xi32, #tpu.memory_space<hbm>> -> memref<1x4x16xi32, #tpu.memory_space<hbm>>
    %dma_start3A_9 = tpu.memref_squeeze %dma_start3A_8 : memref<1x4x16xi32, #tpu.memory_space<hbm>> -> memref<4x16xi32, #tpu.memory_space<hbm>>
    tpu.enqueue_dma source(%dma_start3A_9 : memref<4x16xi32, #tpu.memory_space<hbm>>) target(%arg6 : memref<4x16xi32, #tpu.memory_space<vmem>>) target_semaphore(%arg10 : memref<!tpu.dma_semaphore, #tpu.memory_space<semaphore_mem>>)
    %dma_start3A_10 = arith.constant 0 : i32
    %dma_start3A_11 = arith.constant 0 : i32
    %dma_start3A_12 = tpu.memref_slice %arg3[%add3A, %dma_start3A_10, %dma_start3A_11] : memref<32x4x16xi32, #tpu.memory_space<hbm>> -> memref<1x4x16xi32, #tpu.memory_space<hbm>>
    %dma_start3A_13 = tpu.memref_squeeze %dma_start3A_12 : memref<1x4x16xi32, #tpu.memory_space<hbm>> -> memref<4x16xi32, #tpu.memory_space<hbm>>
    %dma_start3A_14 = arith.constant 0 : i32
    %dma_start3A_15 = arith.constant 0 : i32
    %dma_start3A_16 = tpu.memref_slice %arg3[%add3A, %dma_start3A_14, %dma_start3A_15] : memref<32x4x16xi32, #tpu.memory_space<hbm>> -> memref<1x4x16xi32, #tpu.memory_space<hbm>>
    %dma_start3A_17 = tpu.memref_squeeze %dma_start3A_16 : memref<1x4x16xi32, #tpu.memory_space<hbm>> -> memref<4x16xi32, #tpu.memory_space<hbm>>
    tpu.enqueue_dma source(%dma_start3A_17 : memref<4x16xi32, #tpu.memory_space<hbm>>) target(%arg7 : memref<4x16xi32, #tpu.memory_space<vmem>>) target_semaphore(%arg10 : memref<!tpu.dma_semaphore, #tpu.memory_space<semaphore_mem>>)
    %dma_wait3A = arith.constant 0 : i32
    %dma_wait3A_18 = arith.constant 0 : i32
    %dma_wait3A_19 = tpu.memref_slice %arg2[%add3A, %dma_wait3A, %dma_wait3A_18] : memref<32x4x16xi32, #tpu.memory_space<hbm>> -> memref<1x4x16xi32, #tpu.memory_space<hbm>>
    %dma_wait3A_20 = tpu.memref_squeeze %dma_wait3A_19 : memref<1x4x16xi32, #tpu.memory_space<hbm>> -> memref<4x16xi32, #tpu.memory_space<hbm>>
    %dma_wait3A_21 = arith.constant 0 : i32
    %dma_wait3A_22 = arith.constant 0 : i32
    %dma_wait3A_23 = tpu.memref_slice %arg2[%add3A, %dma_wait3A_21, %dma_wait3A_22] : memref<32x4x16xi32, #tpu.memory_space<hbm>> -> memref<1x4x16xi32, #tpu.memory_space<hbm>>
    %dma_wait3A_24 = tpu.memref_squeeze %dma_wait3A_23 : memref<1x4x16xi32, #tpu.memory_space<hbm>> -> memref<4x16xi32, #tpu.memory_space<hbm>>
    tpu.wait_dma2 semaphore(%arg10 : memref<!tpu.dma_semaphore, #tpu.memory_space<semaphore_mem>>) src(%dma_wait3A_24 : memref<4x16xi32, #tpu.memory_space<hbm>>) dst(%arg6 : memref<4x16xi32, #tpu.memory_space<vmem>>)
    %dma_wait3A_25 = arith.constant 0 : i32
    %dma_wait3A_26 = arith.constant 0 : i32
    %dma_wait3A_27 = tpu.memref_slice %arg3[%add3A, %dma_wait3A_25, %dma_wait3A_26] : memref<32x4x16xi32, #tpu.memory_space<hbm>> -> memref<1x4x16xi32, #tpu.memory_space<hbm>>
    %dma_wait3A_28 = tpu.memref_squeeze %dma_wait3A_27 : memref<1x4x16xi32, #tpu.memory_space<hbm>> -> memref<4x16xi32, #tpu.memory_space<hbm>>
    %dma_wait3A_29 = arith.constant 0 : i32
    %dma_wait3A_30 = arith.constant 0 : i32
    %dma_wait3A_31 = tpu.memref_slice %arg3[%add3A, %dma_wait3A_29, %dma_wait3A_30] : memref<32x4x16xi32, #tpu.memory_space<hbm>> -> memref<1x4x16xi32, #tpu.memory_space<hbm>>
    %dma_wait3A_32 = tpu.memref_squeeze %dma_wait3A_31 : memref<1x4x16xi32, #tpu.memory_space<hbm>> -> memref<4x16xi32, #tpu.memory_space<hbm>>
    tpu.wait_dma2 semaphore(%arg10 : memref<!tpu.dma_semaphore, #tpu.memory_space<semaphore_mem>>) src(%dma_wait3A_32 : memref<4x16xi32, #tpu.memory_space<hbm>>) dst(%arg7 : memref<4x16xi32, #tpu.memory_space<vmem>>)
    %dma_start3A_33 = arith.constant 0 : i32
    %dma_start3A_34 = arith.constant 0 : i32
    %dma_start3A_35 = arith.constant 0 : i32
    %dma_start3A_36 = arith.constant 0 : i32
    %dma_start3A_37 = tpu.memref_slice %arg8[%dma_start3A_34, %dma_start3A_35, %dma_start3A_36] : memref<2x16x1024xf32, #tpu.memory_space<vmem>> -> memref<1x16x1024xf32, #tpu.memory_space<vmem>>
    %dma_start3A_38 = tpu.memref_squeeze %dma_start3A_37 : memref<1x16x1024xf32, #tpu.memory_space<vmem>> -> memref<16x1024xf32, #tpu.memory_space<vmem>>
    %dma_start3A_39 = arith.constant 0 : i32
    %dma_start3A_40 = tpu.memref_slice %arg6[%dma_start3A_33, %dma_start3A_39] : memref<4x16xi32, #tpu.memory_space<vmem>> -> memref<1x16xi32, #tpu.memory_space<vmem>>
    %dma_start3A_41 = tpu.memref_squeeze %dma_start3A_40 : memref<1x16xi32, #tpu.memory_space<vmem>> -> memref<16xi32, #tpu.memory_space<vmem>>
    %dma_start3A_42 = arith.constant 0 : i32
    %dma_start3A_43 = arith.constant 0 : i32
    %dma_start3A_44 = tpu.memref_slice %arg4[%dma_start3A_42, %dma_start3A_43] : memref<8192x1024xf32, #tpu.memory_space<hbm>> -> memref<8192x1024xf32, #tpu.memory_space<hbm>>
    tpu.enqueue_indirect_dma source(%dma_start3A_44 : memref<8192x1024xf32, #tpu.memory_space<hbm>>) target(%dma_start3A_38 : memref<16x1024xf32, #tpu.memory_space<vmem>>) offsets(%dma_start3A_41 : memref<16xi32, #tpu.memory_space<vmem>>) semaphore(%arg11 : memref<!tpu.dma_semaphore, #tpu.memory_space<semaphore_mem>>)
    %dma_start3A_45 = arith.constant 0 : i32
    %dma_start3A_46 = arith.constant 0 : i32
    %dma_start3A_47 = arith.constant 0 : i32
    %dma_start3A_48 = arith.constant 0 : i32
    %dma_start3A_49 = tpu.memref_slice %arg9[%dma_start3A_46, %dma_start3A_47, %dma_start3A_48] : memref<2x16x1024xf32, #tpu.memory_space<vmem>> -> memref<1x16x1024xf32, #tpu.memory_space<vmem>>
    %dma_start3A_50 = tpu.memref_squeeze %dma_start3A_49 : memref<1x16x1024xf32, #tpu.memory_space<vmem>> -> memref<16x1024xf32, #tpu.memory_space<vmem>>
    %dma_start3A_51 = arith.constant 0 : i32
    %dma_start3A_52 = tpu.memref_slice %arg7[%dma_start3A_45, %dma_start3A_51] : memref<4x16xi32, #tpu.memory_space<vmem>> -> memref<1x16xi32, #tpu.memory_space<vmem>>
    %dma_start3A_53 = tpu.memref_squeeze %dma_start3A_52 : memref<1x16xi32, #tpu.memory_space<vmem>> -> memref<16xi32, #tpu.memory_space<vmem>>
    %dma_start3A_54 = arith.constant 0 : i32
    %dma_start3A_55 = arith.constant 0 : i32
    %dma_start3A_56 = tpu.memref_slice %arg4[%dma_start3A_54, %dma_start3A_55] : memref<8192x1024xf32, #tpu.memory_space<hbm>> -> memref<8192x1024xf32, #tpu.memory_space<hbm>>
    tpu.enqueue_indirect_dma source(%dma_start3A_56 : memref<8192x1024xf32, #tpu.memory_space<hbm>>) target(%dma_start3A_50 : memref<16x1024xf32, #tpu.memory_space<vmem>>) offsets(%dma_start3A_53 : memref<16xi32, #tpu.memory_space<vmem>>) semaphore(%arg11 : memref<!tpu.dma_semaphore, #tpu.memory_space<semaphore_mem>>)
    %dma_wait3A_57 = arith.constant 0 : i32
    %dma_wait3A_58 = arith.constant 0 : i32
    %dma_wait3A_59 = arith.constant 0 : i32
    %dma_wait3A_60 = arith.constant 0 : i32
    %dma_wait3A_61 = tpu.memref_slice %arg8[%dma_wait3A_58, %dma_wait3A_59, %dma_wait3A_60] : memref<2x16x1024xf32, #tpu.memory_space<vmem>> -> memref<1x16x1024xf32, #tpu.memory_space<vmem>>
    %dma_wait3A_62 = tpu.memref_squeeze %dma_wait3A_61 : memref<1x16x1024xf32, #tpu.memory_space<vmem>> -> memref<16x1024xf32, #tpu.memory_space<vmem>>
    %dma_wait3A_63 = arith.constant 0 : i32
    %dma_wait3A_64 = tpu.memref_slice %arg6[%dma_wait3A_57, %dma_wait3A_63] : memref<4x16xi32, #tpu.memory_space<vmem>> -> memref<1x16xi32, #tpu.memory_space<vmem>>
    %dma_wait3A_65 = tpu.memref_squeeze %dma_wait3A_64 : memref<1x16xi32, #tpu.memory_space<vmem>> -> memref<16xi32, #tpu.memory_space<vmem>>
    %dma_wait3A_66 = arith.constant 0 : i32
    %dma_wait3A_67 = arith.constant 0 : i32
    %dma_wait3A_68 = tpu.memref_slice %arg4[%dma_wait3A_66, %dma_wait3A_67] : memref<8192x1024xf32, #tpu.memory_space<hbm>> -> memref<8192x1024xf32, #tpu.memory_space<hbm>>
    tpu.wait_indirect_dma semaphore(%arg11 : memref<!tpu.dma_semaphore, #tpu.memory_space<semaphore_mem>>) src(%dma_wait3A_68 : memref<8192x1024xf32, #tpu.memory_space<hbm>>) dst(%dma_wait3A_62 : memref<16x1024xf32, #tpu.memory_space<vmem>>)
    %dma_wait3A_69 = arith.constant 0 : i32
    %dma_wait3A_70 = arith.constant 0 : i32
    %dma_wait3A_71 = arith.constant 0 : i32
    %dma_wait3A_72 = arith.constant 0 : i32
    %dma_wait3A_73 = tpu.memref_slice %arg9[%dma_wait3A_70, %dma_wait3A_71, %dma_wait3A_72] : memref<2x16x1024xf32, #tpu.memory_space<vmem>> -> memref<1x16x1024xf32, #tpu.memory_space<vmem>>
    %dma_wait3A_74 = tpu.memref_squeeze %dma_wait3A_73 : memref<1x16x1024xf32, #tpu.memory_space<vmem>> -> memref<16x1024xf32, #tpu.memory_space<vmem>>
    %dma_wait3A_75 = arith.constant 0 : i32
    %dma_wait3A_76 = tpu.memref_slice %arg7[%dma_wait3A_69, %dma_wait3A_75] : memref<4x16xi32, #tpu.memory_space<vmem>> -> memref<1x16xi32, #tpu.memory_space<vmem>>
    %dma_wait3A_77 = tpu.memref_squeeze %dma_wait3A_76 : memref<1x16xi32, #tpu.memory_space<vmem>> -> memref<16xi32, #tpu.memory_space<vmem>>
    %dma_wait3A_78 = arith.constant 0 : i32
    %dma_wait3A_79 = arith.constant 0 : i32
    %dma_wait3A_80 = tpu.memref_slice %arg4[%dma_wait3A_78, %dma_wait3A_79] : memref<8192x1024xf32, #tpu.memory_space<hbm>> -> memref<8192x1024xf32, #tpu.memory_space<hbm>>
    tpu.wait_indirect_dma semaphore(%arg11 : memref<!tpu.dma_semaphore, #tpu.memory_space<semaphore_mem>>) src(%dma_wait3A_80 : memref<8192x1024xf32, #tpu.memory_space<hbm>>) dst(%dma_wait3A_74 : memref<16x1024xf32, #tpu.memory_space<vmem>>)
    %dma_start3A_81 = arith.constant 1 : i32
    %dma_start3A_82 = arith.constant 1 : i32
    %dma_start3A_83 = arith.constant 0 : i32
    %dma_start3A_84 = arith.constant 0 : i32
    %dma_start3A_85 = tpu.memref_slice %arg8[%dma_start3A_82, %dma_start3A_83, %dma_start3A_84] : memref<2x16x1024xf32, #tpu.memory_space<vmem>> -> memref<1x16x1024xf32, #tpu.memory_space<vmem>>
    %dma_start3A_86 = tpu.memref_squeeze %dma_start3A_85 : memref<1x16x1024xf32, #tpu.memory_space<vmem>> -> memref<16x1024xf32, #tpu.memory_space<vmem>>
    %dma_start3A_87 = arith.constant 0 : i32
    %dma_start3A_88 = tpu.memref_slice %arg6[%dma_start3A_81, %dma_start3A_87] : memref<4x16xi32, #tpu.memory_space<vmem>> -> memref<1x16xi32, #tpu.memory_space<vmem>>
    %dma_start3A_89 = tpu.memref_squeeze %dma_start3A_88 : memref<1x16xi32, #tpu.memory_space<vmem>> -> memref<16xi32, #tpu.memory_space<vmem>>
    %dma_start3A_90 = arith.constant 0 : i32
    %dma_start3A_91 = arith.constant 0 : i32
    %dma_start3A_92 = tpu.memref_slice %arg4[%dma_start3A_90, %dma_start3A_91] : memref<8192x1024xf32, #tpu.memory_space<hbm>> -> memref<8192x1024xf32, #tpu.memory_space<hbm>>
    tpu.enqueue_indirect_dma source(%dma_start3A_92 : memref<8192x1024xf32, #tpu.memory_space<hbm>>) target(%dma_start3A_86 : memref<16x1024xf32, #tpu.memory_space<vmem>>) offsets(%dma_start3A_89 : memref<16xi32, #tpu.memory_space<vmem>>) semaphore(%arg11 : memref<!tpu.dma_semaphore, #tpu.memory_space<semaphore_mem>>)
    %dma_start3A_93 = arith.constant 1 : i32
    %dma_start3A_94 = arith.constant 1 : i32
    %dma_start3A_95 = arith.constant 0 : i32
    %dma_start3A_96 = arith.constant 0 : i32
    %dma_start3A_97 = tpu.memref_slice %arg9[%dma_start3A_94, %dma_start3A_95, %dma_start3A_96] : memref<2x16x1024xf32, #tpu.memory_space<vmem>> -> memref<1x16x1024xf32, #tpu.memory_space<vmem>>
    %dma_start3A_98 = tpu.memref_squeeze %dma_start3A_97 : memref<1x16x1024xf32, #tpu.memory_space<vmem>> -> memref<16x1024xf32, #tpu.memory_space<vmem>>
    %dma_start3A_99 = arith.constant 0 : i32
    %dma_start3A_100 = tpu.memref_slice %arg7[%dma_start3A_93, %dma_start3A_99] : memref<4x16xi32, #tpu.memory_space<vmem>> -> memref<1x16xi32, #tpu.memory_space<vmem>>
    %dma_start3A_101 = tpu.memref_squeeze %dma_start3A_100 : memref<1x16xi32, #tpu.memory_space<vmem>> -> memref<16xi32, #tpu.memory_space<vmem>>
    %dma_start3A_102 = arith.constant 0 : i32
    %dma_start3A_103 = arith.constant 0 : i32
    %dma_start3A_104 = tpu.memref_slice %arg4[%dma_start3A_102, %dma_start3A_103] : memref<8192x1024xf32, #tpu.memory_space<hbm>> -> memref<8192x1024xf32, #tpu.memory_space<hbm>>
    tpu.enqueue_indirect_dma source(%dma_start3A_104 : memref<8192x1024xf32, #tpu.memory_space<hbm>>) target(%dma_start3A_98 : memref<16x1024xf32, #tpu.memory_space<vmem>>) offsets(%dma_start3A_101 : memref<16xi32, #tpu.memory_space<vmem>>) semaphore(%arg11 : memref<!tpu.dma_semaphore, #tpu.memory_space<semaphore_mem>>)
    %scan3A = arith.constant 0 : i32
    %scan3A_105 = arith.constant 0 : i32
    %scan3A_106 = arith.constant 16 : i32
    %scan3A_107 = arith.addi %scan3A_105, %scan3A_106 : i32
    %scan3A_108 = arith.constant 1 : i32
    scf.for %scan3A_368 = %scan3A_105 to %scan3A_107 step %scan3A_108  : i32 {
      %scan3A_369 = arith.constant 0 : i32
      %scan3A_370 = arith.constant 0 : i32
      %scan3A_371 = arith.constant 64 : i32
      %scan3A_372 = arith.addi %scan3A_370, %scan3A_371 : i32
      %scan3A_373 = arith.constant 1 : i32
      scf.for %scan3A_375 = %scan3A_370 to %scan3A_372 step %scan3A_373  : i32 {
        %mul3A_376 = arith.constant 16 : i32
        %mul3A_377 = arith.muli %scan3A_375, %mul3A_376 : i32
        %get3A = arith.constant 0 : i32
        %get3A_378 = arith.index_cast %get3A : i32 to index
        %get3A_379 = arith.index_cast %scan3A_368 : i32 to index
        %get3A_380 = arith.index_cast %mul3A_377 : i32 to index
        %get3A_381 = tpu.vector_load %arg8[%get3A_378, %get3A_379, %get3A_380] {strides = array<i32>} : memref<2x16x1024xf32, #tpu.memory_space<vmem>>, vector<1x1x16xf32>,
        %get3A_382 = vector.shape_cast %get3A_381 : vector<1x1x16xf32> to vector<16xf32>
        %get3A_383 = arith.constant 0 : i32
        %get3A_384 = arith.index_cast %get3A_383 : i32 to index
        %get3A_385 = arith.index_cast %scan3A_368 : i32 to index
        %get3A_386 = arith.index_cast %mul3A_377 : i32 to index
        %get3A_387 = tpu.vector_load %arg9[%get3A_384, %get3A_385, %get3A_386] {strides = array<i32>} : memref<2x16x1024xf32, #tpu.memory_space<vmem>>, vector<1x1x16xf32>,
        %get3A_388 = vector.shape_cast %get3A_387 : vector<1x1x16xf32> to vector<16xf32>
        %add3A_389 = arith.addf %get3A_382, %get3A_388 : vector<16xf32>
        %swap3A = arith.constant 0 : i32
        %swap3A_390 = arith.index_cast %swap3A : i32 to index
        %swap3A_391 = arith.index_cast %scan3A_368 : i32 to index
        %swap3A_392 = arith.index_cast %mul3A_377 : i32 to index
        %swap3A_393 = tpu.vector_load %arg8[%swap3A_390, %swap3A_391, %swap3A_392] {strides = array<i32>} : memref<2x16x1024xf32, #tpu.memory_space<vmem>>, vector<1x1x16xf32>,
        %swap3A_394 = vector.shape_cast %swap3A_393 : vector<1x1x16xf32> to vector<16xf32>
        %swap3A_395 = vector.shape_cast %add3A_389 : vector<16xf32> to vector<1x1x16xf32>
        tpu.vector_store %arg8[%swap3A_390, %swap3A_391, %swap3A_392], %swap3A_395 {strides = array<i32>} : memref<2x16x1024xf32, #tpu.memory_space<vmem>>, vector<1x1x16xf32>,
      }
      %scan3A_374 = arith.constant 64 : i32
    }
    %scan3A_109 = arith.constant 16 : i32
    %add3A_110 = arith.constant 0 : i32
    %add3A_111 = arith.addi %mul3A_2, %add3A_110 : i32
    %dma_start3A_112 = arith.constant 0 : i32
    %dma_start3A_113 = arith.constant 0 : i32
    %dma_start3A_114 = arith.constant 0 : i32
    %dma_start3A_115 = tpu.memref_slice %arg8[%dma_start3A_112, %dma_start3A_113, %dma_start3A_114] : memref<2x16x1024xf32, #tpu.memory_space<vmem>> -> memref<1x16x1024xf32, #tpu.memory_space<vmem>>
    %dma_start3A_116 = tpu.memref_squeeze %dma_start3A_115 : memref<1x16x1024xf32, #tpu.memory_space<vmem>> -> memref<16x1024xf32, #tpu.memory_space<vmem>>
    %dma_start3A_117 = arith.constant 0 : i32
    %dma_start3A_118 = tpu.memref_slice %arg5[%add3A_111, %dma_start3A_117] : memref<2048x1024xf32, #tpu.memory_space<hbm>> -> memref<16x1024xf32, #tpu.memory_space<hbm>>
    %dma_start3A_119 = arith.constant 0 : i32
    %dma_start3A_120 = tpu.memref_slice %arg5[%add3A_111, %dma_start3A_119] : memref<2048x1024xf32, #tpu.memory_space<hbm>> -> memref<16x1024xf32, #tpu.memory_space<hbm>>
    %dma_start3A_121 = arith.constant 0 : i32
    %dma_start3A_122 = arith.constant 0 : i32
    %dma_start3A_123 = tpu.memref_slice %arg8[%dma_start3A_112, %dma_start3A_121, %dma_start3A_122] : memref<2x16x1024xf32, #tpu.memory_space<vmem>> -> memref<1x16x1024xf32, #tpu.memory_space<vmem>>
    %dma_start3A_124 = tpu.memref_squeeze %dma_start3A_123 : memref<1x16x1024xf32, #tpu.memory_space<vmem>> -> memref<16x1024xf32, #tpu.memory_space<vmem>>
    tpu.enqueue_dma source(%dma_start3A_124 : memref<16x1024xf32, #tpu.memory_space<vmem>>) target(%dma_start3A_120 : memref<16x1024xf32, #tpu.memory_space<hbm>>) target_semaphore(%arg12 : memref<!tpu.dma_semaphore, #tpu.memory_space<semaphore_mem>>)
    %dma_wait3A_125 = arith.constant 1 : i32
    %dma_wait3A_126 = arith.constant 1 : i32
    %dma_wait3A_127 = arith.constant 0 : i32
    %dma_wait3A_128 = arith.constant 0 : i32
    %dma_wait3A_129 = tpu.memref_slice %arg8[%dma_wait3A_126, %dma_wait3A_127, %dma_wait3A_128] : memref<2x16x1024xf32, #tpu.memory_space<vmem>> -> memref<1x16x1024xf32, #tpu.memory_space<vmem>>
    %dma_wait3A_130 = tpu.memref_squeeze %dma_wait3A_129 : memref<1x16x1024xf32, #tpu.memory_space<vmem>> -> memref<16x1024xf32, #tpu.memory_space<vmem>>
    %dma_wait3A_131 = arith.constant 0 : i32
    %dma_wait3A_132 = tpu.memref_slice %arg6[%dma_wait3A_125, %dma_wait3A_131] : memref<4x16xi32, #tpu.memory_space<vmem>> -> memref<1x16xi32, #tpu.memory_space<vmem>>
    %dma_wait3A_133 = tpu.memref_squeeze %dma_wait3A_132 : memref<1x16xi32, #tpu.memory_space<vmem>> -> memref<16xi32, #tpu.memory_space<vmem>>
    %dma_wait3A_134 = arith.constant 0 : i32
    %dma_wait3A_135 = arith.constant 0 : i32
    %dma_wait3A_136 = tpu.memref_slice %arg4[%dma_wait3A_134, %dma_wait3A_135] : memref<8192x1024xf32, #tpu.memory_space<hbm>> -> memref<8192x1024xf32, #tpu.memory_space<hbm>>
    tpu.wait_indirect_dma semaphore(%arg11 : memref<!tpu.dma_semaphore, #tpu.memory_space<semaphore_mem>>) src(%dma_wait3A_136 : memref<8192x1024xf32, #tpu.memory_space<hbm>>) dst(%dma_wait3A_130 : memref<16x1024xf32, #tpu.memory_space<vmem>>)
    %dma_wait3A_137 = arith.constant 1 : i32
    %dma_wait3A_138 = arith.constant 1 : i32
    %dma_wait3A_139 = arith.constant 0 : i32
    %dma_wait3A_140 = arith.constant 0 : i32
    %dma_wait3A_141 = tpu.memref_slice %arg9[%dma_wait3A_138, %dma_wait3A_139, %dma_wait3A_140] : memref<2x16x1024xf32, #tpu.memory_space<vmem>> -> memref<1x16x1024xf32, #tpu.memory_space<vmem>>
    %dma_wait3A_142 = tpu.memref_squeeze %dma_wait3A_141 : memref<1x16x1024xf32, #tpu.memory_space<vmem>> -> memref<16x1024xf32, #tpu.memory_space<vmem>>
    %dma_wait3A_143 = arith.constant 0 : i32
    %dma_wait3A_144 = tpu.memref_slice %arg7[%dma_wait3A_137, %dma_wait3A_143] : memref<4x16xi32, #tpu.memory_space<vmem>> -> memref<1x16xi32, #tpu.memory_space<vmem>>
    %dma_wait3A_145 = tpu.memref_squeeze %dma_wait3A_144 : memref<1x16xi32, #tpu.memory_space<vmem>> -> memref<16xi32, #tpu.memory_space<vmem>>
    %dma_wait3A_146 = arith.constant 0 : i32
    %dma_wait3A_147 = arith.constant 0 : i32
    %dma_wait3A_148 = tpu.memref_slice %arg4[%dma_wait3A_146, %dma_wait3A_147] : memref<8192x1024xf32, #tpu.memory_space<hbm>> -> memref<8192x1024xf32, #tpu.memory_space<hbm>>
    tpu.wait_indirect_dma semaphore(%arg11 : memref<!tpu.dma_semaphore, #tpu.memory_space<semaphore_mem>>) src(%dma_wait3A_148 : memref<8192x1024xf32, #tpu.memory_space<hbm>>) dst(%dma_wait3A_142 : memref<16x1024xf32, #tpu.memory_space<vmem>>)
    %add3A_149 = arith.constant 0 : i32
    %add3A_150 = arith.addi %mul3A_2, %add3A_149 : i32
    %dma_wait3A_151 = arith.constant 0 : i32
    %dma_wait3A_152 = arith.constant 0 : i32
    %dma_wait3A_153 = arith.constant 0 : i32
    %dma_wait3A_154 = tpu.memref_slice %arg8[%dma_wait3A_151, %dma_wait3A_152, %dma_wait3A_153] : memref<2x16x1024xf32, #tpu.memory_space<vmem>> -> memref<1x16x1024xf32, #tpu.memory_space<vmem>>
    %dma_wait3A_155 = tpu.memref_squeeze %dma_wait3A_154 : memref<1x16x1024xf32, #tpu.memory_space<vmem>> -> memref<16x1024xf32, #tpu.memory_space<vmem>>
    %dma_wait3A_156 = arith.constant 0 : i32
    %dma_wait3A_157 = tpu.memref_slice %arg5[%add3A_150, %dma_wait3A_156] : memref<2048x1024xf32, #tpu.memory_space<hbm>> -> memref<16x1024xf32, #tpu.memory_space<hbm>>
    %dma_wait3A_158 = arith.constant 0 : i32
    %dma_wait3A_159 = tpu.memref_slice %arg5[%add3A_150, %dma_wait3A_158] : memref<2048x1024xf32, #tpu.memory_space<hbm>> -> memref<16x1024xf32, #tpu.memory_space<hbm>>
    %dma_wait3A_160 = arith.constant 0 : i32
    %dma_wait3A_161 = arith.constant 0 : i32
    %dma_wait3A_162 = tpu.memref_slice %arg8[%dma_wait3A_151, %dma_wait3A_160, %dma_wait3A_161] : memref<2x16x1024xf32, #tpu.memory_space<vmem>> -> memref<1x16x1024xf32, #tpu.memory_space<vmem>>
    %dma_wait3A_163 = tpu.memref_squeeze %dma_wait3A_162 : memref<1x16x1024xf32, #tpu.memory_space<vmem>> -> memref<16x1024xf32, #tpu.memory_space<vmem>>
    tpu.wait_dma2 semaphore(%arg12 : memref<!tpu.dma_semaphore, #tpu.memory_space<semaphore_mem>>) src(%dma_wait3A_163 : memref<16x1024xf32, #tpu.memory_space<vmem>>) dst(%dma_wait3A_159 : memref<16x1024xf32, #tpu.memory_space<hbm>>)
    %dma_start3A_164 = arith.constant 2 : i32
    %dma_start3A_165 = arith.constant 0 : i32
    %dma_start3A_166 = arith.constant 0 : i32
    %dma_start3A_167 = arith.constant 0 : i32
    %dma_start3A_168 = tpu.memref_slice %arg8[%dma_start3A_165, %dma_start3A_166, %dma_start3A_167] : memref<2x16x1024xf32, #tpu.memory_space<vmem>> -> memref<1x16x1024xf32, #tpu.memory_space<vmem>>
    %dma_start3A_169 = tpu.memref_squeeze %dma_start3A_168 : memref<1x16x1024xf32, #tpu.memory_space<vmem>> -> memref<16x1024xf32, #tpu.memory_space<vmem>>
    %dma_start3A_170 = arith.constant 0 : i32
    %dma_start3A_171 = tpu.memref_slice %arg6[%dma_start3A_164, %dma_start3A_170] : memref<4x16xi32, #tpu.memory_space<vmem>> -> memref<1x16xi32, #tpu.memory_space<vmem>>
    %dma_start3A_172 = tpu.memref_squeeze %dma_start3A_171 : memref<1x16xi32, #tpu.memory_space<vmem>> -> memref<16xi32, #tpu.memory_space<vmem>>
    %dma_start3A_173 = arith.constant 0 : i32
    %dma_start3A_174 = arith.constant 0 : i32
    %dma_start3A_175 = tpu.memref_slice %arg4[%dma_start3A_173, %dma_start3A_174] : memref<8192x1024xf32, #tpu.memory_space<hbm>> -> memref<8192x1024xf32, #tpu.memory_space<hbm>>
    tpu.enqueue_indirect_dma source(%dma_start3A_175 : memref<8192x1024xf32, #tpu.memory_space<hbm>>) target(%dma_start3A_169 : memref<16x1024xf32, #tpu.memory_space<vmem>>) offsets(%dma_start3A_172 : memref<16xi32, #tpu.memory_space<vmem>>) semaphore(%arg11 : memref<!tpu.dma_semaphore, #tpu.memory_space<semaphore_mem>>)
    %dma_start3A_176 = arith.constant 2 : i32
    %dma_start3A_177 = arith.constant 0 : i32
    %dma_start3A_178 = arith.constant 0 : i32
    %dma_start3A_179 = arith.constant 0 : i32
    %dma_start3A_180 = tpu.memref_slice %arg9[%dma_start3A_177, %dma_start3A_178, %dma_start3A_179] : memref<2x16x1024xf32, #tpu.memory_space<vmem>> -> memref<1x16x1024xf32, #tpu.memory_space<vmem>>
    %dma_start3A_181 = tpu.memref_squeeze %dma_start3A_180 : memref<1x16x1024xf32, #tpu.memory_space<vmem>> -> memref<16x1024xf32, #tpu.memory_space<vmem>>
    %dma_start3A_182 = arith.constant 0 : i32
    %dma_start3A_183 = tpu.memref_slice %arg7[%dma_start3A_176, %dma_start3A_182] : memref<4x16xi32, #tpu.memory_space<vmem>> -> memref<1x16xi32, #tpu.memory_space<vmem>>
    %dma_start3A_184 = tpu.memref_squeeze %dma_start3A_183 : memref<1x16xi32, #tpu.memory_space<vmem>> -> memref<16xi32, #tpu.memory_space<vmem>>
    %dma_start3A_185 = arith.constant 0 : i32
    %dma_start3A_186 = arith.constant 0 : i32
    %dma_start3A_187 = tpu.memref_slice %arg4[%dma_start3A_185, %dma_start3A_186] : memref<8192x1024xf32, #tpu.memory_space<hbm>> -> memref<8192x1024xf32, #tpu.memory_space<hbm>>
    tpu.enqueue_indirect_dma source(%dma_start3A_187 : memref<8192x1024xf32, #tpu.memory_space<hbm>>) target(%dma_start3A_181 : memref<16x1024xf32, #tpu.memory_space<vmem>>) offsets(%dma_start3A_184 : memref<16xi32, #tpu.memory_space<vmem>>) semaphore(%arg11 : memref<!tpu.dma_semaphore, #tpu.memory_space<semaphore_mem>>)
    %scan3A_188 = arith.constant 0 : i32
    %scan3A_189 = arith.constant 0 : i32
    %scan3A_190 = arith.constant 16 : i32
    %scan3A_191 = arith.addi %scan3A_189, %scan3A_190 : i32
    %scan3A_192 = arith.constant 1 : i32
    scf.for %scan3A_368 = %scan3A_189 to %scan3A_191 step %scan3A_192  : i32 {
      %scan3A_369 = arith.constant 0 : i32
      %scan3A_370 = arith.constant 0 : i32
      %scan3A_371 = arith.constant 64 : i32
      %scan3A_372 = arith.addi %scan3A_370, %scan3A_371 : i32
      %scan3A_373 = arith.constant 1 : i32
      scf.for %scan3A_375 = %scan3A_370 to %scan3A_372 step %scan3A_373  : i32 {
        %mul3A_376 = arith.constant 16 : i32
        %mul3A_377 = arith.muli %scan3A_375, %mul3A_376 : i32
        %get3A = arith.constant 1 : i32
        %get3A_378 = arith.index_cast %get3A : i32 to index
        %get3A_379 = arith.index_cast %scan3A_368 : i32 to index
        %get3A_380 = arith.index_cast %mul3A_377 : i32 to index
        %get3A_381 = tpu.vector_load %arg8[%get3A_378, %get3A_379, %get3A_380] {strides = array<i32>} : memref<2x16x1024xf32, #tpu.memory_space<vmem>>, vector<1x1x16xf32>,
        %get3A_382 = vector.shape_cast %get3A_381 : vector<1x1x16xf32> to vector<16xf32>
        %get3A_383 = arith.constant 1 : i32
        %get3A_384 = arith.index_cast %get3A_383 : i32 to index
        %get3A_385 = arith.index_cast %scan3A_368 : i32 to index
        %get3A_386 = arith.index_cast %mul3A_377 : i32 to index
        %get3A_387 = tpu.vector_load %arg9[%get3A_384, %get3A_385, %get3A_386] {strides = array<i32>} : memref<2x16x1024xf32, #tpu.memory_space<vmem>>, vector<1x1x16xf32>,
        %get3A_388 = vector.shape_cast %get3A_387 : vector<1x1x16xf32> to vector<16xf32>
        %add3A_389 = arith.addf %get3A_382, %get3A_388 : vector<16xf32>
        %swap3A = arith.constant 1 : i32
        %swap3A_390 = arith.index_cast %swap3A : i32 to index
        %swap3A_391 = arith.index_cast %scan3A_368 : i32 to index
        %swap3A_392 = arith.index_cast %mul3A_377 : i32 to index
        %swap3A_393 = tpu.vector_load %arg8[%swap3A_390, %swap3A_391, %swap3A_392] {strides = array<i32>} : memref<2x16x1024xf32, #tpu.memory_space<vmem>>, vector<1x1x16xf32>,
        %swap3A_394 = vector.shape_cast %swap3A_393 : vector<1x1x16xf32> to vector<16xf32>
        %swap3A_395 = vector.shape_cast %add3A_389 : vector<16xf32> to vector<1x1x16xf32>
        tpu.vector_store %arg8[%swap3A_390, %swap3A_391, %swap3A_392], %swap3A_395 {strides = array<i32>} : memref<2x16x1024xf32, #tpu.memory_space<vmem>>, vector<1x1x16xf32>,
      }
      %scan3A_374 = arith.constant 64 : i32
    }
    %scan3A_193 = arith.constant 16 : i32
    %add3A_194 = arith.constant 16 : i32
    %add3A_195 = arith.addi %mul3A_2, %add3A_194 : i32
    %dma_start3A_196 = arith.constant 1 : i32
    %dma_start3A_197 = arith.constant 0 : i32
    %dma_start3A_198 = arith.constant 0 : i32
    %dma_start3A_199 = tpu.memref_slice %arg8[%dma_start3A_196, %dma_start3A_197, %dma_start3A_198] : memref<2x16x1024xf32, #tpu.memory_space<vmem>> -> memref<1x16x1024xf32, #tpu.memory_space<vmem>>
    %dma_start3A_200 = tpu.memref_squeeze %dma_start3A_199 : memref<1x16x1024xf32, #tpu.memory_space<vmem>> -> memref<16x1024xf32, #tpu.memory_space<vmem>>
    %dma_start3A_201 = arith.constant 0 : i32
    %dma_start3A_202 = tpu.memref_slice %arg5[%add3A_195, %dma_start3A_201] : memref<2048x1024xf32, #tpu.memory_space<hbm>> -> memref<16x1024xf32, #tpu.memory_space<hbm>>
    %dma_start3A_203 = arith.constant 0 : i32
    %dma_start3A_204 = tpu.memref_slice %arg5[%add3A_195, %dma_start3A_203] : memref<2048x1024xf32, #tpu.memory_space<hbm>> -> memref<16x1024xf32, #tpu.memory_space<hbm>>
    %dma_start3A_205 = arith.constant 0 : i32
    %dma_start3A_206 = arith.constant 0 : i32
    %dma_start3A_207 = tpu.memref_slice %arg8[%dma_start3A_196, %dma_start3A_205, %dma_start3A_206] : memref<2x16x1024xf32, #tpu.memory_space<vmem>> -> memref<1x16x1024xf32, #tpu.memory_space<vmem>>
    %dma_start3A_208 = tpu.memref_squeeze %dma_start3A_207 : memref<1x16x1024xf32, #tpu.memory_space<vmem>> -> memref<16x1024xf32, #tpu.memory_space<vmem>>
    tpu.enqueue_dma source(%dma_start3A_208 : memref<16x1024xf32, #tpu.memory_space<vmem>>) target(%dma_start3A_204 : memref<16x1024xf32, #tpu.memory_space<hbm>>) target_semaphore(%arg12 : memref<!tpu.dma_semaphore, #tpu.memory_space<semaphore_mem>>)
    %dma_wait3A_209 = arith.constant 2 : i32
    %dma_wait3A_210 = arith.constant 0 : i32
    %dma_wait3A_211 = arith.constant 0 : i32
    %dma_wait3A_212 = arith.constant 0 : i32
    %dma_wait3A_213 = tpu.memref_slice %arg8[%dma_wait3A_210, %dma_wait3A_211, %dma_wait3A_212] : memref<2x16x1024xf32, #tpu.memory_space<vmem>> -> memref<1x16x1024xf32, #tpu.memory_space<vmem>>
    %dma_wait3A_214 = tpu.memref_squeeze %dma_wait3A_213 : memref<1x16x1024xf32, #tpu.memory_space<vmem>> -> memref<16x1024xf32, #tpu.memory_space<vmem>>
    %dma_wait3A_215 = arith.constant 0 : i32
    %dma_wait3A_216 = tpu.memref_slice %arg6[%dma_wait3A_209, %dma_wait3A_215] : memref<4x16xi32, #tpu.memory_space<vmem>> -> memref<1x16xi32, #tpu.memory_space<vmem>>
    %dma_wait3A_217 = tpu.memref_squeeze %dma_wait3A_216 : memref<1x16xi32, #tpu.memory_space<vmem>> -> memref<16xi32, #tpu.memory_space<vmem>>
    %dma_wait3A_218 = arith.constant 0 : i32
    %dma_wait3A_219 = arith.constant 0 : i32
    %dma_wait3A_220 = tpu.memref_slice %arg4[%dma_wait3A_218, %dma_wait3A_219] : memref<8192x1024xf32, #tpu.memory_space<hbm>> -> memref<8192x1024xf32, #tpu.memory_space<hbm>>
    tpu.wait_indirect_dma semaphore(%arg11 : memref<!tpu.dma_semaphore, #tpu.memory_space<semaphore_mem>>) src(%dma_wait3A_220 : memref<8192x1024xf32, #tpu.memory_space<hbm>>) dst(%dma_wait3A_214 : memref<16x1024xf32, #tpu.memory_space<vmem>>)
    %dma_wait3A_221 = arith.constant 2 : i32
    %dma_wait3A_222 = arith.constant 0 : i32
    %dma_wait3A_223 = arith.constant 0 : i32
    %dma_wait3A_224 = arith.constant 0 : i32
    %dma_wait3A_225 = tpu.memref_slice %arg9[%dma_wait3A_222, %dma_wait3A_223, %dma_wait3A_224] : memref<2x16x1024xf32, #tpu.memory_space<vmem>> -> memref<1x16x1024xf32, #tpu.memory_space<vmem>>
    %dma_wait3A_226 = tpu.memref_squeeze %dma_wait3A_225 : memref<1x16x1024xf32, #tpu.memory_space<vmem>> -> memref<16x1024xf32, #tpu.memory_space<vmem>>
    %dma_wait3A_227 = arith.constant 0 : i32
    %dma_wait3A_228 = tpu.memref_slice %arg7[%dma_wait3A_221, %dma_wait3A_227] : memref<4x16xi32, #tpu.memory_space<vmem>> -> memref<1x16xi32, #tpu.memory_space<vmem>>
    %dma_wait3A_229 = tpu.memref_squeeze %dma_wait3A_228 : memref<1x16xi32, #tpu.memory_space<vmem>> -> memref<16xi32, #tpu.memory_space<vmem>>
    %dma_wait3A_230 = arith.constant 0 : i32
    %dma_wait3A_231 = arith.constant 0 : i32
    %dma_wait3A_232 = tpu.memref_slice %arg4[%dma_wait3A_230, %dma_wait3A_231] : memref<8192x1024xf32, #tpu.memory_space<hbm>> -> memref<8192x1024xf32, #tpu.memory_space<hbm>>
    tpu.wait_indirect_dma semaphore(%arg11 : memref<!tpu.dma_semaphore, #tpu.memory_space<semaphore_mem>>) src(%dma_wait3A_232 : memref<8192x1024xf32, #tpu.memory_space<hbm>>) dst(%dma_wait3A_226 : memref<16x1024xf32, #tpu.memory_space<vmem>>)
    %add3A_233 = arith.constant 16 : i32
    %add3A_234 = arith.addi %mul3A_2, %add3A_233 : i32
    %dma_wait3A_235 = arith.constant 1 : i32
    %dma_wait3A_236 = arith.constant 0 : i32
    %dma_wait3A_237 = arith.constant 0 : i32
    %dma_wait3A_238 = tpu.memref_slice %arg8[%dma_wait3A_235, %dma_wait3A_236, %dma_wait3A_237] : memref<2x16x1024xf32, #tpu.memory_space<vmem>> -> memref<1x16x1024xf32, #tpu.memory_space<vmem>>
    %dma_wait3A_239 = tpu.memref_squeeze %dma_wait3A_238 : memref<1x16x1024xf32, #tpu.memory_space<vmem>> -> memref<16x1024xf32, #tpu.memory_space<vmem>>
    %dma_wait3A_240 = arith.constant 0 : i32
    %dma_wait3A_241 = tpu.memref_slice %arg5[%add3A_234, %dma_wait3A_240] : memref<2048x1024xf32, #tpu.memory_space<hbm>> -> memref<16x1024xf32, #tpu.memory_space<hbm>>
    %dma_wait3A_242 = arith.constant 0 : i32
    %dma_wait3A_243 = tpu.memref_slice %arg5[%add3A_234, %dma_wait3A_242] : memref<2048x1024xf32, #tpu.memory_space<hbm>> -> memref<16x1024xf32, #tpu.memory_space<hbm>>
    %dma_wait3A_244 = arith.constant 0 : i32
    %dma_wait3A_245 = arith.constant 0 : i32
    %dma_wait3A_246 = tpu.memref_slice %arg8[%dma_wait3A_235, %dma_wait3A_244, %dma_wait3A_245] : memref<2x16x1024xf32, #tpu.memory_space<vmem>> -> memref<1x16x1024xf32, #tpu.memory_space<vmem>>
    %dma_wait3A_247 = tpu.memref_squeeze %dma_wait3A_246 : memref<1x16x1024xf32, #tpu.memory_space<vmem>> -> memref<16x1024xf32, #tpu.memory_space<vmem>>
    tpu.wait_dma2 semaphore(%arg12 : memref<!tpu.dma_semaphore, #tpu.memory_space<semaphore_mem>>) src(%dma_wait3A_247 : memref<16x1024xf32, #tpu.memory_space<vmem>>) dst(%dma_wait3A_243 : memref<16x1024xf32, #tpu.memory_space<hbm>>)
    %dma_start3A_248 = arith.constant 3 : i32
    %dma_start3A_249 = arith.constant 1 : i32
    %dma_start3A_250 = arith.constant 0 : i32
    %dma_start3A_251 = arith.constant 0 : i32
    %dma_start3A_252 = tpu.memref_slice %arg8[%dma_start3A_249, %dma_start3A_250, %dma_start3A_251] : memref<2x16x1024xf32, #tpu.memory_space<vmem>> -> memref<1x16x1024xf32, #tpu.memory_space<vmem>>
    %dma_start3A_253 = tpu.memref_squeeze %dma_start3A_252 : memref<1x16x1024xf32, #tpu.memory_space<vmem>> -> memref<16x1024xf32, #tpu.memory_space<vmem>>
    %dma_start3A_254 = arith.constant 0 : i32
    %dma_start3A_255 = tpu.memref_slice %arg6[%dma_start3A_248, %dma_start3A_254] : memref<4x16xi32, #tpu.memory_space<vmem>> -> memref<1x16xi32, #tpu.memory_space<vmem>>
    %dma_start3A_256 = tpu.memref_squeeze %dma_start3A_255 : memref<1x16xi32, #tpu.memory_space<vmem>> -> memref<16xi32, #tpu.memory_space<vmem>>
    %dma_start3A_257 = arith.constant 0 : i32
    %dma_start3A_258 = arith.constant 0 : i32
    %dma_start3A_259 = tpu.memref_slice %arg4[%dma_start3A_257, %dma_start3A_258] : memref<8192x1024xf32, #tpu.memory_space<hbm>> -> memref<8192x1024xf32, #tpu.memory_space<hbm>>
    tpu.enqueue_indirect_dma source(%dma_start3A_259 : memref<8192x1024xf32, #tpu.memory_space<hbm>>) target(%dma_start3A_253 : memref<16x1024xf32, #tpu.memory_space<vmem>>) offsets(%dma_start3A_256 : memref<16xi32, #tpu.memory_space<vmem>>) semaphore(%arg11 : memref<!tpu.dma_semaphore, #tpu.memory_space<semaphore_mem>>)
    %dma_start3A_260 = arith.constant 3 : i32
    %dma_start3A_261 = arith.constant 1 : i32
    %dma_start3A_262 = arith.constant 0 : i32
    %dma_start3A_263 = arith.constant 0 : i32
    %dma_start3A_264 = tpu.memref_slice %arg9[%dma_start3A_261, %dma_start3A_262, %dma_start3A_263] : memref<2x16x1024xf32, #tpu.memory_space<vmem>> -> memref<1x16x1024xf32, #tpu.memory_space<vmem>>
    %dma_start3A_265 = tpu.memref_squeeze %dma_start3A_264 : memref<1x16x1024xf32, #tpu.memory_space<vmem>> -> memref<16x1024xf32, #tpu.memory_space<vmem>>
    %dma_start3A_266 = arith.constant 0 : i32
    %dma_start3A_267 = tpu.memref_slice %arg7[%dma_start3A_260, %dma_start3A_266] : memref<4x16xi32, #tpu.memory_space<vmem>> -> memref<1x16xi32, #tpu.memory_space<vmem>>
    %dma_start3A_268 = tpu.memref_squeeze %dma_start3A_267 : memref<1x16xi32, #tpu.memory_space<vmem>> -> memref<16xi32, #tpu.memory_space<vmem>>
    %dma_start3A_269 = arith.constant 0 : i32
    %dma_start3A_270 = arith.constant 0 : i32
    %dma_start3A_271 = tpu.memref_slice %arg4[%dma_start3A_269, %dma_start3A_270] : memref<8192x1024xf32, #tpu.memory_space<hbm>> -> memref<8192x1024xf32, #tpu.memory_space<hbm>>
    tpu.enqueue_indirect_dma source(%dma_start3A_271 : memref<8192x1024xf32, #tpu.memory_space<hbm>>) target(%dma_start3A_265 : memref<16x1024xf32, #tpu.memory_space<vmem>>) offsets(%dma_start3A_268 : memref<16xi32, #tpu.memory_space<vmem>>) semaphore(%arg11 : memref<!tpu.dma_semaphore, #tpu.memory_space<semaphore_mem>>)
    %scan3A_272 = arith.constant 0 : i32
    %scan3A_273 = arith.constant 0 : i32
    %scan3A_274 = arith.constant 16 : i32
    %scan3A_275 = arith.addi %scan3A_273, %scan3A_274 : i32
    %scan3A_276 = arith.constant 1 : i32
    scf.for %scan3A_368 = %scan3A_273 to %scan3A_275 step %scan3A_276  : i32 {
      %scan3A_369 = arith.constant 0 : i32
      %scan3A_370 = arith.constant 0 : i32
      %scan3A_371 = arith.constant 64 : i32
      %scan3A_372 = arith.addi %scan3A_370, %scan3A_371 : i32
      %scan3A_373 = arith.constant 1 : i32
      scf.for %scan3A_375 = %scan3A_370 to %scan3A_372 step %scan3A_373  : i32 {
        %mul3A_376 = arith.constant 16 : i32
        %mul3A_377 = arith.muli %scan3A_375, %mul3A_376 : i32
        %get3A = arith.constant 0 : i32
        %get3A_378 = arith.index_cast %get3A : i32 to index
        %get3A_379 = arith.index_cast %scan3A_368 : i32 to index
        %get3A_380 = arith.index_cast %mul3A_377 : i32 to index
        %get3A_381 = tpu.vector_load %arg8[%get3A_378, %get3A_379, %get3A_380] {strides = array<i32>} : memref<2x16x1024xf32, #tpu.memory_space<vmem>>, vector<1x1x16xf32>,
        %get3A_382 = vector.shape_cast %get3A_381 : vector<1x1x16xf32> to vector<16xf32>
        %get3A_383 = arith.constant 0 : i32
        %get3A_384 = arith.index_cast %get3A_383 : i32 to index
        %get3A_385 = arith.index_cast %scan3A_368 : i32 to index
        %get3A_386 = arith.index_cast %mul3A_377 : i32 to index
        %get3A_387 = tpu.vector_load %arg9[%get3A_384, %get3A_385, %get3A_386] {strides = array<i32>} : memref<2x16x1024xf32, #tpu.memory_space<vmem>>, vector<1x1x16xf32>,
        %get3A_388 = vector.shape_cast %get3A_387 : vector<1x1x16xf32> to vector<16xf32>
        %add3A_389 = arith.addf %get3A_382, %get3A_388 : vector<16xf32>
        %swap3A = arith.constant 0 : i32
        %swap3A_390 = arith.index_cast %swap3A : i32 to index
        %swap3A_391 = arith.index_cast %scan3A_368 : i32 to index
        %swap3A_392 = arith.index_cast %mul3A_377 : i32 to index
        %swap3A_393 = tpu.vector_load %arg8[%swap3A_390, %swap3A_391, %swap3A_392] {strides = array<i32>} : memref<2x16x1024xf32, #tpu.memory_space<vmem>>, vector<1x1x16xf32>,
        %swap3A_394 = vector.shape_cast %swap3A_393 : vector<1x1x16xf32> to vector<16xf32>
        %swap3A_395 = vector.shape_cast %add3A_389 : vector<16xf32> to vector<1x1x16xf32>
        tpu.vector_store %arg8[%swap3A_390, %swap3A_391, %swap3A_392], %swap3A_395 {strides = array<i32>} : memref<2x16x1024xf32, #tpu.memory_space<vmem>>, vector<1x1x16xf32>,
      }
      %scan3A_374 = arith.constant 64 : i32
    }
    %scan3A_277 = arith.constant 16 : i32
    %add3A_278 = arith.constant 32 : i32
    %add3A_279 = arith.addi %mul3A_2, %add3A_278 : i32
    %dma_start3A_280 = arith.constant 0 : i32
    %dma_start3A_281 = arith.constant 0 : i32
    %dma_start3A_282 = arith.constant 0 : i32
    %dma_start3A_283 = tpu.memref_slice %arg8[%dma_start3A_280, %dma_start3A_281, %dma_start3A_282] : memref<2x16x1024xf32, #tpu.memory_space<vmem>> -> memref<1x16x1024xf32, #tpu.memory_space<vmem>>
    %dma_start3A_284 = tpu.memref_squeeze %dma_start3A_283 : memref<1x16x1024xf32, #tpu.memory_space<vmem>> -> memref<16x1024xf32, #tpu.memory_space<vmem>>
    %dma_start3A_285 = arith.constant 0 : i32
    %dma_start3A_286 = tpu.memref_slice %arg5[%add3A_279, %dma_start3A_285] : memref<2048x1024xf32, #tpu.memory_space<hbm>> -> memref<16x1024xf32, #tpu.memory_space<hbm>>
    %dma_start3A_287 = arith.constant 0 : i32
    %dma_start3A_288 = tpu.memref_slice %arg5[%add3A_279, %dma_start3A_287] : memref<2048x1024xf32, #tpu.memory_space<hbm>> -> memref<16x1024xf32, #tpu.memory_space<hbm>>
    %dma_start3A_289 = arith.constant 0 : i32
    %dma_start3A_290 = arith.constant 0 : i32
    %dma_start3A_291 = tpu.memref_slice %arg8[%dma_start3A_280, %dma_start3A_289, %dma_start3A_290] : memref<2x16x1024xf32, #tpu.memory_space<vmem>> -> memref<1x16x1024xf32, #tpu.memory_space<vmem>>
    %dma_start3A_292 = tpu.memref_squeeze %dma_start3A_291 : memref<1x16x1024xf32, #tpu.memory_space<vmem>> -> memref<16x1024xf32, #tpu.memory_space<vmem>>
    tpu.enqueue_dma source(%dma_start3A_292 : memref<16x1024xf32, #tpu.memory_space<vmem>>) target(%dma_start3A_288 : memref<16x1024xf32, #tpu.memory_space<hbm>>) target_semaphore(%arg12 : memref<!tpu.dma_semaphore, #tpu.memory_space<semaphore_mem>>)
    %dma_wait3A_293 = arith.constant 3 : i32
    %dma_wait3A_294 = arith.constant 1 : i32
    %dma_wait3A_295 = arith.constant 0 : i32
    %dma_wait3A_296 = arith.constant 0 : i32
    %dma_wait3A_297 = tpu.memref_slice %arg8[%dma_wait3A_294, %dma_wait3A_295, %dma_wait3A_296] : memref<2x16x1024xf32, #tpu.memory_space<vmem>> -> memref<1x16x1024xf32, #tpu.memory_space<vmem>>
    %dma_wait3A_298 = tpu.memref_squeeze %dma_wait3A_297 : memref<1x16x1024xf32, #tpu.memory_space<vmem>> -> memref<16x1024xf32, #tpu.memory_space<vmem>>
    %dma_wait3A_299 = arith.constant 0 : i32
    %dma_wait3A_300 = tpu.memref_slice %arg6[%dma_wait3A_293, %dma_wait3A_299] : memref<4x16xi32, #tpu.memory_space<vmem>> -> memref<1x16xi32, #tpu.memory_space<vmem>>
    %dma_wait3A_301 = tpu.memref_squeeze %dma_wait3A_300 : memref<1x16xi32, #tpu.memory_space<vmem>> -> memref<16xi32, #tpu.memory_space<vmem>>
    %dma_wait3A_302 = arith.constant 0 : i32
    %dma_wait3A_303 = arith.constant 0 : i32
    %dma_wait3A_304 = tpu.memref_slice %arg4[%dma_wait3A_302, %dma_wait3A_303] : memref<8192x1024xf32, #tpu.memory_space<hbm>> -> memref<8192x1024xf32, #tpu.memory_space<hbm>>
    tpu.wait_indirect_dma semaphore(%arg11 : memref<!tpu.dma_semaphore, #tpu.memory_space<semaphore_mem>>) src(%dma_wait3A_304 : memref<8192x1024xf32, #tpu.memory_space<hbm>>) dst(%dma_wait3A_298 : memref<16x1024xf32, #tpu.memory_space<vmem>>)
    %dma_wait3A_305 = arith.constant 3 : i32
    %dma_wait3A_306 = arith.constant 1 : i32
    %dma_wait3A_307 = arith.constant 0 : i32
    %dma_wait3A_308 = arith.constant 0 : i32
    %dma_wait3A_309 = tpu.memref_slice %arg9[%dma_wait3A_306, %dma_wait3A_307, %dma_wait3A_308] : memref<2x16x1024xf32, #tpu.memory_space<vmem>> -> memref<1x16x1024xf32, #tpu.memory_space<vmem>>
    %dma_wait3A_310 = tpu.memref_squeeze %dma_wait3A_309 : memref<1x16x1024xf32, #tpu.memory_space<vmem>> -> memref<16x1024xf32, #tpu.memory_space<vmem>>
    %dma_wait3A_311 = arith.constant 0 : i32
    %dma_wait3A_312 = tpu.memref_slice %arg7[%dma_wait3A_305, %dma_wait3A_311] : memref<4x16xi32, #tpu.memory_space<vmem>> -> memref<1x16xi32, #tpu.memory_space<vmem>>
    %dma_wait3A_313 = tpu.memref_squeeze %dma_wait3A_312 : memref<1x16xi32, #tpu.memory_space<vmem>> -> memref<16xi32, #tpu.memory_space<vmem>>
    %dma_wait3A_314 = arith.constant 0 : i32
    %dma_wait3A_315 = arith.constant 0 : i32
    %dma_wait3A_316 = tpu.memref_slice %arg4[%dma_wait3A_314, %dma_wait3A_315] : memref<8192x1024xf32, #tpu.memory_space<hbm>> -> memref<8192x1024xf32, #tpu.memory_space<hbm>>
    tpu.wait_indirect_dma semaphore(%arg11 : memref<!tpu.dma_semaphore, #tpu.memory_space<semaphore_mem>>) src(%dma_wait3A_316 : memref<8192x1024xf32, #tpu.memory_space<hbm>>) dst(%dma_wait3A_310 : memref<16x1024xf32, #tpu.memory_space<vmem>>)
    %add3A_317 = arith.constant 32 : i32
    %add3A_318 = arith.addi %mul3A_2, %add3A_317 : i32
    %dma_wait3A_319 = arith.constant 0 : i32
    %dma_wait3A_320 = arith.constant 0 : i32
    %dma_wait3A_321 = arith.constant 0 : i32
    %dma_wait3A_322 = tpu.memref_slice %arg8[%dma_wait3A_319, %dma_wait3A_320, %dma_wait3A_321] : memref<2x16x1024xf32, #tpu.memory_space<vmem>> -> memref<1x16x1024xf32, #tpu.memory_space<vmem>>
    %dma_wait3A_323 = tpu.memref_squeeze %dma_wait3A_322 : memref<1x16x1024xf32, #tpu.memory_space<vmem>> -> memref<16x1024xf32, #tpu.memory_space<vmem>>
    %dma_wait3A_324 = arith.constant 0 : i32
    %dma_wait3A_325 = tpu.memref_slice %arg5[%add3A_318, %dma_wait3A_324] : memref<2048x1024xf32, #tpu.memory_space<hbm>> -> memref<16x1024xf32, #tpu.memory_space<hbm>>
    %dma_wait3A_326 = arith.constant 0 : i32
    %dma_wait3A_327 = tpu.memref_slice %arg5[%add3A_318, %dma_wait3A_326] : memref<2048x1024xf32, #tpu.memory_space<hbm>> -> memref<16x1024xf32, #tpu.memory_space<hbm>>
    %dma_wait3A_328 = arith.constant 0 : i32
    %dma_wait3A_329 = arith.constant 0 : i32
    %dma_wait3A_330 = tpu.memref_slice %arg8[%dma_wait3A_319, %dma_wait3A_328, %dma_wait3A_329] : memref<2x16x1024xf32, #tpu.memory_space<vmem>> -> memref<1x16x1024xf32, #tpu.memory_space<vmem>>
    %dma_wait3A_331 = tpu.memref_squeeze %dma_wait3A_330 : memref<1x16x1024xf32, #tpu.memory_space<vmem>> -> memref<16x1024xf32, #tpu.memory_space<vmem>>
    tpu.wait_dma2 semaphore(%arg12 : memref<!tpu.dma_semaphore, #tpu.memory_space<semaphore_mem>>) src(%dma_wait3A_331 : memref<16x1024xf32, #tpu.memory_space<vmem>>) dst(%dma_wait3A_327 : memref<16x1024xf32, #tpu.memory_space<hbm>>)
    %scan3A_332 = arith.constant 0 : i32
    %scan3A_333 = arith.constant 0 : i32
    %scan3A_334 = arith.constant 16 : i32
    %scan3A_335 = arith.addi %scan3A_333, %scan3A_334 : i32
    %scan3A_336 = arith.constant 1 : i32
    scf.for %scan3A_368 = %scan3A_333 to %scan3A_335 step %scan3A_336  : i32 {
      %scan3A_369 = arith.constant 0 : i32
      %scan3A_370 = arith.constant 0 : i32
      %scan3A_371 = arith.constant 64 : i32
      %scan3A_372 = arith.addi %scan3A_370, %scan3A_371 : i32
      %scan3A_373 = arith.constant 1 : i32
      scf.for %scan3A_375 = %scan3A_370 to %scan3A_372 step %scan3A_373  : i32 {
        %mul3A_376 = arith.constant 16 : i32
        %mul3A_377 = arith.muli %scan3A_375, %mul3A_376 : i32
        %get3A = arith.constant 1 : i32
        %get3A_378 = arith.index_cast %get3A : i32 to index
        %get3A_379 = arith.index_cast %scan3A_368 : i32 to index
        %get3A_380 = arith.index_cast %mul3A_377 : i32 to index
        %get3A_381 = tpu.vector_load %arg8[%get3A_378, %get3A_379, %get3A_380] {strides = array<i32>} : memref<2x16x1024xf32, #tpu.memory_space<vmem>>, vector<1x1x16xf32>,
        %get3A_382 = vector.shape_cast %get3A_381 : vector<1x1x16xf32> to vector<16xf32>
        %get3A_383 = arith.constant 1 : i32
        %get3A_384 = arith.index_cast %get3A_383 : i32 to index
        %get3A_385 = arith.index_cast %scan3A_368 : i32 to index
        %get3A_386 = arith.index_cast %mul3A_377 : i32 to index
        %get3A_387 = tpu.vector_load %arg9[%get3A_384, %get3A_385, %get3A_386] {strides = array<i32>} : memref<2x16x1024xf32, #tpu.memory_space<vmem>>, vector<1x1x16xf32>,
        %get3A_388 = vector.shape_cast %get3A_387 : vector<1x1x16xf32> to vector<16xf32>
        %add3A_389 = arith.addf %get3A_382, %get3A_388 : vector<16xf32>
        %swap3A = arith.constant 1 : i32
        %swap3A_390 = arith.index_cast %swap3A : i32 to index
        %swap3A_391 = arith.index_cast %scan3A_368 : i32 to index
        %swap3A_392 = arith.index_cast %mul3A_377 : i32 to index
        %swap3A_393 = tpu.vector_load %arg8[%swap3A_390, %swap3A_391, %swap3A_392] {strides = array<i32>} : memref<2x16x1024xf32, #tpu.memory_space<vmem>>, vector<1x1x16xf32>,
        %swap3A_394 = vector.shape_cast %swap3A_393 : vector<1x1x16xf32> to vector<16xf32>
        %swap3A_395 = vector.shape_cast %add3A_389 : vector<16xf32> to vector<1x1x16xf32>
        tpu.vector_store %arg8[%swap3A_390, %swap3A_391, %swap3A_392], %swap3A_395 {strides = array<i32>} : memref<2x16x1024xf32, #tpu.memory_space<vmem>>, vector<1x1x16xf32>,
      }
      %scan3A_374 = arith.constant 64 : i32
    }
    %scan3A_337 = arith.constant 16 : i32
    %add3A_338 = arith.constant 48 : i32
    %add3A_339 = arith.addi %mul3A_2, %add3A_338 : i32
    %dma_start3A_340 = arith.constant 1 : i32
    %dma_start3A_341 = arith.constant 0 : i32
    %dma_start3A_342 = arith.constant 0 : i32
    %dma_start3A_343 = tpu.memref_slice %arg8[%dma_start3A_340, %dma_start3A_341, %dma_start3A_342] : memref<2x16x1024xf32, #tpu.memory_space<vmem>> -> memref<1x16x1024xf32, #tpu.memory_space<vmem>>
    %dma_start3A_344 = tpu.memref_squeeze %dma_start3A_343 : memref<1x16x1024xf32, #tpu.memory_space<vmem>> -> memref<16x1024xf32, #tpu.memory_space<vmem>>
    %dma_start3A_345 = arith.constant 0 : i32
    %dma_start3A_346 = tpu.memref_slice %arg5[%add3A_339, %dma_start3A_345] : memref<2048x1024xf32, #tpu.memory_space<hbm>> -> memref<16x1024xf32, #tpu.memory_space<hbm>>
    %dma_start3A_347 = arith.constant 0 : i32
    %dma_start3A_348 = tpu.memref_slice %arg5[%add3A_339, %dma_start3A_347] : memref<2048x1024xf32, #tpu.memory_space<hbm>> -> memref<16x1024xf32, #tpu.memory_space<hbm>>
    %dma_start3A_349 = arith.constant 0 : i32
    %dma_start3A_350 = arith.constant 0 : i32
    %dma_start3A_351 = tpu.memref_slice %arg8[%dma_start3A_340, %dma_start3A_349, %dma_start3A_350] : memref<2x16x1024xf32, #tpu.memory_space<vmem>> -> memref<1x16x1024xf32, #tpu.memory_space<vmem>>
    %dma_start3A_352 = tpu.memref_squeeze %dma_start3A_351 : memref<1x16x1024xf32, #tpu.memory_space<vmem>> -> memref<16x1024xf32, #tpu.memory_space<vmem>>
    tpu.enqueue_dma source(%dma_start3A_352 : memref<16x1024xf32, #tpu.memory_space<vmem>>) target(%dma_start3A_348 : memref<16x1024xf32, #tpu.memory_space<hbm>>) target_semaphore(%arg12 : memref<!tpu.dma_semaphore, #tpu.memory_space<semaphore_mem>>)
    %add3A_353 = arith.constant 48 : i32
    %add3A_354 = arith.addi %mul3A_2, %add3A_353 : i32
    %dma_wait3A_355 = arith.constant 1 : i32
    %dma_wait3A_356 = arith.constant 0 : i32
    %dma_wait3A_357 = arith.constant 0 : i32
    %dma_wait3A_358 = tpu.memref_slice %arg8[%dma_wait3A_355, %dma_wait3A_356, %dma_wait3A_357] : memref<2x16x1024xf32, #tpu.memory_space<vmem>> -> memref<1x16x1024xf32, #tpu.memory_space<vmem>>
    %dma_wait3A_359 = tpu.memref_squeeze %dma_wait3A_358 : memref<1x16x1024xf32, #tpu.memory_space<vmem>> -> memref<16x1024xf32, #tpu.memory_space<vmem>>
    %dma_wait3A_360 = arith.constant 0 : i32
    %dma_wait3A_361 = tpu.memref_slice %arg5[%add3A_354, %dma_wait3A_360] : memref<2048x1024xf32, #tpu.memory_space<hbm>> -> memref<16x1024xf32, #tpu.memory_space<hbm>>
    %dma_wait3A_362 = arith.constant 0 : i32
    %dma_wait3A_363 = tpu.memref_slice %arg5[%add3A_354, %dma_wait3A_362] : memref<2048x1024xf32, #tpu.memory_space<hbm>> -> memref<16x1024xf32, #tpu.memory_space<hbm>>
    %dma_wait3A_364 = arith.constant 0 : i32
    %dma_wait3A_365 = arith.constant 0 : i32
    %dma_wait3A_366 = tpu.memref_slice %arg8[%dma_wait3A_355, %dma_wait3A_364, %dma_wait3A_365] : memref<2x16x1024xf32, #tpu.memory_space<vmem>> -> memref<1x16x1024xf32, #tpu.memory_space<vmem>>
    %dma_wait3A_367 = tpu.memref_squeeze %dma_wait3A_366 : memref<1x16x1024xf32, #tpu.memory_space<vmem>> -> memref<16x1024xf32, #tpu.memory_space<vmem>>
    tpu.wait_dma2 semaphore(%arg12 : memref<!tpu.dma_semaphore, #tpu.memory_space<semaphore_mem>>) src(%dma_wait3A_367 : memref<16x1024xf32, #tpu.memory_space<vmem>>) dst(%dma_wait3A_363 : memref<16x1024xf32, #tpu.memory_space<hbm>>)
    return
  }
}

module attributes {stable_mosaic.version = 14 : i64} {
  func.func @_route_body(%arg0: memref<2048x1024xf32, #tpu.memory_space<vmem>>, %arg1: memref<1024x64xf32, #tpu.memory_space<vmem>>, %arg2: memref<2048x1xi32, #tpu.memory_space<vmem>>, %arg3: memref<2048x1xi32, #tpu.memory_space<vmem>>, %arg4: memref<2048x128xf32, #tpu.memory_space<vmem>>, %arg5: memref<2048x128xf32, #tpu.memory_space<vmem>>, %arg6: memref<128x1xi32, #tpu.memory_space<vmem>>, %arg7: memref<2048x512xi32, #tpu.memory_space<vmem>>) attributes {dimension_semantics = [], scalar_prefetch = 0 : i64, scratch_operands = 0 : i64, tpu.core_type = #tpu.core_type<tc>} {
    %get3A = arith.constant 0 : index
    %get3A_0 = arith.constant 0 : index
    %get3A_1 = vector.load %arg0[%get3A, %get3A_0] : memref<2048x1024xf32, #tpu.memory_space<vmem>>, vector<2048x1024xf32>
    %slice3A = vector.extract_strided_slice %get3A_1 {offsets = [0, 0], sizes = [2048, 512], strides = [1, 1]} : vector<2048x1024xf32> to vector<2048x512xf32>
    %bitcast_convert_type3A = tpu.bitcast %slice3A : vector<2048x512xf32> -> vector<2048x512xi32>
    %shift_right_logical3A = arith.constant 16 : i32
    %shift_right_logical3A_2 = vector.broadcast %shift_right_logical3A : i32 to vector<2048x512xi32>
    %shift_right_logical3A_3 = arith.shrui %bitcast_convert_type3A, %shift_right_logical3A_2 : vector<2048x512xi32>
    %and3A = arith.constant 1 : i32
    %and3A_4 = vector.broadcast %and3A : i32 to vector<2048x512xi32>
    %and3A_5 = arith.andi %shift_right_logical3A_3, %and3A_4 : vector<2048x512xi32>
    %add3A = arith.constant 32767 : i32
    %add3A_6 = vector.broadcast %add3A : i32 to vector<2048x512xi32>
    %add3A_7 = arith.addi %bitcast_convert_type3A, %add3A_6 : vector<2048x512xi32>
    %add3A_8 = arith.addi %add3A_7, %and3A_5 : vector<2048x512xi32>
    %and3A_9 = arith.constant -65536 : i32
    %and3A_10 = vector.broadcast %and3A_9 : i32 to vector<2048x512xi32>
    %and3A_11 = arith.andi %add3A_8, %and3A_10 : vector<2048x512xi32>
    %slice3A_12 = vector.extract_strided_slice %get3A_1 {offsets = [0, 512], sizes = [2048, 512], strides = [1, 1]} : vector<2048x1024xf32> to vector<2048x512xf32>
    %bitcast_convert_type3A_13 = tpu.bitcast %slice3A_12 : vector<2048x512xf32> -> vector<2048x512xi32>
    %shift_right_logical3A_14 = arith.constant 16 : i32
    %shift_right_logical3A_15 = vector.broadcast %shift_right_logical3A_14 : i32 to vector<2048x512xi32>
    %shift_right_logical3A_16 = arith.shrui %bitcast_convert_type3A_13, %shift_right_logical3A_15 : vector<2048x512xi32>
    %and3A_17 = arith.constant 1 : i32
    %and3A_18 = vector.broadcast %and3A_17 : i32 to vector<2048x512xi32>
    %and3A_19 = arith.andi %shift_right_logical3A_16, %and3A_18 : vector<2048x512xi32>
    %add3A_20 = arith.constant 32767 : i32
    %add3A_21 = vector.broadcast %add3A_20 : i32 to vector<2048x512xi32>
    %add3A_22 = arith.addi %bitcast_convert_type3A_13, %add3A_21 : vector<2048x512xi32>
    %add3A_23 = arith.addi %add3A_22, %and3A_19 : vector<2048x512xi32>
    %and3A_24 = arith.constant -65536 : i32
    %and3A_25 = vector.broadcast %and3A_24 : i32 to vector<2048x512xi32>
    %and3A_26 = arith.andi %add3A_23, %and3A_25 : vector<2048x512xi32>
    %shift_right_logical3A_27 = arith.constant 16 : i32
    %shift_right_logical3A_28 = vector.broadcast %shift_right_logical3A_27 : i32 to vector<2048x512xi32>
    %shift_right_logical3A_29 = arith.shrui %and3A_26, %shift_right_logical3A_28 : vector<2048x512xi32>
    %or3A = arith.ori %and3A_11, %shift_right_logical3A_29 : vector<2048x512xi32>
    %swap3A = arith.constant 0 : index
    %swap3A_30 = arith.constant 0 : index
    %swap3A_31 = vector.load %arg7[%swap3A, %swap3A_30] : memref<2048x512xi32, #tpu.memory_space<vmem>>, vector<2048x512xi32>
    tpu.vector_store %arg7[%swap3A, %swap3A_30], %or3A {strides = array<i32>} : memref<2048x512xi32, #tpu.memory_space<vmem>>, vector<2048x512xi32>,
    %get3A_32 = arith.constant 0 : index
    %get3A_33 = arith.constant 0 : index
    %get3A_34 = vector.load %arg1[%get3A_32, %get3A_33] : memref<1024x64xf32, #tpu.memory_space<vmem>>, vector<1024x64xf32>
    %dot_general3A = arith.constant dense<0.000000e+00> : vector<2048x64xf32>
    %dot_general3A_35 = tpu.matmul %get3A_1, %get3A_34, %dot_general3A {dimension_numbers = #tpu.dot_dimension_numbers<[1], [0], [0], [1], [0, 0, 1, 1], [], []>, transpose_lhs_hint = false} : vector<2048x1024xf32>, vector<1024x64xf32>, vector<2048x64xf32> -> vector<2048x64xf32>
    %iota3A = tpu.iota {dimensions = array<i32: 1>} : vector<2048x64xi32>
    %reduce_max3A = arith.constant dense<0xFF800000> : vector<2048xf32>
    %reduce_max3A_36 = vector.multi_reduction <maximumf>, %dot_general3A_35, %reduce_max3A [1] : vector<2048x64xf32> to vector<2048xf32>
    %broadcast_in_dim3A = vector.shape_cast %reduce_max3A_36 : vector<2048xf32> to vector<2048x1xf32>
    %eq3A = vector.broadcast %broadcast_in_dim3A : vector<2048x1xf32> to vector<2048x64xf32>
    %eq3A_37 = arith.cmpf oeq, %dot_general3A_35, %eq3A : vector<2048x64xf32>
    %jit3A = arith.constant 64 : i32
    %broadcast_in_dim3A_38 = vector.broadcast %jit3A : i32 to vector<2048x64xi32>
    %select_n3A = arith.select %eq3A_37, %iota3A, %broadcast_in_dim3A_38 : vector<2048x64xi1>, vector<2048x64xi32>
    %reduce_min3A = arith.constant dense<2147483647> : vector<2048xi32>
    %reduce_min3A_39 = vector.multi_reduction <minsi>, %select_n3A, %reduce_min3A [1] : vector<2048x64xi32> to vector<2048xi32>
    %broadcast_in_dim3A_40 = vector.shape_cast %reduce_min3A_39 : vector<2048xi32> to vector<2048x1xi32>
    %eq3A_41 = vector.broadcast %broadcast_in_dim3A_40 : vector<2048x1xi32> to vector<2048x64xi32>
    %eq3A_42 = arith.cmpi eq, %iota3A, %eq3A_41 : vector<2048x64xi32>
    %jit3A_43 = arith.constant 0xFF800000 : f32
    %broadcast_in_dim3A_44 = vector.broadcast %jit3A_43 : f32 to vector<2048x64xf32>
    %select_n3A_45 = arith.select %eq3A_42, %broadcast_in_dim3A_44, %dot_general3A_35 : vector<2048x64xi1>, vector<2048x64xf32>
    %reduce_max3A_46 = arith.constant dense<0xFF800000> : vector<2048xf32>
    %reduce_max3A_47 = vector.multi_reduction <maximumf>, %select_n3A_45, %reduce_max3A_46 [1] : vector<2048x64xf32> to vector<2048xf32>
    %broadcast_in_dim3A_48 = vector.shape_cast %reduce_max3A_47 : vector<2048xf32> to vector<2048x1xf32>
    %eq3A_49 = vector.broadcast %broadcast_in_dim3A_48 : vector<2048x1xf32> to vector<2048x64xf32>
    %eq3A_50 = arith.cmpf oeq, %select_n3A_45, %eq3A_49 : vector<2048x64xf32>
    %jit3A_51 = arith.constant 64 : i32
    %broadcast_in_dim3A_52 = vector.broadcast %jit3A_51 : i32 to vector<2048x64xi32>
    %select_n3A_53 = arith.select %eq3A_50, %iota3A, %broadcast_in_dim3A_52 : vector<2048x64xi1>, vector<2048x64xi32>
    %reduce_min3A_54 = arith.constant dense<2147483647> : vector<2048xi32>
    %reduce_min3A_55 = vector.multi_reduction <minsi>, %select_n3A_53, %reduce_min3A_54 [1] : vector<2048x64xi32> to vector<2048xi32>
    %broadcast_in_dim3A_56 = vector.shape_cast %reduce_min3A_55 : vector<2048xi32> to vector<2048x1xi32>
    %sub3A = arith.subf %broadcast_in_dim3A_48, %broadcast_in_dim3A : vector<2048x1xf32>
    %exp3A = math.exp %sub3A : vector<2048x1xf32>
    %add3A_57 = arith.constant 1.000000e+00 : f32
    %add3A_58 = vector.broadcast %add3A_57 : f32 to vector<2048x1xf32>
    %add3A_59 = arith.addf %add3A_58, %exp3A : vector<2048x1xf32>
    %div3A = arith.constant 1.000000e+00 : f32
    %div3A_60 = vector.broadcast %div3A : f32 to vector<2048x1xf32>
    %div3A_61 = arith.divf %div3A_60, %add3A_59 : vector<2048x1xf32>
    %broadcast_in_dim3A_62 = vector.shape_cast %div3A_61 : vector<2048x1xf32> to vector<2048x1xf32>
    %broadcast_in_dim3A_63 = vector.broadcast %broadcast_in_dim3A_62 : vector<2048x1xf32> to vector<2048x128xf32>
    %swap3A_64 = arith.constant 0 : index
    %swap3A_65 = arith.constant 0 : index
    %swap3A_66 = vector.load %arg4[%swap3A_64, %swap3A_65] : memref<2048x128xf32, #tpu.memory_space<vmem>>, vector<2048x128xf32>
    tpu.vector_store %arg4[%swap3A_64, %swap3A_65], %broadcast_in_dim3A_63 {strides = array<i32>} : memref<2048x128xf32, #tpu.memory_space<vmem>>, vector<2048x128xf32>,
    %sub3A_67 = arith.constant 1.000000e+00 : f32
    %sub3A_68 = vector.broadcast %sub3A_67 : f32 to vector<2048x1xf32>
    %sub3A_69 = arith.subf %sub3A_68, %div3A_61 : vector<2048x1xf32>
    %broadcast_in_dim3A_70 = vector.shape_cast %sub3A_69 : vector<2048x1xf32> to vector<2048x1xf32>
    %broadcast_in_dim3A_71 = vector.broadcast %broadcast_in_dim3A_70 : vector<2048x1xf32> to vector<2048x128xf32>
    %swap3A_72 = arith.constant 0 : index
    %swap3A_73 = arith.constant 0 : index
    %swap3A_74 = vector.load %arg5[%swap3A_72, %swap3A_73] : memref<2048x128xf32, #tpu.memory_space<vmem>>, vector<2048x128xf32>
    tpu.vector_store %arg5[%swap3A_72, %swap3A_73], %broadcast_in_dim3A_71 {strides = array<i32>} : memref<2048x128xf32, #tpu.memory_space<vmem>>, vector<2048x128xf32>,
    %eq3A_75 = vector.broadcast %broadcast_in_dim3A_40 : vector<2048x1xi32> to vector<2048x64xi32>
    %eq3A_76 = arith.cmpi eq, %iota3A, %eq3A_75 : vector<2048x64xi32>
    %convert_element_type3A = arith.extui %eq3A_76 : vector<2048x64xi1> to vector<2048x64xi32>
    %convert_element_type3A_77 = arith.sitofp %convert_element_type3A : vector<2048x64xi32> to vector<2048x64xf32>
    %eq3A_78 = vector.broadcast %broadcast_in_dim3A_56 : vector<2048x1xi32> to vector<2048x64xi32>
    %eq3A_79 = arith.cmpi eq, %iota3A, %eq3A_78 : vector<2048x64xi32>
    %convert_element_type3A_80 = arith.extui %eq3A_79 : vector<2048x64xi1> to vector<2048x64xi32>
    %convert_element_type3A_81 = arith.sitofp %convert_element_type3A_80 : vector<2048x64xi32> to vector<2048x64xf32>
    %add3A_82 = arith.addf %convert_element_type3A_77, %convert_element_type3A_81 : vector<2048x64xf32>
    %iota3A_83 = tpu.iota {dimensions = array<i32: 0>} : vector<128x128xi32>
    %iota3A_84 = tpu.iota {dimensions = array<i32: 1>} : vector<128x128xi32>
    %lt3A = arith.cmpi slt, %iota3A_84, %iota3A_83 : vector<128x128xi32>
    %convert_element_type3A_85 = arith.extui %lt3A : vector<128x128xi1> to vector<128x128xi32>
    %convert_element_type3A_86 = arith.sitofp %convert_element_type3A_85 : vector<128x128xi32> to vector<128x128xf32>
    %slice3A_87 = vector.extract_strided_slice %add3A_82 {offsets = [0, 0], sizes = [128, 64], strides = [1, 1]} : vector<2048x64xf32> to vector<128x64xf32>
    %dot_general3A_88 = arith.constant dense<0.000000e+00> : vector<128x64xf32>
    %dot_general3A_89 = tpu.matmul %convert_element_type3A_86, %slice3A_87, %dot_general3A_88 {dimension_numbers = #tpu.dot_dimension_numbers<[1], [0], [0], [1], [0, 0, 1, 1], [], []>, transpose_lhs_hint = false} : vector<128x128xf32>, vector<128x64xf32>, vector<128x64xf32> -> vector<128x64xf32>
    %reduce_sum3A = arith.constant dense<0.000000e+00> : vector<64xf32>
    %reduce_sum3A_90 = vector.multi_reduction <add>, %slice3A_87, %reduce_sum3A [0] : vector<128x64xf32> to vector<64xf32>
    %broadcast_in_dim3A_91 = vector.shape_cast %reduce_sum3A_90 : vector<64xf32> to vector<1x64xf32>
    %slice3A_92 = vector.extract_strided_slice %add3A_82 {offsets = [128, 0], sizes = [128, 64], strides = [1, 1]} : vector<2048x64xf32> to vector<128x64xf32>
    %dot_general3A_93 = arith.constant dense<0.000000e+00> : vector<128x64xf32>
    %dot_general3A_94 = tpu.matmul %convert_element_type3A_86, %slice3A_92, %dot_general3A_93 {dimension_numbers = #tpu.dot_dimension_numbers<[1], [0], [0], [1], [0, 0, 1, 1], [], []>, transpose_lhs_hint = false} : vector<128x128xf32>, vector<128x64xf32>, vector<128x64xf32> -> vector<128x64xf32>
    %reduce_sum3A_95 = arith.constant dense<0.000000e+00> : vector<64xf32>
    %reduce_sum3A_96 = vector.multi_reduction <add>, %slice3A_92, %reduce_sum3A_95 [0] : vector<128x64xf32> to vector<64xf32>
    %broadcast_in_dim3A_97 = vector.shape_cast %reduce_sum3A_96 : vector<64xf32> to vector<1x64xf32>
    %slice3A_98 = vector.extract_strided_slice %add3A_82 {offsets = [256, 0], sizes = [128, 64], strides = [1, 1]} : vector<2048x64xf32> to vector<128x64xf32>
    %dot_general3A_99 = arith.constant dense<0.000000e+00> : vector<128x64xf32>
    %dot_general3A_100 = tpu.matmul %convert_element_type3A_86, %slice3A_98, %dot_general3A_99 {dimension_numbers = #tpu.dot_dimension_numbers<[1], [0], [0], [1], [0, 0, 1, 1], [], []>, transpose_lhs_hint = false} : vector<128x128xf32>, vector<128x64xf32>, vector<128x64xf32> -> vector<128x64xf32>
    %reduce_sum3A_101 = arith.constant dense<0.000000e+00> : vector<64xf32>
    %reduce_sum3A_102 = vector.multi_reduction <add>, %slice3A_98, %reduce_sum3A_101 [0] : vector<128x64xf32> to vector<64xf32>
    %broadcast_in_dim3A_103 = vector.shape_cast %reduce_sum3A_102 : vector<64xf32> to vector<1x64xf32>
    %slice3A_104 = vector.extract_strided_slice %add3A_82 {offsets = [384, 0], sizes = [128, 64], strides = [1, 1]} : vector<2048x64xf32> to vector<128x64xf32>
    %dot_general3A_105 = arith.constant dense<0.000000e+00> : vector<128x64xf32>
    %dot_general3A_106 = tpu.matmul %convert_element_type3A_86, %slice3A_104, %dot_general3A_105 {dimension_numbers = #tpu.dot_dimension_numbers<[1], [0], [0], [1], [0, 0, 1, 1], [], []>, transpose_lhs_hint = false} : vector<128x128xf32>, vector<128x64xf32>, vector<128x64xf32> -> vector<128x64xf32>
    %reduce_sum3A_107 = arith.constant dense<0.000000e+00> : vector<64xf32>
    %reduce_sum3A_108 = vector.multi_reduction <add>, %slice3A_104, %reduce_sum3A_107 [0] : vector<128x64xf32> to vector<64xf32>
    %broadcast_in_dim3A_109 = vector.shape_cast %reduce_sum3A_108 : vector<64xf32> to vector<1x64xf32>
    %slice3A_110 = vector.extract_strided_slice %add3A_82 {offsets = [512, 0], sizes = [128, 64], strides = [1, 1]} : vector<2048x64xf32> to vector<128x64xf32>
    %dot_general3A_111 = arith.constant dense<0.000000e+00> : vector<128x64xf32>
    %dot_general3A_112 = tpu.matmul %convert_element_type3A_86, %slice3A_110, %dot_general3A_111 {dimension_numbers = #tpu.dot_dimension_numbers<[1], [0], [0], [1], [0, 0, 1, 1], [], []>, transpose_lhs_hint = false} : vector<128x128xf32>, vector<128x64xf32>, vector<128x64xf32> -> vector<128x64xf32>
    %reduce_sum3A_113 = arith.constant dense<0.000000e+00> : vector<64xf32>
    %reduce_sum3A_114 = vector.multi_reduction <add>, %slice3A_110, %reduce_sum3A_113 [0] : vector<128x64xf32> to vector<64xf32>
    %broadcast_in_dim3A_115 = vector.shape_cast %reduce_sum3A_114 : vector<64xf32> to vector<1x64xf32>
    %slice3A_116 = vector.extract_strided_slice %add3A_82 {offsets = [640, 0], sizes = [128, 64], strides = [1, 1]} : vector<2048x64xf32> to vector<128x64xf32>
    %dot_general3A_117 = arith.constant dense<0.000000e+00> : vector<128x64xf32>
    %dot_general3A_118 = tpu.matmul %convert_element_type3A_86, %slice3A_116, %dot_general3A_117 {dimension_numbers = #tpu.dot_dimension_numbers<[1], [0], [0], [1], [0, 0, 1, 1], [], []>, transpose_lhs_hint = false} : vector<128x128xf32>, vector<128x64xf32>, vector<128x64xf32> -> vector<128x64xf32>
    %reduce_sum3A_119 = arith.constant dense<0.000000e+00> : vector<64xf32>
    %reduce_sum3A_120 = vector.multi_reduction <add>, %slice3A_116, %reduce_sum3A_119 [0] : vector<128x64xf32> to vector<64xf32>
    %broadcast_in_dim3A_121 = vector.shape_cast %reduce_sum3A_120 : vector<64xf32> to vector<1x64xf32>
    %slice3A_122 = vector.extract_strided_slice %add3A_82 {offsets = [768, 0], sizes = [128, 64], strides = [1, 1]} : vector<2048x64xf32> to vector<128x64xf32>
    %dot_general3A_123 = arith.constant dense<0.000000e+00> : vector<128x64xf32>
    %dot_general3A_124 = tpu.matmul %convert_element_type3A_86, %slice3A_122, %dot_general3A_123 {dimension_numbers = #tpu.dot_dimension_numbers<[1], [0], [0], [1], [0, 0, 1, 1], [], []>, transpose_lhs_hint = false} : vector<128x128xf32>, vector<128x64xf32>, vector<128x64xf32> -> vector<128x64xf32>
    %reduce_sum3A_125 = arith.constant dense<0.000000e+00> : vector<64xf32>
    %reduce_sum3A_126 = vector.multi_reduction <add>, %slice3A_122, %reduce_sum3A_125 [0] : vector<128x64xf32> to vector<64xf32>
    %broadcast_in_dim3A_127 = vector.shape_cast %reduce_sum3A_126 : vector<64xf32> to vector<1x64xf32>
    %slice3A_128 = vector.extract_strided_slice %add3A_82 {offsets = [896, 0], sizes = [128, 64], strides = [1, 1]} : vector<2048x64xf32> to vector<128x64xf32>
    %dot_general3A_129 = arith.constant dense<0.000000e+00> : vector<128x64xf32>
    %dot_general3A_130 = tpu.matmul %convert_element_type3A_86, %slice3A_128, %dot_general3A_129 {dimension_numbers = #tpu.dot_dimension_numbers<[1], [0], [0], [1], [0, 0, 1, 1], [], []>, transpose_lhs_hint = false} : vector<128x128xf32>, vector<128x64xf32>, vector<128x64xf32> -> vector<128x64xf32>
    %reduce_sum3A_131 = arith.constant dense<0.000000e+00> : vector<64xf32>
    %reduce_sum3A_132 = vector.multi_reduction <add>, %slice3A_128, %reduce_sum3A_131 [0] : vector<128x64xf32> to vector<64xf32>
    %broadcast_in_dim3A_133 = vector.shape_cast %reduce_sum3A_132 : vector<64xf32> to vector<1x64xf32>
    %slice3A_134 = vector.extract_strided_slice %add3A_82 {offsets = [1024, 0], sizes = [128, 64], strides = [1, 1]} : vector<2048x64xf32> to vector<128x64xf32>
    %dot_general3A_135 = arith.constant dense<0.000000e+00> : vector<128x64xf32>
    %dot_general3A_136 = tpu.matmul %convert_element_type3A_86, %slice3A_134, %dot_general3A_135 {dimension_numbers = #tpu.dot_dimension_numbers<[1], [0], [0], [1], [0, 0, 1, 1], [], []>, transpose_lhs_hint = false} : vector<128x128xf32>, vector<128x64xf32>, vector<128x64xf32> -> vector<128x64xf32>
    %reduce_sum3A_137 = arith.constant dense<0.000000e+00> : vector<64xf32>
    %reduce_sum3A_138 = vector.multi_reduction <add>, %slice3A_134, %reduce_sum3A_137 [0] : vector<128x64xf32> to vector<64xf32>
    %broadcast_in_dim3A_139 = vector.shape_cast %reduce_sum3A_138 : vector<64xf32> to vector<1x64xf32>
    %slice3A_140 = vector.extract_strided_slice %add3A_82 {offsets = [1152, 0], sizes = [128, 64], strides = [1, 1]} : vector<2048x64xf32> to vector<128x64xf32>
    %dot_general3A_141 = arith.constant dense<0.000000e+00> : vector<128x64xf32>
    %dot_general3A_142 = tpu.matmul %convert_element_type3A_86, %slice3A_140, %dot_general3A_141 {dimension_numbers = #tpu.dot_dimension_numbers<[1], [0], [0], [1], [0, 0, 1, 1], [], []>, transpose_lhs_hint = false} : vector<128x128xf32>, vector<128x64xf32>, vector<128x64xf32> -> vector<128x64xf32>
    %reduce_sum3A_143 = arith.constant dense<0.000000e+00> : vector<64xf32>
    %reduce_sum3A_144 = vector.multi_reduction <add>, %slice3A_140, %reduce_sum3A_143 [0] : vector<128x64xf32> to vector<64xf32>
    %broadcast_in_dim3A_145 = vector.shape_cast %reduce_sum3A_144 : vector<64xf32> to vector<1x64xf32>
    %slice3A_146 = vector.extract_strided_slice %add3A_82 {offsets = [1280, 0], sizes = [128, 64], strides = [1, 1]} : vector<2048x64xf32> to vector<128x64xf32>
    %dot_general3A_147 = arith.constant dense<0.000000e+00> : vector<128x64xf32>
    %dot_general3A_148 = tpu.matmul %convert_element_type3A_86, %slice3A_146, %dot_general3A_147 {dimension_numbers = #tpu.dot_dimension_numbers<[1], [0], [0], [1], [0, 0, 1, 1], [], []>, transpose_lhs_hint = false} : vector<128x128xf32>, vector<128x64xf32>, vector<128x64xf32> -> vector<128x64xf32>
    %reduce_sum3A_149 = arith.constant dense<0.000000e+00> : vector<64xf32>
    %reduce_sum3A_150 = vector.multi_reduction <add>, %slice3A_146, %reduce_sum3A_149 [0] : vector<128x64xf32> to vector<64xf32>
    %broadcast_in_dim3A_151 = vector.shape_cast %reduce_sum3A_150 : vector<64xf32> to vector<1x64xf32>
    %slice3A_152 = vector.extract_strided_slice %add3A_82 {offsets = [1408, 0], sizes = [128, 64], strides = [1, 1]} : vector<2048x64xf32> to vector<128x64xf32>
    %dot_general3A_153 = arith.constant dense<0.000000e+00> : vector<128x64xf32>
    %dot_general3A_154 = tpu.matmul %convert_element_type3A_86, %slice3A_152, %dot_general3A_153 {dimension_numbers = #tpu.dot_dimension_numbers<[1], [0], [0], [1], [0, 0, 1, 1], [], []>, transpose_lhs_hint = false} : vector<128x128xf32>, vector<128x64xf32>, vector<128x64xf32> -> vector<128x64xf32>
    %reduce_sum3A_155 = arith.constant dense<0.000000e+00> : vector<64xf32>
    %reduce_sum3A_156 = vector.multi_reduction <add>, %slice3A_152, %reduce_sum3A_155 [0] : vector<128x64xf32> to vector<64xf32>
    %broadcast_in_dim3A_157 = vector.shape_cast %reduce_sum3A_156 : vector<64xf32> to vector<1x64xf32>
    %slice3A_158 = vector.extract_strided_slice %add3A_82 {offsets = [1536, 0], sizes = [128, 64], strides = [1, 1]} : vector<2048x64xf32> to vector<128x64xf32>
    %dot_general3A_159 = arith.constant dense<0.000000e+00> : vector<128x64xf32>
    %dot_general3A_160 = tpu.matmul %convert_element_type3A_86, %slice3A_158, %dot_general3A_159 {dimension_numbers = #tpu.dot_dimension_numbers<[1], [0], [0], [1], [0, 0, 1, 1], [], []>, transpose_lhs_hint = false} : vector<128x128xf32>, vector<128x64xf32>, vector<128x64xf32> -> vector<128x64xf32>
    %reduce_sum3A_161 = arith.constant dense<0.000000e+00> : vector<64xf32>
    %reduce_sum3A_162 = vector.multi_reduction <add>, %slice3A_158, %reduce_sum3A_161 [0] : vector<128x64xf32> to vector<64xf32>
    %broadcast_in_dim3A_163 = vector.shape_cast %reduce_sum3A_162 : vector<64xf32> to vector<1x64xf32>
    %slice3A_164 = vector.extract_strided_slice %add3A_82 {offsets = [1664, 0], sizes = [128, 64], strides = [1, 1]} : vector<2048x64xf32> to vector<128x64xf32>
    %dot_general3A_165 = arith.constant dense<0.000000e+00> : vector<128x64xf32>
    %dot_general3A_166 = tpu.matmul %convert_element_type3A_86, %slice3A_164, %dot_general3A_165 {dimension_numbers = #tpu.dot_dimension_numbers<[1], [0], [0], [1], [0, 0, 1, 1], [], []>, transpose_lhs_hint = false} : vector<128x128xf32>, vector<128x64xf32>, vector<128x64xf32> -> vector<128x64xf32>
    %reduce_sum3A_167 = arith.constant dense<0.000000e+00> : vector<64xf32>
    %reduce_sum3A_168 = vector.multi_reduction <add>, %slice3A_164, %reduce_sum3A_167 [0] : vector<128x64xf32> to vector<64xf32>
    %broadcast_in_dim3A_169 = vector.shape_cast %reduce_sum3A_168 : vector<64xf32> to vector<1x64xf32>
    %slice3A_170 = vector.extract_strided_slice %add3A_82 {offsets = [1792, 0], sizes = [128, 64], strides = [1, 1]} : vector<2048x64xf32> to vector<128x64xf32>
    %dot_general3A_171 = arith.constant dense<0.000000e+00> : vector<128x64xf32>
    %dot_general3A_172 = tpu.matmul %convert_element_type3A_86, %slice3A_170, %dot_general3A_171 {dimension_numbers = #tpu.dot_dimension_numbers<[1], [0], [0], [1], [0, 0, 1, 1], [], []>, transpose_lhs_hint = false} : vector<128x128xf32>, vector<128x64xf32>, vector<128x64xf32> -> vector<128x64xf32>
    %reduce_sum3A_173 = arith.constant dense<0.000000e+00> : vector<64xf32>
    %reduce_sum3A_174 = vector.multi_reduction <add>, %slice3A_170, %reduce_sum3A_173 [0] : vector<128x64xf32> to vector<64xf32>
    %broadcast_in_dim3A_175 = vector.shape_cast %reduce_sum3A_174 : vector<64xf32> to vector<1x64xf32>
    %slice3A_176 = vector.extract_strided_slice %add3A_82 {offsets = [1920, 0], sizes = [128, 64], strides = [1, 1]} : vector<2048x64xf32> to vector<128x64xf32>
    %dot_general3A_177 = arith.constant dense<0.000000e+00> : vector<128x64xf32>
    %dot_general3A_178 = tpu.matmul %convert_element_type3A_86, %slice3A_176, %dot_general3A_177 {dimension_numbers = #tpu.dot_dimension_numbers<[1], [0], [0], [1], [0, 0, 1, 1], [], []>, transpose_lhs_hint = false} : vector<128x128xf32>, vector<128x64xf32>, vector<128x64xf32> -> vector<128x64xf32>
    %reduce_sum3A_179 = arith.constant dense<0.000000e+00> : vector<64xf32>
    %reduce_sum3A_180 = vector.multi_reduction <add>, %slice3A_176, %reduce_sum3A_179 [0] : vector<128x64xf32> to vector<64xf32>
    %broadcast_in_dim3A_181 = vector.shape_cast %reduce_sum3A_180 : vector<64xf32> to vector<1x64xf32>
    %concatenate3A = tpu.concatenate %broadcast_in_dim3A_91, %broadcast_in_dim3A_97, %broadcast_in_dim3A_103, %broadcast_in_dim3A_109, %broadcast_in_dim3A_115, %broadcast_in_dim3A_121, %broadcast_in_dim3A_127, %broadcast_in_dim3A_133, %broadcast_in_dim3A_139, %broadcast_in_dim3A_145, %broadcast_in_dim3A_151, %broadcast_in_dim3A_157, %broadcast_in_dim3A_163, %broadcast_in_dim3A_169, %broadcast_in_dim3A_175, %broadcast_in_dim3A_181 in 0 : vector<1x64xf32>, vector<1x64xf32>, vector<1x64xf32>, vector<1x64xf32>, vector<1x64xf32>, vector<1x64xf32>, vector<1x64xf32>, vector<1x64xf32>, vector<1x64xf32>, vector<1x64xf32>, vector<1x64xf32>, vector<1x64xf32>, vector<1x64xf32>, vector<1x64xf32>, vector<1x64xf32>, vector<1x64xf32> -> vector<16x64xf32>
    %iota3A_182 = tpu.iota {dimensions = array<i32: 0>} : vector<16x16xi32>
    %iota3A_183 = tpu.iota {dimensions = array<i32: 1>} : vector<16x16xi32>
    %lt3A_184 = arith.cmpi slt, %iota3A_183, %iota3A_182 : vector<16x16xi32>
    %convert_element_type3A_185 = arith.extui %lt3A_184 : vector<16x16xi1> to vector<16x16xi32>
    %convert_element_type3A_186 = arith.sitofp %convert_element_type3A_185 : vector<16x16xi32> to vector<16x16xf32>
    %dot_general3A_187 = arith.constant dense<0.000000e+00> : vector<16x64xf32>
    %dot_general3A_188 = tpu.matmul %convert_element_type3A_186, %concatenate3A, %dot_general3A_187 {dimension_numbers = #tpu.dot_dimension_numbers<[1], [0], [0], [1], [0, 0, 1, 1], [], []>, transpose_lhs_hint = false} : vector<16x16xf32>, vector<16x64xf32>, vector<16x64xf32> -> vector<16x64xf32>
    %reduce_sum3A_189 = arith.constant dense<0.000000e+00> : vector<64xf32>
    %reduce_sum3A_190 = vector.multi_reduction <add>, %concatenate3A, %reduce_sum3A_189 [0] : vector<16x64xf32> to vector<64xf32>
    %broadcast_in_dim3A_191 = vector.shape_cast %reduce_sum3A_190 : vector<64xf32> to vector<1x64xf32>
    %convert_element_type3A_192 = arith.fptosi %broadcast_in_dim3A_191 : vector<1x64xf32> to vector<1x64xi32>
    %add3A_193 = arith.constant 63 : i32
    %add3A_194 = vector.broadcast %add3A_193 : i32 to vector<1x64xi32>
    %add3A_195 = arith.addi %convert_element_type3A_192, %add3A_194 : vector<1x64xi32>
    %shift_right_logical3A_196 = arith.constant 6 : i32
    %shift_right_logical3A_197 = vector.broadcast %shift_right_logical3A_196 : i32 to vector<1x64xi32>
    %shift_right_logical3A_198 = arith.shrui %add3A_195, %shift_right_logical3A_197 : vector<1x64xi32>
    %convert_element_type3A_199 = arith.sitofp %shift_right_logical3A_198 : vector<1x64xi32> to vector<1x64xf32>
    %iota3A_200 = tpu.iota {dimensions = array<i32: 0>} : vector<64x64xi32>
    %iota3A_201 = tpu.iota {dimensions = array<i32: 1>} : vector<64x64xi32>
    %lt3A_202 = arith.cmpi slt, %iota3A_200, %iota3A_201 : vector<64x64xi32>
    %convert_element_type3A_203 = arith.extui %lt3A_202 : vector<64x64xi1> to vector<64x64xi32>
    %convert_element_type3A_204 = arith.sitofp %convert_element_type3A_203 : vector<64x64xi32> to vector<64x64xf32>
    %le3A = arith.cmpi sle, %iota3A_200, %iota3A_201 : vector<64x64xi32>
    %convert_element_type3A_205 = arith.extui %le3A : vector<64x64xi1> to vector<64x64xi32>
    %convert_element_type3A_206 = arith.sitofp %convert_element_type3A_205 : vector<64x64xi32> to vector<64x64xf32>
    %dot_general3A_207 = arith.constant dense<0.000000e+00> : vector<1x64xf32>
    %dot_general3A_208 = tpu.matmul %convert_element_type3A_199, %convert_element_type3A_204, %dot_general3A_207 {dimension_numbers = #tpu.dot_dimension_numbers<[1], [0], [0], [1], [0, 0, 1, 1], [], []>, transpose_lhs_hint = false} : vector<1x64xf32>, vector<64x64xf32>, vector<1x64xf32> -> vector<1x64xf32>
    %mul3A = arith.constant 6.400000e+01 : f32
    %mul3A_209 = vector.broadcast %mul3A : f32 to vector<1x64xf32>
    %mul3A_210 = arith.mulf %dot_general3A_208, %mul3A_209 : vector<1x64xf32>
    %dot_general3A_211 = arith.constant dense<0.000000e+00> : vector<1x64xf32>
    %dot_general3A_212 = tpu.matmul %convert_element_type3A_199, %convert_element_type3A_206, %dot_general3A_211 {dimension_numbers = #tpu.dot_dimension_numbers<[1], [0], [0], [1], [0, 0, 1, 1], [], []>, transpose_lhs_hint = false} : vector<1x64xf32>, vector<64x64xf32>, vector<1x64xf32> -> vector<1x64xf32>
    %slice3A_213 = vector.extract_strided_slice %dot_general3A_188 {offsets = [0, 0], sizes = [1, 64], strides = [1, 1]} : vector<16x64xf32> to vector<1x64xf32>
    %add3A_214 = vector.broadcast %slice3A_213 : vector<1x64xf32> to vector<128x64xf32>
    %add3A_215 = arith.addf %dot_general3A_89, %add3A_214 : vector<128x64xf32>
    %slice3A_216 = vector.extract_strided_slice %convert_element_type3A_77 {offsets = [0, 0], sizes = [128, 64], strides = [1, 1]} : vector<2048x64xf32> to vector<128x64xf32>
    %slice3A_217 = vector.extract_strided_slice %convert_element_type3A_81 {offsets = [0, 0], sizes = [128, 64], strides = [1, 1]} : vector<2048x64xf32> to vector<128x64xf32>
    %add3A_218 = vector.broadcast %mul3A_210 : vector<1x64xf32> to vector<128x64xf32>
    %add3A_219 = arith.addf %add3A_215, %add3A_218 : vector<128x64xf32>
    %mul3A_220 = arith.mulf %add3A_219, %slice3A_216 : vector<128x64xf32>
    %reduce_sum3A_221 = arith.constant dense<0.000000e+00> : vector<128xf32>
    %reduce_sum3A_222 = vector.multi_reduction <add>, %mul3A_220, %reduce_sum3A_221 [1] : vector<128x64xf32> to vector<128xf32>
    %broadcast_in_dim3A_223 = vector.shape_cast %reduce_sum3A_222 : vector<128xf32> to vector<128x1xf32>
    %add3A_224 = vector.broadcast %mul3A_210 : vector<1x64xf32> to vector<128x64xf32>
    %add3A_225 = arith.addf %add3A_215, %add3A_224 : vector<128x64xf32>
    %mul3A_226 = arith.mulf %add3A_225, %slice3A_217 : vector<128x64xf32>
    %reduce_sum3A_227 = arith.constant dense<0.000000e+00> : vector<128xf32>
    %reduce_sum3A_228 = vector.multi_reduction <add>, %mul3A_226, %reduce_sum3A_227 [1] : vector<128x64xf32> to vector<128xf32>
    %broadcast_in_dim3A_229 = vector.shape_cast %reduce_sum3A_228 : vector<128xf32> to vector<128x1xf32>
    %slice3A_230 = vector.extract_strided_slice %dot_general3A_188 {offsets = [1, 0], sizes = [1, 64], strides = [1, 1]} : vector<16x64xf32> to vector<1x64xf32>
    %add3A_231 = vector.broadcast %slice3A_230 : vector<1x64xf32> to vector<128x64xf32>
    %add3A_232 = arith.addf %dot_general3A_94, %add3A_231 : vector<128x64xf32>
    %slice3A_233 = vector.extract_strided_slice %convert_element_type3A_77 {offsets = [128, 0], sizes = [128, 64], strides = [1, 1]} : vector<2048x64xf32> to vector<128x64xf32>
    %slice3A_234 = vector.extract_strided_slice %convert_element_type3A_81 {offsets = [128, 0], sizes = [128, 64], strides = [1, 1]} : vector<2048x64xf32> to vector<128x64xf32>
    %add3A_235 = vector.broadcast %mul3A_210 : vector<1x64xf32> to vector<128x64xf32>
    %add3A_236 = arith.addf %add3A_232, %add3A_235 : vector<128x64xf32>
    %mul3A_237 = arith.mulf %add3A_236, %slice3A_233 : vector<128x64xf32>
    %reduce_sum3A_238 = arith.constant dense<0.000000e+00> : vector<128xf32>
    %reduce_sum3A_239 = vector.multi_reduction <add>, %mul3A_237, %reduce_sum3A_238 [1] : vector<128x64xf32> to vector<128xf32>
    %broadcast_in_dim3A_240 = vector.shape_cast %reduce_sum3A_239 : vector<128xf32> to vector<128x1xf32>
    %add3A_241 = vector.broadcast %mul3A_210 : vector<1x64xf32> to vector<128x64xf32>
    %add3A_242 = arith.addf %add3A_232, %add3A_241 : vector<128x64xf32>
    %mul3A_243 = arith.mulf %add3A_242, %slice3A_234 : vector<128x64xf32>
    %reduce_sum3A_244 = arith.constant dense<0.000000e+00> : vector<128xf32>
    %reduce_sum3A_245 = vector.multi_reduction <add>, %mul3A_243, %reduce_sum3A_244 [1] : vector<128x64xf32> to vector<128xf32>
    %broadcast_in_dim3A_246 = vector.shape_cast %reduce_sum3A_245 : vector<128xf32> to vector<128x1xf32>
    %slice3A_247 = vector.extract_strided_slice %dot_general3A_188 {offsets = [2, 0], sizes = [1, 64], strides = [1, 1]} : vector<16x64xf32> to vector<1x64xf32>
    %add3A_248 = vector.broadcast %slice3A_247 : vector<1x64xf32> to vector<128x64xf32>
    %add3A_249 = arith.addf %dot_general3A_100, %add3A_248 : vector<128x64xf32>
    %slice3A_250 = vector.extract_strided_slice %convert_element_type3A_77 {offsets = [256, 0], sizes = [128, 64], strides = [1, 1]} : vector<2048x64xf32> to vector<128x64xf32>
    %slice3A_251 = vector.extract_strided_slice %convert_element_type3A_81 {offsets = [256, 0], sizes = [128, 64], strides = [1, 1]} : vector<2048x64xf32> to vector<128x64xf32>
    %add3A_252 = vector.broadcast %mul3A_210 : vector<1x64xf32> to vector<128x64xf32>
    %add3A_253 = arith.addf %add3A_249, %add3A_252 : vector<128x64xf32>
    %mul3A_254 = arith.mulf %add3A_253, %slice3A_250 : vector<128x64xf32>
    %reduce_sum3A_255 = arith.constant dense<0.000000e+00> : vector<128xf32>
    %reduce_sum3A_256 = vector.multi_reduction <add>, %mul3A_254, %reduce_sum3A_255 [1] : vector<128x64xf32> to vector<128xf32>
    %broadcast_in_dim3A_257 = vector.shape_cast %reduce_sum3A_256 : vector<128xf32> to vector<128x1xf32>
    %add3A_258 = vector.broadcast %mul3A_210 : vector<1x64xf32> to vector<128x64xf32>
    %add3A_259 = arith.addf %add3A_249, %add3A_258 : vector<128x64xf32>
    %mul3A_260 = arith.mulf %add3A_259, %slice3A_251 : vector<128x64xf32>
    %reduce_sum3A_261 = arith.constant dense<0.000000e+00> : vector<128xf32>
    %reduce_sum3A_262 = vector.multi_reduction <add>, %mul3A_260, %reduce_sum3A_261 [1] : vector<128x64xf32> to vector<128xf32>
    %broadcast_in_dim3A_263 = vector.shape_cast %reduce_sum3A_262 : vector<128xf32> to vector<128x1xf32>
    %slice3A_264 = vector.extract_strided_slice %dot_general3A_188 {offsets = [3, 0], sizes = [1, 64], strides = [1, 1]} : vector<16x64xf32> to vector<1x64xf32>
    %add3A_265 = vector.broadcast %slice3A_264 : vector<1x64xf32> to vector<128x64xf32>
    %add3A_266 = arith.addf %dot_general3A_106, %add3A_265 : vector<128x64xf32>
    %slice3A_267 = vector.extract_strided_slice %convert_element_type3A_77 {offsets = [384, 0], sizes = [128, 64], strides = [1, 1]} : vector<2048x64xf32> to vector<128x64xf32>
    %slice3A_268 = vector.extract_strided_slice %convert_element_type3A_81 {offsets = [384, 0], sizes = [128, 64], strides = [1, 1]} : vector<2048x64xf32> to vector<128x64xf32>
    %add3A_269 = vector.broadcast %mul3A_210 : vector<1x64xf32> to vector<128x64xf32>
    %add3A_270 = arith.addf %add3A_266, %add3A_269 : vector<128x64xf32>
    %mul3A_271 = arith.mulf %add3A_270, %slice3A_267 : vector<128x64xf32>
    %reduce_sum3A_272 = arith.constant dense<0.000000e+00> : vector<128xf32>
    %reduce_sum3A_273 = vector.multi_reduction <add>, %mul3A_271, %reduce_sum3A_272 [1] : vector<128x64xf32> to vector<128xf32>
    %broadcast_in_dim3A_274 = vector.shape_cast %reduce_sum3A_273 : vector<128xf32> to vector<128x1xf32>
    %add3A_275 = vector.broadcast %mul3A_210 : vector<1x64xf32> to vector<128x64xf32>
    %add3A_276 = arith.addf %add3A_266, %add3A_275 : vector<128x64xf32>
    %mul3A_277 = arith.mulf %add3A_276, %slice3A_268 : vector<128x64xf32>
    %reduce_sum3A_278 = arith.constant dense<0.000000e+00> : vector<128xf32>
    %reduce_sum3A_279 = vector.multi_reduction <add>, %mul3A_277, %reduce_sum3A_278 [1] : vector<128x64xf32> to vector<128xf32>
    %broadcast_in_dim3A_280 = vector.shape_cast %reduce_sum3A_279 : vector<128xf32> to vector<128x1xf32>
    %slice3A_281 = vector.extract_strided_slice %dot_general3A_188 {offsets = [4, 0], sizes = [1, 64], strides = [1, 1]} : vector<16x64xf32> to vector<1x64xf32>
    %add3A_282 = vector.broadcast %slice3A_281 : vector<1x64xf32> to vector<128x64xf32>
    %add3A_283 = arith.addf %dot_general3A_112, %add3A_282 : vector<128x64xf32>
    %slice3A_284 = vector.extract_strided_slice %convert_element_type3A_77 {offsets = [512, 0], sizes = [128, 64], strides = [1, 1]} : vector<2048x64xf32> to vector<128x64xf32>
    %slice3A_285 = vector.extract_strided_slice %convert_element_type3A_81 {offsets = [512, 0], sizes = [128, 64], strides = [1, 1]} : vector<2048x64xf32> to vector<128x64xf32>
    %add3A_286 = vector.broadcast %mul3A_210 : vector<1x64xf32> to vector<128x64xf32>
    %add3A_287 = arith.addf %add3A_283, %add3A_286 : vector<128x64xf32>
    %mul3A_288 = arith.mulf %add3A_287, %slice3A_284 : vector<128x64xf32>
    %reduce_sum3A_289 = arith.constant dense<0.000000e+00> : vector<128xf32>
    %reduce_sum3A_290 = vector.multi_reduction <add>, %mul3A_288, %reduce_sum3A_289 [1] : vector<128x64xf32> to vector<128xf32>
    %broadcast_in_dim3A_291 = vector.shape_cast %reduce_sum3A_290 : vector<128xf32> to vector<128x1xf32>
    %add3A_292 = vector.broadcast %mul3A_210 : vector<1x64xf32> to vector<128x64xf32>
    %add3A_293 = arith.addf %add3A_283, %add3A_292 : vector<128x64xf32>
    %mul3A_294 = arith.mulf %add3A_293, %slice3A_285 : vector<128x64xf32>
    %reduce_sum3A_295 = arith.constant dense<0.000000e+00> : vector<128xf32>
    %reduce_sum3A_296 = vector.multi_reduction <add>, %mul3A_294, %reduce_sum3A_295 [1] : vector<128x64xf32> to vector<128xf32>
    %broadcast_in_dim3A_297 = vector.shape_cast %reduce_sum3A_296 : vector<128xf32> to vector<128x1xf32>
    %slice3A_298 = vector.extract_strided_slice %dot_general3A_188 {offsets = [5, 0], sizes = [1, 64], strides = [1, 1]} : vector<16x64xf32> to vector<1x64xf32>
    %add3A_299 = vector.broadcast %slice3A_298 : vector<1x64xf32> to vector<128x64xf32>
    %add3A_300 = arith.addf %dot_general3A_118, %add3A_299 : vector<128x64xf32>
    %slice3A_301 = vector.extract_strided_slice %convert_element_type3A_77 {offsets = [640, 0], sizes = [128, 64], strides = [1, 1]} : vector<2048x64xf32> to vector<128x64xf32>
    %slice3A_302 = vector.extract_strided_slice %convert_element_type3A_81 {offsets = [640, 0], sizes = [128, 64], strides = [1, 1]} : vector<2048x64xf32> to vector<128x64xf32>
    %add3A_303 = vector.broadcast %mul3A_210 : vector<1x64xf32> to vector<128x64xf32>
    %add3A_304 = arith.addf %add3A_300, %add3A_303 : vector<128x64xf32>
    %mul3A_305 = arith.mulf %add3A_304, %slice3A_301 : vector<128x64xf32>
    %reduce_sum3A_306 = arith.constant dense<0.000000e+00> : vector<128xf32>
    %reduce_sum3A_307 = vector.multi_reduction <add>, %mul3A_305, %reduce_sum3A_306 [1] : vector<128x64xf32> to vector<128xf32>
    %broadcast_in_dim3A_308 = vector.shape_cast %reduce_sum3A_307 : vector<128xf32> to vector<128x1xf32>
    %add3A_309 = vector.broadcast %mul3A_210 : vector<1x64xf32> to vector<128x64xf32>
    %add3A_310 = arith.addf %add3A_300, %add3A_309 : vector<128x64xf32>
    %mul3A_311 = arith.mulf %add3A_310, %slice3A_302 : vector<128x64xf32>
    %reduce_sum3A_312 = arith.constant dense<0.000000e+00> : vector<128xf32>
    %reduce_sum3A_313 = vector.multi_reduction <add>, %mul3A_311, %reduce_sum3A_312 [1] : vector<128x64xf32> to vector<128xf32>
    %broadcast_in_dim3A_314 = vector.shape_cast %reduce_sum3A_313 : vector<128xf32> to vector<128x1xf32>
    %slice3A_315 = vector.extract_strided_slice %dot_general3A_188 {offsets = [6, 0], sizes = [1, 64], strides = [1, 1]} : vector<16x64xf32> to vector<1x64xf32>
    %add3A_316 = vector.broadcast %slice3A_315 : vector<1x64xf32> to vector<128x64xf32>
    %add3A_317 = arith.addf %dot_general3A_124, %add3A_316 : vector<128x64xf32>
    %slice3A_318 = vector.extract_strided_slice %convert_element_type3A_77 {offsets = [768, 0], sizes = [128, 64], strides = [1, 1]} : vector<2048x64xf32> to vector<128x64xf32>
    %slice3A_319 = vector.extract_strided_slice %convert_element_type3A_81 {offsets = [768, 0], sizes = [128, 64], strides = [1, 1]} : vector<2048x64xf32> to vector<128x64xf32>
    %add3A_320 = vector.broadcast %mul3A_210 : vector<1x64xf32> to vector<128x64xf32>
    %add3A_321 = arith.addf %add3A_317, %add3A_320 : vector<128x64xf32>
    %mul3A_322 = arith.mulf %add3A_321, %slice3A_318 : vector<128x64xf32>
    %reduce_sum3A_323 = arith.constant dense<0.000000e+00> : vector<128xf32>
    %reduce_sum3A_324 = vector.multi_reduction <add>, %mul3A_322, %reduce_sum3A_323 [1] : vector<128x64xf32> to vector<128xf32>
    %broadcast_in_dim3A_325 = vector.shape_cast %reduce_sum3A_324 : vector<128xf32> to vector<128x1xf32>
    %add3A_326 = vector.broadcast %mul3A_210 : vector<1x64xf32> to vector<128x64xf32>
    %add3A_327 = arith.addf %add3A_317, %add3A_326 : vector<128x64xf32>
    %mul3A_328 = arith.mulf %add3A_327, %slice3A_319 : vector<128x64xf32>
    %reduce_sum3A_329 = arith.constant dense<0.000000e+00> : vector<128xf32>
    %reduce_sum3A_330 = vector.multi_reduction <add>, %mul3A_328, %reduce_sum3A_329 [1] : vector<128x64xf32> to vector<128xf32>
    %broadcast_in_dim3A_331 = vector.shape_cast %reduce_sum3A_330 : vector<128xf32> to vector<128x1xf32>
    %slice3A_332 = vector.extract_strided_slice %dot_general3A_188 {offsets = [7, 0], sizes = [1, 64], strides = [1, 1]} : vector<16x64xf32> to vector<1x64xf32>
    %add3A_333 = vector.broadcast %slice3A_332 : vector<1x64xf32> to vector<128x64xf32>
    %add3A_334 = arith.addf %dot_general3A_130, %add3A_333 : vector<128x64xf32>
    %slice3A_335 = vector.extract_strided_slice %convert_element_type3A_77 {offsets = [896, 0], sizes = [128, 64], strides = [1, 1]} : vector<2048x64xf32> to vector<128x64xf32>
    %slice3A_336 = vector.extract_strided_slice %convert_element_type3A_81 {offsets = [896, 0], sizes = [128, 64], strides = [1, 1]} : vector<2048x64xf32> to vector<128x64xf32>
    %add3A_337 = vector.broadcast %mul3A_210 : vector<1x64xf32> to vector<128x64xf32>
    %add3A_338 = arith.addf %add3A_334, %add3A_337 : vector<128x64xf32>
    %mul3A_339 = arith.mulf %add3A_338, %slice3A_335 : vector<128x64xf32>
    %reduce_sum3A_340 = arith.constant dense<0.000000e+00> : vector<128xf32>
    %reduce_sum3A_341 = vector.multi_reduction <add>, %mul3A_339, %reduce_sum3A_340 [1] : vector<128x64xf32> to vector<128xf32>
    %broadcast_in_dim3A_342 = vector.shape_cast %reduce_sum3A_341 : vector<128xf32> to vector<128x1xf32>
    %add3A_343 = vector.broadcast %mul3A_210 : vector<1x64xf32> to vector<128x64xf32>
    %add3A_344 = arith.addf %add3A_334, %add3A_343 : vector<128x64xf32>
    %mul3A_345 = arith.mulf %add3A_344, %slice3A_336 : vector<128x64xf32>
    %reduce_sum3A_346 = arith.constant dense<0.000000e+00> : vector<128xf32>
    %reduce_sum3A_347 = vector.multi_reduction <add>, %mul3A_345, %reduce_sum3A_346 [1] : vector<128x64xf32> to vector<128xf32>
    %broadcast_in_dim3A_348 = vector.shape_cast %reduce_sum3A_347 : vector<128xf32> to vector<128x1xf32>
    %slice3A_349 = vector.extract_strided_slice %dot_general3A_188 {offsets = [8, 0], sizes = [1, 64], strides = [1, 1]} : vector<16x64xf32> to vector<1x64xf32>
    %add3A_350 = vector.broadcast %slice3A_349 : vector<1x64xf32> to vector<128x64xf32>
    %add3A_351 = arith.addf %dot_general3A_136, %add3A_350 : vector<128x64xf32>
    %slice3A_352 = vector.extract_strided_slice %convert_element_type3A_77 {offsets = [1024, 0], sizes = [128, 64], strides = [1, 1]} : vector<2048x64xf32> to vector<128x64xf32>
    %slice3A_353 = vector.extract_strided_slice %convert_element_type3A_81 {offsets = [1024, 0], sizes = [128, 64], strides = [1, 1]} : vector<2048x64xf32> to vector<128x64xf32>
    %add3A_354 = vector.broadcast %mul3A_210 : vector<1x64xf32> to vector<128x64xf32>
    %add3A_355 = arith.addf %add3A_351, %add3A_354 : vector<128x64xf32>
    %mul3A_356 = arith.mulf %add3A_355, %slice3A_352 : vector<128x64xf32>
    %reduce_sum3A_357 = arith.constant dense<0.000000e+00> : vector<128xf32>
    %reduce_sum3A_358 = vector.multi_reduction <add>, %mul3A_356, %reduce_sum3A_357 [1] : vector<128x64xf32> to vector<128xf32>
    %broadcast_in_dim3A_359 = vector.shape_cast %reduce_sum3A_358 : vector<128xf32> to vector<128x1xf32>
    %add3A_360 = vector.broadcast %mul3A_210 : vector<1x64xf32> to vector<128x64xf32>
    %add3A_361 = arith.addf %add3A_351, %add3A_360 : vector<128x64xf32>
    %mul3A_362 = arith.mulf %add3A_361, %slice3A_353 : vector<128x64xf32>
    %reduce_sum3A_363 = arith.constant dense<0.000000e+00> : vector<128xf32>
    %reduce_sum3A_364 = vector.multi_reduction <add>, %mul3A_362, %reduce_sum3A_363 [1] : vector<128x64xf32> to vector<128xf32>
    %broadcast_in_dim3A_365 = vector.shape_cast %reduce_sum3A_364 : vector<128xf32> to vector<128x1xf32>
    %slice3A_366 = vector.extract_strided_slice %dot_general3A_188 {offsets = [9, 0], sizes = [1, 64], strides = [1, 1]} : vector<16x64xf32> to vector<1x64xf32>
    %add3A_367 = vector.broadcast %slice3A_366 : vector<1x64xf32> to vector<128x64xf32>
    %add3A_368 = arith.addf %dot_general3A_142, %add3A_367 : vector<128x64xf32>
    %slice3A_369 = vector.extract_strided_slice %convert_element_type3A_77 {offsets = [1152, 0], sizes = [128, 64], strides = [1, 1]} : vector<2048x64xf32> to vector<128x64xf32>
    %slice3A_370 = vector.extract_strided_slice %convert_element_type3A_81 {offsets = [1152, 0], sizes = [128, 64], strides = [1, 1]} : vector<2048x64xf32> to vector<128x64xf32>
    %add3A_371 = vector.broadcast %mul3A_210 : vector<1x64xf32> to vector<128x64xf32>
    %add3A_372 = arith.addf %add3A_368, %add3A_371 : vector<128x64xf32>
    %mul3A_373 = arith.mulf %add3A_372, %slice3A_369 : vector<128x64xf32>
    %reduce_sum3A_374 = arith.constant dense<0.000000e+00> : vector<128xf32>
    %reduce_sum3A_375 = vector.multi_reduction <add>, %mul3A_373, %reduce_sum3A_374 [1] : vector<128x64xf32> to vector<128xf32>
    %broadcast_in_dim3A_376 = vector.shape_cast %reduce_sum3A_375 : vector<128xf32> to vector<128x1xf32>
    %add3A_377 = vector.broadcast %mul3A_210 : vector<1x64xf32> to vector<128x64xf32>
    %add3A_378 = arith.addf %add3A_368, %add3A_377 : vector<128x64xf32>
    %mul3A_379 = arith.mulf %add3A_378, %slice3A_370 : vector<128x64xf32>
    %reduce_sum3A_380 = arith.constant dense<0.000000e+00> : vector<128xf32>
    %reduce_sum3A_381 = vector.multi_reduction <add>, %mul3A_379, %reduce_sum3A_380 [1] : vector<128x64xf32> to vector<128xf32>
    %broadcast_in_dim3A_382 = vector.shape_cast %reduce_sum3A_381 : vector<128xf32> to vector<128x1xf32>
    %slice3A_383 = vector.extract_strided_slice %dot_general3A_188 {offsets = [10, 0], sizes = [1, 64], strides = [1, 1]} : vector<16x64xf32> to vector<1x64xf32>
    %add3A_384 = vector.broadcast %slice3A_383 : vector<1x64xf32> to vector<128x64xf32>
    %add3A_385 = arith.addf %dot_general3A_148, %add3A_384 : vector<128x64xf32>
    %slice3A_386 = vector.extract_strided_slice %convert_element_type3A_77 {offsets = [1280, 0], sizes = [128, 64], strides = [1, 1]} : vector<2048x64xf32> to vector<128x64xf32>
    %slice3A_387 = vector.extract_strided_slice %convert_element_type3A_81 {offsets = [1280, 0], sizes = [128, 64], strides = [1, 1]} : vector<2048x64xf32> to vector<128x64xf32>
    %add3A_388 = vector.broadcast %mul3A_210 : vector<1x64xf32> to vector<128x64xf32>
    %add3A_389 = arith.addf %add3A_385, %add3A_388 : vector<128x64xf32>
    %mul3A_390 = arith.mulf %add3A_389, %slice3A_386 : vector<128x64xf32>
    %reduce_sum3A_391 = arith.constant dense<0.000000e+00> : vector<128xf32>
    %reduce_sum3A_392 = vector.multi_reduction <add>, %mul3A_390, %reduce_sum3A_391 [1] : vector<128x64xf32> to vector<128xf32>
    %broadcast_in_dim3A_393 = vector.shape_cast %reduce_sum3A_392 : vector<128xf32> to vector<128x1xf32>
    %add3A_394 = vector.broadcast %mul3A_210 : vector<1x64xf32> to vector<128x64xf32>
    %add3A_395 = arith.addf %add3A_385, %add3A_394 : vector<128x64xf32>
    %mul3A_396 = arith.mulf %add3A_395, %slice3A_387 : vector<128x64xf32>
    %reduce_sum3A_397 = arith.constant dense<0.000000e+00> : vector<128xf32>
    %reduce_sum3A_398 = vector.multi_reduction <add>, %mul3A_396, %reduce_sum3A_397 [1] : vector<128x64xf32> to vector<128xf32>
    %broadcast_in_dim3A_399 = vector.shape_cast %reduce_sum3A_398 : vector<128xf32> to vector<128x1xf32>
    %slice3A_400 = vector.extract_strided_slice %dot_general3A_188 {offsets = [11, 0], sizes = [1, 64], strides = [1, 1]} : vector<16x64xf32> to vector<1x64xf32>
    %add3A_401 = vector.broadcast %slice3A_400 : vector<1x64xf32> to vector<128x64xf32>
    %add3A_402 = arith.addf %dot_general3A_154, %add3A_401 : vector<128x64xf32>
    %slice3A_403 = vector.extract_strided_slice %convert_element_type3A_77 {offsets = [1408, 0], sizes = [128, 64], strides = [1, 1]} : vector<2048x64xf32> to vector<128x64xf32>
    %slice3A_404 = vector.extract_strided_slice %convert_element_type3A_81 {offsets = [1408, 0], sizes = [128, 64], strides = [1, 1]} : vector<2048x64xf32> to vector<128x64xf32>
    %add3A_405 = vector.broadcast %mul3A_210 : vector<1x64xf32> to vector<128x64xf32>
    %add3A_406 = arith.addf %add3A_402, %add3A_405 : vector<128x64xf32>
    %mul3A_407 = arith.mulf %add3A_406, %slice3A_403 : vector<128x64xf32>
    %reduce_sum3A_408 = arith.constant dense<0.000000e+00> : vector<128xf32>
    %reduce_sum3A_409 = vector.multi_reduction <add>, %mul3A_407, %reduce_sum3A_408 [1] : vector<128x64xf32> to vector<128xf32>
    %broadcast_in_dim3A_410 = vector.shape_cast %reduce_sum3A_409 : vector<128xf32> to vector<128x1xf32>
    %add3A_411 = vector.broadcast %mul3A_210 : vector<1x64xf32> to vector<128x64xf32>
    %add3A_412 = arith.addf %add3A_402, %add3A_411 : vector<128x64xf32>
    %mul3A_413 = arith.mulf %add3A_412, %slice3A_404 : vector<128x64xf32>
    %reduce_sum3A_414 = arith.constant dense<0.000000e+00> : vector<128xf32>
    %reduce_sum3A_415 = vector.multi_reduction <add>, %mul3A_413, %reduce_sum3A_414 [1] : vector<128x64xf32> to vector<128xf32>
    %broadcast_in_dim3A_416 = vector.shape_cast %reduce_sum3A_415 : vector<128xf32> to vector<128x1xf32>
    %slice3A_417 = vector.extract_strided_slice %dot_general3A_188 {offsets = [12, 0], sizes = [1, 64], strides = [1, 1]} : vector<16x64xf32> to vector<1x64xf32>
    %add3A_418 = vector.broadcast %slice3A_417 : vector<1x64xf32> to vector<128x64xf32>
    %add3A_419 = arith.addf %dot_general3A_160, %add3A_418 : vector<128x64xf32>
    %slice3A_420 = vector.extract_strided_slice %convert_element_type3A_77 {offsets = [1536, 0], sizes = [128, 64], strides = [1, 1]} : vector<2048x64xf32> to vector<128x64xf32>
    %slice3A_421 = vector.extract_strided_slice %convert_element_type3A_81 {offsets = [1536, 0], sizes = [128, 64], strides = [1, 1]} : vector<2048x64xf32> to vector<128x64xf32>
    %add3A_422 = vector.broadcast %mul3A_210 : vector<1x64xf32> to vector<128x64xf32>
    %add3A_423 = arith.addf %add3A_419, %add3A_422 : vector<128x64xf32>
    %mul3A_424 = arith.mulf %add3A_423, %slice3A_420 : vector<128x64xf32>
    %reduce_sum3A_425 = arith.constant dense<0.000000e+00> : vector<128xf32>
    %reduce_sum3A_426 = vector.multi_reduction <add>, %mul3A_424, %reduce_sum3A_425 [1] : vector<128x64xf32> to vector<128xf32>
    %broadcast_in_dim3A_427 = vector.shape_cast %reduce_sum3A_426 : vector<128xf32> to vector<128x1xf32>
    %add3A_428 = vector.broadcast %mul3A_210 : vector<1x64xf32> to vector<128x64xf32>
    %add3A_429 = arith.addf %add3A_419, %add3A_428 : vector<128x64xf32>
    %mul3A_430 = arith.mulf %add3A_429, %slice3A_421 : vector<128x64xf32>
    %reduce_sum3A_431 = arith.constant dense<0.000000e+00> : vector<128xf32>
    %reduce_sum3A_432 = vector.multi_reduction <add>, %mul3A_430, %reduce_sum3A_431 [1] : vector<128x64xf32> to vector<128xf32>
    %broadcast_in_dim3A_433 = vector.shape_cast %reduce_sum3A_432 : vector<128xf32> to vector<128x1xf32>
    %slice3A_434 = vector.extract_strided_slice %dot_general3A_188 {offsets = [13, 0], sizes = [1, 64], strides = [1, 1]} : vector<16x64xf32> to vector<1x64xf32>
    %add3A_435 = vector.broadcast %slice3A_434 : vector<1x64xf32> to vector<128x64xf32>
    %add3A_436 = arith.addf %dot_general3A_166, %add3A_435 : vector<128x64xf32>
    %slice3A_437 = vector.extract_strided_slice %convert_element_type3A_77 {offsets = [1664, 0], sizes = [128, 64], strides = [1, 1]} : vector<2048x64xf32> to vector<128x64xf32>
    %slice3A_438 = vector.extract_strided_slice %convert_element_type3A_81 {offsets = [1664, 0], sizes = [128, 64], strides = [1, 1]} : vector<2048x64xf32> to vector<128x64xf32>
    %add3A_439 = vector.broadcast %mul3A_210 : vector<1x64xf32> to vector<128x64xf32>
    %add3A_440 = arith.addf %add3A_436, %add3A_439 : vector<128x64xf32>
    %mul3A_441 = arith.mulf %add3A_440, %slice3A_437 : vector<128x64xf32>
    %reduce_sum3A_442 = arith.constant dense<0.000000e+00> : vector<128xf32>
    %reduce_sum3A_443 = vector.multi_reduction <add>, %mul3A_441, %reduce_sum3A_442 [1] : vector<128x64xf32> to vector<128xf32>
    %broadcast_in_dim3A_444 = vector.shape_cast %reduce_sum3A_443 : vector<128xf32> to vector<128x1xf32>
    %add3A_445 = vector.broadcast %mul3A_210 : vector<1x64xf32> to vector<128x64xf32>
    %add3A_446 = arith.addf %add3A_436, %add3A_445 : vector<128x64xf32>
    %mul3A_447 = arith.mulf %add3A_446, %slice3A_438 : vector<128x64xf32>
    %reduce_sum3A_448 = arith.constant dense<0.000000e+00> : vector<128xf32>
    %reduce_sum3A_449 = vector.multi_reduction <add>, %mul3A_447, %reduce_sum3A_448 [1] : vector<128x64xf32> to vector<128xf32>
    %broadcast_in_dim3A_450 = vector.shape_cast %reduce_sum3A_449 : vector<128xf32> to vector<128x1xf32>
    %slice3A_451 = vector.extract_strided_slice %dot_general3A_188 {offsets = [14, 0], sizes = [1, 64], strides = [1, 1]} : vector<16x64xf32> to vector<1x64xf32>
    %add3A_452 = vector.broadcast %slice3A_451 : vector<1x64xf32> to vector<128x64xf32>
    %add3A_453 = arith.addf %dot_general3A_172, %add3A_452 : vector<128x64xf32>
    %slice3A_454 = vector.extract_strided_slice %convert_element_type3A_77 {offsets = [1792, 0], sizes = [128, 64], strides = [1, 1]} : vector<2048x64xf32> to vector<128x64xf32>
    %slice3A_455 = vector.extract_strided_slice %convert_element_type3A_81 {offsets = [1792, 0], sizes = [128, 64], strides = [1, 1]} : vector<2048x64xf32> to vector<128x64xf32>
    %add3A_456 = vector.broadcast %mul3A_210 : vector<1x64xf32> to vector<128x64xf32>
    %add3A_457 = arith.addf %add3A_453, %add3A_456 : vector<128x64xf32>
    %mul3A_458 = arith.mulf %add3A_457, %slice3A_454 : vector<128x64xf32>
    %reduce_sum3A_459 = arith.constant dense<0.000000e+00> : vector<128xf32>
    %reduce_sum3A_460 = vector.multi_reduction <add>, %mul3A_458, %reduce_sum3A_459 [1] : vector<128x64xf32> to vector<128xf32>
    %broadcast_in_dim3A_461 = vector.shape_cast %reduce_sum3A_460 : vector<128xf32> to vector<128x1xf32>
    %add3A_462 = vector.broadcast %mul3A_210 : vector<1x64xf32> to vector<128x64xf32>
    %add3A_463 = arith.addf %add3A_453, %add3A_462 : vector<128x64xf32>
    %mul3A_464 = arith.mulf %add3A_463, %slice3A_455 : vector<128x64xf32>
    %reduce_sum3A_465 = arith.constant dense<0.000000e+00> : vector<128xf32>
    %reduce_sum3A_466 = vector.multi_reduction <add>, %mul3A_464, %reduce_sum3A_465 [1] : vector<128x64xf32> to vector<128xf32>
    %broadcast_in_dim3A_467 = vector.shape_cast %reduce_sum3A_466 : vector<128xf32> to vector<128x1xf32>
    %slice3A_468 = vector.extract_strided_slice %dot_general3A_188 {offsets = [15, 0], sizes = [1, 64], strides = [1, 1]} : vector<16x64xf32> to vector<1x64xf32>
    %add3A_469 = vector.broadcast %slice3A_468 : vector<1x64xf32> to vector<128x64xf32>
    %add3A_470 = arith.addf %dot_general3A_178, %add3A_469 : vector<128x64xf32>
    %slice3A_471 = vector.extract_strided_slice %convert_element_type3A_77 {offsets = [1920, 0], sizes = [128, 64], strides = [1, 1]} : vector<2048x64xf32> to vector<128x64xf32>
    %slice3A_472 = vector.extract_strided_slice %convert_element_type3A_81 {offsets = [1920, 0], sizes = [128, 64], strides = [1, 1]} : vector<2048x64xf32> to vector<128x64xf32>
    %add3A_473 = vector.broadcast %mul3A_210 : vector<1x64xf32> to vector<128x64xf32>
    %add3A_474 = arith.addf %add3A_470, %add3A_473 : vector<128x64xf32>
    %mul3A_475 = arith.mulf %add3A_474, %slice3A_471 : vector<128x64xf32>
    %reduce_sum3A_476 = arith.constant dense<0.000000e+00> : vector<128xf32>
    %reduce_sum3A_477 = vector.multi_reduction <add>, %mul3A_475, %reduce_sum3A_476 [1] : vector<128x64xf32> to vector<128xf32>
    %broadcast_in_dim3A_478 = vector.shape_cast %reduce_sum3A_477 : vector<128xf32> to vector<128x1xf32>
    %add3A_479 = vector.broadcast %mul3A_210 : vector<1x64xf32> to vector<128x64xf32>
    %add3A_480 = arith.addf %add3A_470, %add3A_479 : vector<128x64xf32>
    %mul3A_481 = arith.mulf %add3A_480, %slice3A_472 : vector<128x64xf32>
    %reduce_sum3A_482 = arith.constant dense<0.000000e+00> : vector<128xf32>
    %reduce_sum3A_483 = vector.multi_reduction <add>, %mul3A_481, %reduce_sum3A_482 [1] : vector<128x64xf32> to vector<128xf32>
    %broadcast_in_dim3A_484 = vector.shape_cast %reduce_sum3A_483 : vector<128xf32> to vector<128x1xf32>
    %concatenate3A_485 = tpu.concatenate %broadcast_in_dim3A_223, %broadcast_in_dim3A_240, %broadcast_in_dim3A_257, %broadcast_in_dim3A_274, %broadcast_in_dim3A_291, %broadcast_in_dim3A_308, %broadcast_in_dim3A_325, %broadcast_in_dim3A_342, %broadcast_in_dim3A_359, %broadcast_in_dim3A_376, %broadcast_in_dim3A_393, %broadcast_in_dim3A_410, %broadcast_in_dim3A_427, %broadcast_in_dim3A_444, %broadcast_in_dim3A_461, %broadcast_in_dim3A_478 in 0 : vector<128x1xf32>, vector<128x1xf32>, vector<128x1xf32>, vector<128x1xf32>, vector<128x1xf32>, vector<128x1xf32>, vector<128x1xf32>, vector<128x1xf32>, vector<128x1xf32>, vector<128x1xf32>, vector<128x1xf32>, vector<128x1xf32>, vector<128x1xf32>, vector<128x1xf32>, vector<128x1xf32>, vector<128x1xf32> -> vector<2048x1xf32>
    %convert_element_type3A_486 = arith.fptosi %concatenate3A_485 : vector<2048x1xf32> to vector<2048x1xi32>
    %swap3A_487 = arith.constant 0 : index
    %swap3A_488 = arith.constant 0 : index
    %swap3A_489 = vector.load %arg2[%swap3A_487, %swap3A_488] : memref<2048x1xi32, #tpu.memory_space<vmem>>, vector<2048x1xi32>
    tpu.vector_store %arg2[%swap3A_487, %swap3A_488], %convert_element_type3A_486 {strides = array<i32>} : memref<2048x1xi32, #tpu.memory_space<vmem>>, vector<2048x1xi32>,
    %concatenate3A_490 = tpu.concatenate %broadcast_in_dim3A_229, %broadcast_in_dim3A_246, %broadcast_in_dim3A_263, %broadcast_in_dim3A_280, %broadcast_in_dim3A_297, %broadcast_in_dim3A_314, %broadcast_in_dim3A_331, %broadcast_in_dim3A_348, %broadcast_in_dim3A_365, %broadcast_in_dim3A_382, %broadcast_in_dim3A_399, %broadcast_in_dim3A_416, %broadcast_in_dim3A_433, %broadcast_in_dim3A_450, %broadcast_in_dim3A_467, %broadcast_in_dim3A_484 in 0 : vector<128x1xf32>, vector<128x1xf32>, vector<128x1xf32>, vector<128x1xf32>, vector<128x1xf32>, vector<128x1xf32>, vector<128x1xf32>, vector<128x1xf32>, vector<128x1xf32>, vector<128x1xf32>, vector<128x1xf32>, vector<128x1xf32>, vector<128x1xf32>, vector<128x1xf32>, vector<128x1xf32>, vector<128x1xf32> -> vector<2048x1xf32>
    %mul3A_491 = arith.mulf %convert_element_type3A_77, %convert_element_type3A_81 : vector<2048x64xf32>
    %reduce_sum3A_492 = arith.constant dense<0.000000e+00> : vector<2048xf32>
    %reduce_sum3A_493 = vector.multi_reduction <add>, %mul3A_491, %reduce_sum3A_492 [1] : vector<2048x64xf32> to vector<2048xf32>
    %broadcast_in_dim3A_494 = vector.shape_cast %reduce_sum3A_493 : vector<2048xf32> to vector<2048x1xf32>
    %add3A_495 = arith.addf %concatenate3A_490, %broadcast_in_dim3A_494 : vector<2048x1xf32>
    %convert_element_type3A_496 = arith.fptosi %add3A_495 : vector<2048x1xf32> to vector<2048x1xi32>
    %swap3A_497 = arith.constant 0 : index
    %swap3A_498 = arith.constant 0 : index
    %swap3A_499 = vector.load %arg3[%swap3A_497, %swap3A_498] : memref<2048x1xi32, #tpu.memory_space<vmem>>, vector<2048x1xi32>
    tpu.vector_store %arg3[%swap3A_497, %swap3A_498], %convert_element_type3A_496 {strides = array<i32>} : memref<2048x1xi32, #tpu.memory_space<vmem>>, vector<2048x1xi32>,
    %iota3A_500 = tpu.iota {dimensions = array<i32: 0>} : vector<128x64xi32>
    %convert_element_type3A_501 = arith.fptosi %dot_general3A_212 : vector<1x64xf32> to vector<1x64xi32>
    %le3A_502 = vector.broadcast %convert_element_type3A_501 : vector<1x64xi32> to vector<128x64xi32>
    %le3A_503 = arith.cmpi sle, %le3A_502, %iota3A_500 : vector<128x64xi32>
    %convert_element_type3A_504 = arith.extui %le3A_503 : vector<128x64xi1> to vector<128x64xi32>
    %reduce_sum3A_505 = arith.constant dense<0> : vector<128xi32>
    %reduce_sum3A_506 = vector.multi_reduction <add>, %convert_element_type3A_504, %reduce_sum3A_505 [1] : vector<128x64xi32> to vector<128xi32>
    %broadcast_in_dim3A_507 = vector.shape_cast %reduce_sum3A_506 : vector<128xi32> to vector<128x1xi32>
    %min3A = arith.constant 63 : i32
    %min3A_508 = vector.broadcast %min3A : i32 to vector<128x1xi32>
    %min3A_509 = arith.minsi %broadcast_in_dim3A_507, %min3A_508 : vector<128x1xi32>
    %swap3A_510 = arith.constant 0 : index
    %swap3A_511 = arith.constant 0 : index
    %swap3A_512 = vector.load %arg6[%swap3A_510, %swap3A_511] : memref<128x1xi32, #tpu.memory_space<vmem>>, vector<128x1xi32>
    tpu.vector_store %arg6[%swap3A_510, %swap3A_511], %min3A_509 {strides = array<i32>} : memref<128x1xi32, #tpu.memory_space<vmem>>, vector<128x1xi32>,
    return
  }
}

module attributes {stable_mosaic.version = 14 : i64} {
  func.func @_ffn_body(%arg0: i32, %arg1: memref<128xi32, #tpu.memory_space<smem>>, %arg2: memref<64x512xi32, #tpu.memory_space<vmem>>, %arg3: memref<1x1024x768xf32, #tpu.memory_space<vmem>>, %arg4: memref<1x1024x768xf32, #tpu.memory_space<vmem>>, %arg5: memref<1x768x1024xf32, #tpu.memory_space<vmem>>, %arg6: memref<64x128xf32, #tpu.memory_space<vmem>>, %arg7: memref<64x1024xf32, #tpu.memory_space<vmem>>) attributes {dimension_semantics = [#tpu.dimension_semantics<arbitrary>], iteration_bounds = array<i64: 128>, scalar_prefetch = 1 : i64, scratch_operands = 0 : i64, tpu.core_type = #tpu.core_type<tc>, window_params = [{transform_indices = @transform_0, window_bounds = array<i64: 64, 512>}, {transform_indices = @transform_1, window_bounds = array<i64: 1, 1024, 768>}, {transform_indices = @transform_2, window_bounds = array<i64: 1, 1024, 768>}, {transform_indices = @transform_3, window_bounds = array<i64: 1, 768, 1024>}, {transform_indices = @transform_4, window_bounds = array<i64: 64, 128>}, {transform_indices = @transform_5, window_bounds = array<i64: 64, 1024>}]} {
    %get3A = arith.constant 0 : index
    %get3A_0 = arith.constant 0 : index
    %get3A_1 = vector.load %arg2[%get3A, %get3A_0] : memref<64x512xi32, #tpu.memory_space<vmem>>, vector<64x512xi32>
    %and3A = arith.constant -65536 : i32
    %and3A_2 = vector.broadcast %and3A : i32 to vector<64x512xi32>
    %and3A_3 = arith.andi %get3A_1, %and3A_2 : vector<64x512xi32>
    %bitcast_convert_type3A = tpu.bitcast %and3A_3 : vector<64x512xi32> -> vector<64x512xf32>
    %shift_left3A = arith.constant 16 : i32
    %shift_left3A_4 = vector.broadcast %shift_left3A : i32 to vector<64x512xi32>
    %shift_left3A_5 = arith.shli %get3A_1, %shift_left3A_4 : vector<64x512xi32>
    %bitcast_convert_type3A_6 = tpu.bitcast %shift_left3A_5 : vector<64x512xi32> -> vector<64x512xf32>
    %concatenate3A = tpu.concatenate %bitcast_convert_type3A, %bitcast_convert_type3A_6 in 1 : vector<64x512xf32>, vector<64x512xf32> -> vector<64x1024xf32>
    %get3A_7 = arith.constant 0 : index
    %get3A_8 = arith.constant 0 : index
    %get3A_9 = arith.constant 0 : index
    %get3A_10 = vector.load %arg3[%get3A_7, %get3A_8, %get3A_9] : memref<1x1024x768xf32, #tpu.memory_space<vmem>>, vector<1x1024x768xf32>
    %get3A_11 = vector.shape_cast %get3A_10 : vector<1x1024x768xf32> to vector<1024x768xf32>
    %dot_general3A = arith.constant dense<0.000000e+00> : vector<64x768xf32>
    %dot_general3A_12 = tpu.matmul %concatenate3A, %get3A_11, %dot_general3A {dimension_numbers = #tpu.dot_dimension_numbers<[1], [0], [0], [1], [0, 0, 1, 1], [], []>, transpose_lhs_hint = false} : vector<64x1024xf32>, vector<1024x768xf32>, vector<64x768xf32> -> vector<64x768xf32>
    %get3A_13 = arith.constant 0 : index
    %get3A_14 = arith.constant 0 : index
    %get3A_15 = arith.constant 0 : index
    %get3A_16 = vector.load %arg4[%get3A_13, %get3A_14, %get3A_15] : memref<1x1024x768xf32, #tpu.memory_space<vmem>>, vector<1x1024x768xf32>
    %get3A_17 = vector.shape_cast %get3A_16 : vector<1x1024x768xf32> to vector<1024x768xf32>
    %dot_general3A_18 = arith.constant dense<0.000000e+00> : vector<64x768xf32>
    %dot_general3A_19 = tpu.matmul %concatenate3A, %get3A_17, %dot_general3A_18 {dimension_numbers = #tpu.dot_dimension_numbers<[1], [0], [0], [1], [0, 0, 1, 1], [], []>, transpose_lhs_hint = false} : vector<64x1024xf32>, vector<1024x768xf32>, vector<64x768xf32> -> vector<64x768xf32>
    %logistic3A = arith.negf %dot_general3A_12 : vector<64x768xf32>
    %logistic3A_20 = math.exp %logistic3A : vector<64x768xf32>
    %logistic3A_21 = arith.constant 1.000000e+00 : f32
    %logistic3A_22 = vector.broadcast %logistic3A_21 : f32 to vector<64x768xf32>
    %logistic3A_23 = arith.addf %logistic3A_22, %logistic3A_20 : vector<64x768xf32>
    %logistic3A_24 = arith.divf %logistic3A_22, %logistic3A_23 : vector<64x768xf32>
    %mul3A = arith.mulf %dot_general3A_12, %logistic3A_24 : vector<64x768xf32>
    %mul3A_25 = arith.mulf %mul3A, %dot_general3A_19 : vector<64x768xf32>
    %get3A_26 = arith.constant 0 : index
    %get3A_27 = arith.constant 0 : index
    %get3A_28 = arith.constant 0 : index
    %get3A_29 = vector.load %arg5[%get3A_26, %get3A_27, %get3A_28] : memref<1x768x1024xf32, #tpu.memory_space<vmem>>, vector<1x768x1024xf32>
    %get3A_30 = vector.shape_cast %get3A_29 : vector<1x768x1024xf32> to vector<768x1024xf32>
    %dot_general3A_31 = arith.constant dense<0.000000e+00> : vector<64x1024xf32>
    %dot_general3A_32 = tpu.matmul %mul3A_25, %get3A_30, %dot_general3A_31 {dimension_numbers = #tpu.dot_dimension_numbers<[1], [0], [0], [1], [0, 0, 1, 1], [], []>, transpose_lhs_hint = false} : vector<64x768xf32>, vector<768x1024xf32>, vector<64x1024xf32> -> vector<64x1024xf32>
    %get3A_33 = arith.constant 0 : index
    %get3A_34 = arith.constant 0 : index
    %get3A_35 = vector.load %arg6[%get3A_33, %get3A_34] : memref<64x128xf32, #tpu.memory_space<vmem>>, vector<64x128xf32>
    %slice3A = vector.extract_strided_slice %get3A_35 {offsets = [0, 0], sizes = [64, 1], strides = [1, 1]} : vector<64x128xf32> to vector<64x1xf32>
    %mul3A_36 = vector.broadcast %slice3A : vector<64x1xf32> to vector<64x1024xf32>
    %mul3A_37 = arith.mulf %dot_general3A_32, %mul3A_36 : vector<64x1024xf32>
    %swap3A = arith.constant 0 : index
    %swap3A_38 = arith.constant 0 : index
    %swap3A_39 = vector.load %arg7[%swap3A, %swap3A_38] : memref<64x1024xf32, #tpu.memory_space<vmem>>, vector<64x1024xf32>
    tpu.vector_store %arg7[%swap3A, %swap3A_38], %mul3A_37 {strides = array<i32>} : memref<64x1024xf32, #tpu.memory_space<vmem>>, vector<64x1024xf32>,
    return
  }
  func.func @transform_0(%arg0: i32, %arg1: memref<128xi32, #tpu.memory_space<smem>>) -> (i32, i32) {
    %c0_i32 = arith.constant 0 : i32
    %c0_i32_0 = arith.constant 0 : i32
    return %arg0, %c0_i32 : i32, i32
  }
  func.func @transform_1(%arg0: i32, %arg1: memref<128xi32, #tpu.memory_space<smem>>) -> (i32, i32, i32) {
    %get3A = arith.index_cast %arg0 : i32 to index
    %get3A_0 = memref.load %arg1[%get3A] : memref<128xi32, #tpu.memory_space<smem>>
    %c0_i32 = arith.constant 0 : i32
    %c0_i32_1 = arith.constant 0 : i32
    %c0_i32_2 = arith.constant 0 : i32
    return %get3A_0, %c0_i32, %c0_i32_1 : i32, i32, i32
  }
  func.func @transform_2(%arg0: i32, %arg1: memref<128xi32, #tpu.memory_space<smem>>) -> (i32, i32, i32) {
    %get3A = arith.index_cast %arg0 : i32 to index
    %get3A_0 = memref.load %arg1[%get3A] : memref<128xi32, #tpu.memory_space<smem>>
    %c0_i32 = arith.constant 0 : i32
    %c0_i32_1 = arith.constant 0 : i32
    %c0_i32_2 = arith.constant 0 : i32
    return %get3A_0, %c0_i32, %c0_i32_1 : i32, i32, i32
  }
  func.func @transform_3(%arg0: i32, %arg1: memref<128xi32, #tpu.memory_space<smem>>) -> (i32, i32, i32) {
    %get3A = arith.index_cast %arg0 : i32 to index
    %get3A_0 = memref.load %arg1[%get3A] : memref<128xi32, #tpu.memory_space<smem>>
    %c0_i32 = arith.constant 0 : i32
    %c0_i32_1 = arith.constant 0 : i32
    %c0_i32_2 = arith.constant 0 : i32
    return %get3A_0, %c0_i32, %c0_i32_1 : i32, i32, i32
  }
  func.func @transform_4(%arg0: i32, %arg1: memref<128xi32, #tpu.memory_space<smem>>) -> (i32, i32) {
    %c0_i32 = arith.constant 0 : i32
    %c0_i32_0 = arith.constant 0 : i32
    return %arg0, %c0_i32 : i32, i32
  }
  func.func @transform_5(%arg0: i32, %arg1: memref<128xi32, #tpu.memory_space<smem>>) -> (i32, i32) {
    %c0_i32 = arith.constant 0 : i32
    %c0_i32_0 = arith.constant 0 : i32
    return %arg0, %c0_i32 : i32, i32
  }
}

</mosaic_0001>

<sc_bundles>
// kernel: kernel.6.cloned.1.call-start
scs
__scs_entry_jumppad:
0x0: {  	(pc) =	sbr.rel $0x88, $3  }
0x1: {  	(tag) =	ssettag $0x0;
	lr =	simm.s32 $0x1  }
0x2: {  	[smem:$0x3F9C] =	sst lr;
	_ =	strace $0xD0000000  }
0x3: {  	_ = 	snop  }
0x4: {  	_ = 	snop  }
0x5: {  	_ = 	snop  }
0x6: {  	_ = 	snop  }
0x7: {  	_ = 	snop  }
__scs_overlays_trampoline_lowered:
0x8: {  	[smem:$0x3FAB] =	sst s0  }
0x9: {  	[smem:$0x3FAC] =	sst s1  }
0xa: {  	[smem:$0x3FAD] =	sst s2  }
0xb: {  	[smem:$0x3FAE] =	sst s3  }
0xc: {  	[smem:$0x3FAF] =	sst s4  }
0xd: {  	[smem:$0x3FB0] =	sst s5  }
0xe: {  	[smem:$0x3FB1] =	sst s6  }
0xf: {  	[smem:$0x3FB2] =	sst s7  }
0x10: {  	[smem:$0x3FB3] =	sst s8  }
0x11: {  	[smem:$0x3FB4] =	sst s9;
	s0 =	simm.s32 @!p0 $0x0  }
0x12: {  	s1 =	sld [smem:$0x3F9A];
	s0 =	simm.s32 @p0 $0x1  }
0x13: {  	[smem:$0x3FB5] =	sst s0;
	s0 =	simm.s32 @!p1 $0x0  }
0x14: {  	s2 =	sld [smem:$0x3F99];
	s0 =	simm.s32 @p1 $0x1  }
0x15: {  	[smem:$0x3FB6] =	sst s0;
	s0 =	simm.s32 @!p2 $0x0  }
0x16: {  	s3 =	sld [smem:$0x3FDB];
	s0 =	simm.s32 @p2 $0x1  }
0x17: {  	s4 =	simm.s32 $0x1BF5;
	[smem:$0x3FB8] =	sst s0  }
0x18: {  	s0 =	sld [smem:$0x3F9B];
	_ =	swait.ge [sflag:s4], $0x0  }
0x19: {  	s7 =	sld [smem:$0x3F9C]  }
0x1a: {  	s8 =	sadd.s32 $0xFFFFE003, lr  }
0x1b: {  	s9 =	sadd.s32 $0xFFFFFEF7, lr;
	s5 =	simm.s32 $0xFFFFFFFF;
	p2 =	slt.u32 s8, $0xFFFFF086  }
0x1c: {  	p1 =	slt.u32 s9, $0xF7A;
	s5 =	simm.s32 @!p2 $0x0  }
0x1d: {  	s5 =	simm.s32 @p1 $0x1;
	p0 =	seq.s32 s7, s2  }
0x1e: {  	s7 =	smul.u32 @!p0 $0xF7A, s2;
	p2 =	seq.s32 @!p0 s5, $0x0  }
0x1f: {  	s9 =	smul.u32 $0xF7A, s1;
	s8 =	simm.s32 @!p0 $0x1BF5;
	p2 =	por !p2, p0  }
0x20: {  	[sflag:s8] =	ssyncset.s32 @!p0 $0xFFFFF086;
	s6 =	sadd.s32 @!p0 s3, s7;
	s7 =	simm.s32 @!p0 $0x108  }
0x21: {  	s3 =	sadd.s32 s3, s9;
	s6 =	sadd.s32 @!p0 $0x88, s6;
	s7 =	simm.s32 @p2 $0x1082  }
0x22: {  	[simem:s7], [sflag:s8] =	dma.local @!p0 [hbm:s6], $0xF7A  }
0x23: {  	s9 =	sor.u32 $0xD0000000, s2;
	s6 =	simm.s32 $0x108;
	_ =	swait.ge @!p0 [sflag:s8], $0x0  }
0x24: {  	s3 =	sadd.s32 $0x88, s3;
	s6 =	simm.s32 @!p1 $0x1082;
	[sflag:s4] =	ssyncset.s32 $0xFFFFF086  }
0x25: {  	[simem:s6], [sflag:s4] =	dma.local [hbm:s3], $0xF7A  }
0x26: {  	[smem:$0x3F9C] =	sst s1;
	(tag) =	ssettag s2;
	_ =	strace s9  }
0x27: {  	s1 =	sld [smem:$0x3FAC]  }
0x28: {  	s2 =	sld [smem:$0x3FAD]  }
0x29: {  	s4 =	sld [smem:$0x3FAF]  }
0x2a: {  	p0 =	seq.s32 s5, $0x0;
	s5 =	sld [smem:$0x3FB0]  }
0x2b: {  	s6 =	sld [smem:$0x3FB1]  }
0x2c: {  	s7 =	sld [smem:$0x3FB2]  }
0x2d: {  	s3 =	simm.s32 $0x108;
	s8 =	sld [smem:$0x3FB3]  }
0x2e: {  	s3 =	simm.s32 @!p0 $0x1082;
	s9 =	sld [smem:$0x3FB4]  }
0x2f: {  	lr =	sadd.s32 s0, s3;
	s0 =	sld [smem:$0x3FAB]  }
0x30: {  	s3 =	sld [smem:$0x3FAE]  }
0x31: {  	[smem:$0x3FB7] =	sst s10  }
0x32: {  	s10 =	sld [smem:$0x3FB5];
	_ =	sdelay $0x3  }
0x33: {  	p0 =	seq.s32 s10, $0x1;
	s10 =	sld [smem:$0x3FB7];
	_ =	sdelay $0x3  }
0x34: {  	[smem:$0x3FB7] =	sst s10  }
0x35: {  	s10 =	sld [smem:$0x3FB6];
	_ =	sdelay $0x3  }
0x36: {  	p1 =	seq.s32 s10, $0x1;
	s10 =	sld [smem:$0x3FB7];
	_ =	sdelay $0x3  }
0x37: {  	[smem:$0x3FB7] =	sst s10  }
0x38: {  	s10 =	sld [smem:$0x3FB8]  }
0x39: {  	_ = 	snop;
	(pc) =	sbr.ind lr, $3  }
0x3a: {  	_ = 	snop  }
0x3b: {  	_ = 	snop  }
0x3c: {  	p2 =	seq.s32 s10, $0x1;
	s10 =	sld [smem:$0x3FB7]  }
0x3d: {  	_ =	shalt  }
0x3e: {  	_ =	shalt  }
0x3f: {  	_ =	shalt  }
0x40: {  	_ =	shalt  }
0x41: {  	_ =	shalt  }
0x42: {  	_ =	shalt  }
0x43: {  	_ =	shalt  }
0x44: {  	_ =	shalt  }
0x45: {  	_ =	shalt  }
0x46: {  	_ =	shalt  }
0x47: {  	_ =	shalt  }
0x48: {  	_ =	shalt  }
0x49: {  	_ =	shalt  }
0x4a: {  	_ =	shalt  }
0x4b: {  	_ =	shalt  }
0x4c: {  	_ =	shalt  }
0x4d: {  	_ =	shalt  }
0x4e: {  	_ =	shalt  }
0x4f: {  	_ =	shalt  }
0x50: {  	_ =	shalt  }
0x51: {  	_ =	shalt  }
0x52: {  	_ =	shalt  }
0x53: {  	_ =	shalt  }
0x54: {  	_ =	shalt  }
0x55: {  	_ =	shalt  }
0x56: {  	_ =	shalt  }
0x57: {  	_ =	shalt  }
0x58: {  	_ =	shalt  }
0x59: {  	_ =	shalt  }
0x5a: {  	_ =	shalt  }
0x5b: {  	_ =	shalt  }
0x5c: {  	_ =	shalt  }
0x5d: {  	_ =	shalt  }
0x5e: {  	_ =	shalt  }
0x5f: {  	_ =	shalt  }
0x60: {  	_ =	shalt  }
0x61: {  	_ =	shalt  }
0x62: {  	_ =	shalt  }
0x63: {  	_ =	shalt  }
0x64: {  	_ =	shalt  }
0x65: {  	_ =	shalt  }
0x66: {  	_ =	shalt  }
0x67: {  	_ =	shalt  }
0x68: {  	_ =	shalt  }
0x69: {  	_ =	shalt  }
0x6a: {  	_ =	shalt  }
0x6b: {  	_ =	shalt  }
0x6c: {  	_ =	shalt  }
0x6d: {  	_ =	shalt  }
0x6e: {  	_ =	shalt  }
0x6f: {  	_ =	shalt  }
0x70: {  	_ =	shalt  }
0x71: {  	_ =	shalt  }
0x72: {  	_ =	shalt  }
0x73: {  	_ =	shalt  }
0x74: {  	_ =	shalt  }
0x75: {  	_ =	shalt  }
0x76: {  	_ =	shalt  }
0x77: {  	_ =	shalt  }
0x78: {  	_ =	shalt  }
0x79: {  	_ =	shalt  }
0x7a: {  	_ =	shalt  }
0x7b: {  	_ =	shalt  }
0x7c: {  	_ =	shalt  }
0x7d: {  	_ =	shalt  }
0x7e: {  	_ =	shalt  }
0x7f: {  	_ =	shalt  }
0x80: {  	_ =	shalt  }
0x81: {  	_ =	shalt  }
0x82: {  	_ =	shalt  }
0x83: {  	_ =	shalt  }
0x84: {  	_ =	shalt  }
0x85: {  	_ =	shalt  }
0x86: {  	_ =	shalt  }
0x87: {  	_ =	shalt  }
.Lfunc_end0:
.L_simem_size_0:
called_computation_lowered:
.L_overlay_start_0:
0x88: {  	s2 =	sld [smem:$0x3FD9]  }
0x89: {  	s3 =	sld [smem:$0x3FFE];
	_ =	sdelay $0x1  }
0x8a: {  	s1 =	srdreg.scid  }
0x8b: {  	s0 =	sand.u32 $0x1, s1  }
0x8c: {  	s17 =	sshll.u32 s0, $0xA;
	s2 =	sadd.s32 s3, s2  }
0x8d: {  	s2 =	sadd.s32 s2, s17  }
0x8e: {  	[smem:$0x3FC3] =	sst s2  }
0x8f: {  	_ = 	snop  }
0x90: {  	s2 =	sld [smem:$0x3FD0];
	(tm) =	ssettm $0x1  }
0x91: {  	s18 =	sld [smem:$0x3FFB];
	_ =	sdelay $0x3  }
0x92: {  	_ =	strace s18  }
0x93: {  	s3 =	sld [smem:$0x3FFC];
	_ =	sdelay $0x3  }
0x94: {  	_ =	strace s3  }
0x95: {  	s3 =	sld [smem:$0x3FFD];
	_ =	sdelay $0x3  }
0x96: {  	_ =	strace s3  }
0x97: {  	_ =	strace $0x8FFFFFFF  }
0x98: {  	s19 =	sld [smem:$0x3FDB];
	_ =	sdelay $0x1  }
0x99: {  	s4 =	simm.s32 $_scs_section_size  }
0x9a: {  	s5 =	simm.s32 $_size__tile_overlayer_lowered;
	s6 =	simm.s32 $_tile_overlayer_lowered  }
0x9b: {  	s22 =	simm.s32 $0x1BFF;
	s21 =	sshll.u32 s6, $0x1;
	s3 =	sadd.s32 s4, s19  }
0x9c: {  	s7 =	simm.s32 $0x0;
	s20 =	sshll.u32 s5, $0x1;
	s5 =	sadd.s32 s21, s3  }
0x9d: {  	[timem:s7], [sflag:s22] =	dma.local [hbm:s5], s20  }
0x9e: {  	_ =	swait.ge [sflag:s22], s20  }
0x9f: {  	s4 =	ssub.s32 $0x0, s20;
	[sflag:s22] =	ssyncset.done $0x0  }
0xa0: {  	[sflag:s22] =	ssyncadd.s32 s4;
	_ =	sdelay $0x1  }
0xa1: {  	s23 =	simm.s32 $0x1B8B  }
0xa2: {  	_ =	swait.ge [sflag:s23], $0x1  }
0xa3: {  	[sflag:s23] =	ssyncset.done $0x0  }
0xa4: {  	s25 =	simm.s32 $0x1B8E;
	s24 =	sld [smem:$0x3FFE];
	[sflag:s23] =	ssyncadd.s32 $0xFFFFFFFF  }
0xa5: {  	s26 =	simm.s32 $execute0_lowered;
	[smem:$0x3FD2] =	sst s25  }
0xa6: {  	s5 =	sshll.u32 s26, $0x1;
	_ =	strace $0x80000046;
	[dreg:$0x1] =	wrdreg $0xFFFFFFFF  }
0xa7: {  	s28 =	simm.s32 $_size_execute0_lowered;
	s3 =	sadd.s32 s3, s5;
	[dreg:$0x0] =	wrdreg $0x0  }
0xa8: {  	s5 =	sshll.u32 s28, $0x1;
	[dreg:$0x2] =	wrdreg s3  }
0xa9: {  	[dreg:$0x3] =	wrdreg s5  }
0xaa: {  	[dreg:$0x4] =	wrdreg $0xC0  }
0xab: {  	_ =	task [dreg:s7], $0x5FFFF  }
0xac: {  	[dreg:$0x1] =	wrdreg $0xFFFFFFFF  }
0xad: {  	[dreg:$0x0] =	wrdreg $0x60  }
0xae: {  	[dreg:$0x2] =	wrdreg s24  }
0xaf: {  	[dreg:$0x3] =	wrdreg s2  }
0xb0: {  	[dreg:$0x4] =	wrdreg $0x9  }
0xb1: {  	_ =	task.clear_ibuf [dreg:s7], $0x5FFFF;
	_ =	strace $0x90000046  }
0xb2: {  	s29 =	simm.s32 $0x9;
	_ =	strace $0x80000048  }
0xb3: {  	_ =	swait.ge [sflag:s29], $0x1  }
0xb4: {  	[sflag:s29] =	ssyncadd.s32 $0xFFFFFFFF  }
0xb5: {  	_ =	strace $0x90000048  }
0xb6: {  	_ =	sfence  }
0xb7: {  	s30 =	sld [smem:$0x0];
	_ =	sdelay $0x2  }
0xb8: {  	s31 =	sshll.u32 s1, $0xD;
	s1 =	sshrl.u32 s1, $0x2  }
0xb9: {  	s3 =	sand.u32 $0x4000, s31;
	s1 =	sadd.s32 s1, s30  }
0xba: {  	s0 =	sor.u32 s3, s0;
	s1 =	sshll.u32 s1, $0x11  }
0xbb: {  	s0 =	sor.u32 s1, s0  }
0xbc: {  	s0 =	sadd.s32 $0x8F2B, s0  }
0xbd: {  	[sflag:s0] =	ssyncadd.remote.s32 $0x1  }
0xbe: {  	_ =	sfence.sel $0xFFFF  }
0xbf: {  	[dreg:$0x0] =	wrdreg $0xFFFFFFFF;
	(pc) =	sbr.abs _section_cstart, $3  }
0xc0: {  	[dreg:$0x1] =	wrdreg $0xFFFFFFFF  }
0xc1: {  	_ =	task.clear_ibuf [dreg:s7], $0x2FFFF;
	_ =	strace $0x9FFFFFFF  }
0xc2: {  	(tm) =	ssettm $0x7FFFFFFF  }
0xc3: {  	_ =	shalt  }
tec
execute0_lowered:
.L_overlay_start_1:
0x0: {  	(tag) =	ssettag $0x1  }
0x1: {  	s0 =	rddreg [dreg:$0x0]  }
0x2: {  	s7 =	rddreg [dreg:$0x1]  }
0x3: {  	s3 =	srdreg.scid;
	s1 =	stileid.u32  }
0x4: {  	s2 =	simm.s32 $0x0;
	s12 =	simm.s32 $0xA100;
	s13 =	simm.s32 $0x100  }
0x5: {  	s14 =	simm.s32 $0x1;
	s15 =	simm.s32 $0x2;
	s16 =	simm.s32 $0x900  }
0x6: {  	s17 =	simm.s32 $0x1100;
	s18 =	simm.s32 $0x1900;
	s19 =	simm.s32 $0x2100  }
0x7: {  	s20 =	simm.s32 $0x2900;
	s21 =	simm.s32 $0x3100;
	s22 =	simm.s32 $0x3900  }
0x8: {  	s28 =	simm.s32 $0x6100;
	s29 =	simm.s32 $0x6900;
	s30 =	simm.s32 $0x7100  }
0x9: {  	s5 =	sand.u32 $0x1, s3;
	s23 =	sshll.u32 s1, $0x1;
	[smem:$0x7FF] =	sst s2  }
0xa: {  	s31 =	simm.s32 $0x7900;
	s6 =	sor.u32 s5, s23;
	_ =	strace $0x80000047  }
0xb: {  	s5 =	ssub.s32 $0x2, s5;
	s23 =	simm.s32 $0x4100;
	s3 =	sshll.u32 s6, $0x4  }
0xc: {  	s4 =	sshll.u32 s6, $0xA;
	s11 =	sshrl.u32 s5, $0x1;
	s25 =	sshll.u32 s6, $0xC  }
0xd: {  	s8 =	sadd.s32 s3, s0;
	s9 =	sadd.s32 s4, s0;
	s3 =	sadd.s32 $0x10E00, s0  }
0xe: {  	s4 =	sadd.s32 $0x90E00, s0;
	s24 =	ssub.s32 s5, s11;
	s7 =	sadd.s32 s7, s25  }
0xf: {  	s11 =	simm.s32 $0x8100;
	s25 =	simm.s32 $0x5100;
	s10 =	sadd.s32 $0x10A00, s8  }
0x10: {  	s8 =	sadd.s32 $0x10C00, s8;
	s26 =	sadd.s32 $0xA00, s9;
	[dreg:$0x3] =	wrdreg s10  }
0x11: {  	v2 =	vlaneseq.u32;
	s6 =	sadd.s32 $0x8A00, s9;
	s9 =	smax.u32 s24, $0x1;
	[dreg:$0x4] =	wrdreg s8  }
0x12: {  	vm0 =	vmmov $0xffff;
	v1 =	vshrl.u32 v2, $0x3;
	s24 =	simm.s32 $0x4900;
	[dreg:$0x5] =	wrdreg s26;
	s8 =	sadd.s32 $0x10F00, s0  }
0x13: {  	v0 =	vand.u32 $0x7, v2;
	v2 =	vor.u32 $0x8, v2;
	v1 =	vmul.u32 $0x8, v1;
	s10 =	simm.s32 $0x80;
	s26 =	simm.s32 $0x5900;
	s0 =	simm.s32 $0x40  }
.LBB2_1:
0x14: {  	s1 =	rddreg [dreg:$0x3]  }
0x15: {  	[tilespmem:s2], [sflag:$0x1] =	stream.linear.gather [hbm4b:s1+s2], $0x80, $0x38;
	[tilespmem:$0xC100] =	vst v63  }
0x16: {  	s5 =	rddreg [dreg:$0x4]  }
0x17: {  	[tilespmem:s10], [sflag:$0x1] =	stream.linear.gather [hbm4b:s5+s2], $0x80, $0x38;
	[tilespmem:$0xC100] =	vst v63  }
0x18: {  	s5 =	rddreg [dreg:$0x5]  }
0x19: {  	[tilespmem:s11], [sflag:$0x1] =	stream.linear.gather [hbm4b:s5+s2], $0x2000, $0x38;
	[tilespmem:$0xC100] =	vst v63  }
0x1a: {  	_ = 	snop  }
0x1b: {  	[tilespmem:s12], [sflag:$0x1] =	stream.linear.gather [hbm4b:s6+s2], $0x2000, $0x38;
	[tilespmem:$0xC100] =	vst v63  }
0x1c: {  	_ = 	snop  }
0x1d: {  	[tilespmem:s13], [sflag:$0x2] =	stream.linear.gather [hbm4b:s7+s2], $0x8000, $0x38;
	[tilespmem:$0xC100] =	vst v63  }
0x1e: {  	_ =	swait.ge [sflag:s14], $0x80  }
0x1f: {  	[sflag:s14] =	ssyncset.done $0x0  }
0x20: {  	[sflag:s14] =	ssyncadd.s32 $0xFFFFFF80  }
0x21: {  	_ =	swait.ge [sflag:s14], $0x80  }
0x22: {  	[sflag:s14] =	ssyncset.done $0x0  }
0x23: {  	[sflag:s14] =	ssyncadd.s32 $0xFFFFFF80  }
0x24: {  	_ =	swait.ge [sflag:s14], $0x2000  }
0x25: {  	[sflag:s14] =	ssyncset.done $0x0  }
0x26: {  	[sflag:s14] =	ssyncadd.s32 $0xFFFFE000  }
0x27: {  	_ =	swait.ge [sflag:s14], $0x2000  }
0x28: {  	[sflag:s14] =	ssyncset.done $0x0  }
0x29: {  	[sflag:s14] =	ssyncadd.s32 $0xFFFFE000  }
0x2a: {  	_ =	swait.ge [sflag:s15], $0x8000  }
0x2b: {  	[sflag:s15] =	ssyncset.done $0x0  }
0x2c: {  	[sflag:s15] =	ssyncadd.s32 $0xFFFF8000  }
0x2d: {  	v3 =	vld [tilespmem:$0x0];
	_ =	sdelay $0x4  }
0x2e: {  	v4 =	vshll.u32 v3, $0x2  }
0x2f: {  	v3 =	vand.u32 $0x7, v3;
	v4 =	vand.u32 $0xFFFFFFE0, v4  }
0x30: {  	v3 =	vor.u32 v3, v4  }
0x31: {  	v4 =	vperm.xlane v3, v0;
	_ =	sdelay $0x1  }
0x32: {  	v4 =	vadd.s32 v1, v4;
	_ =	sdelay $0x1  }
0x33: {  	v3 =	vperm.xlane v3, v2;
	_ =	sdelay $0x1  }
0x34: {  	v3 =	vadd.s32 v1, v3  }
0x35: {  	[hbm4b:s3+s2] =	stream.indirect_vreg.scatter [tilespmem:s13], [sflag:$0x2], $0x80, v4, vm0, $0xb8;
	[tilespmem:$0xC100] =	vst v63  }
0x36: {  	_ = 	snop  }
0x37: {  	[hbm4b:s8+s2] =	stream.indirect_vreg.scatter [tilespmem:s16], [sflag:$0x2], $0x80, v4, vm0, $0xb8;
	[tilespmem:$0xC100] =	vst v63  }
0x38: {  	_ = 	snop  }
0x39: {  	[hbm4b:s3+s2] =	stream.indirect_vreg.scatter [tilespmem:s17], [sflag:$0x2], $0x80, v3, vm0, $0xb8;
	[tilespmem:$0xC100] =	vst v63  }
0x3a: {  	_ = 	snop  }
0x3b: {  	[hbm4b:s8+s2] =	stream.indirect_vreg.scatter [tilespmem:s18], [sflag:$0x2], $0x80, v3, vm0, $0xb8;
	[tilespmem:$0xC100] =	vst v63  }
0x3c: {  	v3 =	vld [tilespmem:$0x10];
	_ =	sdelay $0x4  }
0x3d: {  	v57 =	vshll.u32 v3, $0x2  }
0x3e: {  	v3 =	vand.u32 $0x7, v3;
	v4 =	vand.u32 $0xFFFFFFE0, v57  }
0x3f: {  	v3 =	vor.u32 v3, v4  }
0x40: {  	v4 =	vperm.xlane v3, v0;
	_ =	sdelay $0x1  }
0x41: {  	v4 =	vadd.s32 v1, v4;
	_ =	sdelay $0x1  }
0x42: {  	v3 =	vperm.xlane v3, v2;
	_ =	sdelay $0x1  }
0x43: {  	v3 =	vadd.s32 v1, v3  }
0x44: {  	[hbm4b:s3+s2] =	stream.indirect_vreg.scatter [tilespmem:s19], [sflag:$0x2], $0x80, v4, vm0, $0xb8;
	[tilespmem:$0xC100] =	vst v63  }
0x45: {  	_ = 	snop  }
0x46: {  	[hbm4b:s8+s2] =	stream.indirect_vreg.scatter [tilespmem:s20], [sflag:$0x2], $0x80, v4, vm0, $0xb8;
	[tilespmem:$0xC100] =	vst v63  }
0x47: {  	_ = 	snop  }
0x48: {  	[hbm4b:s3+s2] =	stream.indirect_vreg.scatter [tilespmem:s21], [sflag:$0x2], $0x80, v3, vm0, $0xb8;
	[tilespmem:$0xC100] =	vst v63  }
0x49: {  	_ = 	snop  }
0x4a: {  	[hbm4b:s8+s2] =	stream.indirect_vreg.scatter [tilespmem:s22], [sflag:$0x2], $0x80, v3, vm0, $0xb8;
	[tilespmem:$0xC100] =	vst v63  }
0x4b: {  	v3 =	vld [tilespmem:$0x20];
	_ =	sdelay $0x4  }
0x4c: {  	v58 =	vshll.u32 v3, $0x2  }
0x4d: {  	v3 =	vand.u32 $0x7, v3;
	v4 =	vand.u32 $0xFFFFFFE0, v58  }
0x4e: {  	v3 =	vor.u32 v3, v4  }
0x4f: {  	v4 =	vperm.xlane v3, v0;
	_ =	sdelay $0x1  }
0x50: {  	v4 =	vadd.s32 v1, v4;
	_ =	sdelay $0x1  }
0x51: {  	v3 =	vperm.xlane v3, v2;
	_ =	sdelay $0x1  }
0x52: {  	v3 =	vadd.s32 v1, v3  }
0x53: {  	[hbm4b:s3+s2] =	stream.indirect_vreg.scatter [tilespmem:s23], [sflag:$0x2], $0x80, v4, vm0, $0xb8;
	[tilespmem:$0xC100] =	vst v63  }
0x54: {  	_ = 	snop  }
0x55: {  	[hbm4b:s8+s2] =	stream.indirect_vreg.scatter [tilespmem:s24], [sflag:$0x2], $0x80, v4, vm0, $0xb8;
	[tilespmem:$0xC100] =	vst v63  }
0x56: {  	_ = 	snop  }
0x57: {  	[hbm4b:s3+s2] =	stream.indirect_vreg.scatter [tilespmem:s25], [sflag:$0x2], $0x80, v3, vm0, $0xb8;
	[tilespmem:$0xC100] =	vst v63  }
0x58: {  	_ = 	snop  }
0x59: {  	[hbm4b:s8+s2] =	stream.indirect_vreg.scatter [tilespmem:s26], [sflag:$0x2], $0x80, v3, vm0, $0xb8;
	[tilespmem:$0xC100] =	vst v63  }
0x5a: {  	v3 =	vld [tilespmem:$0x30];
	_ =	sdelay $0x4  }
0x5b: {  	v59 =	vshll.u32 v3, $0x2  }
0x5c: {  	v3 =	vand.u32 $0x7, v3;
	v4 =	vand.u32 $0xFFFFFFE0, v59  }
0x5d: {  	v3 =	vor.u32 v3, v4  }
0x5e: {  	v4 =	vperm.xlane v3, v0;
	_ =	sdelay $0x1  }
0x5f: {  	v4 =	vadd.s32 v1, v4;
	_ =	sdelay $0x1  }
0x60: {  	v3 =	vperm.xlane v3, v2;
	_ =	sdelay $0x1  }
0x61: {  	v3 =	vadd.s32 v1, v3  }
0x62: {  	[hbm4b:s3+s2] =	stream.indirect_vreg.scatter [tilespmem:s28], [sflag:$0x2], $0x80, v4, vm0, $0xb8;
	[tilespmem:$0xC100] =	vst v63  }
0x63: {  	_ = 	snop  }
0x64: {  	[hbm4b:s8+s2] =	stream.indirect_vreg.scatter [tilespmem:s29], [sflag:$0x2], $0x80, v4, vm0, $0xb8;
	[tilespmem:$0xC100] =	vst v63  }
0x65: {  	_ = 	snop  }
0x66: {  	[hbm4b:s3+s2] =	stream.indirect_vreg.scatter [tilespmem:s30], [sflag:$0x2], $0x80, v3, vm0, $0xb8;
	[tilespmem:$0xC100] =	vst v63  }
0x67: {  	_ = 	snop  }
0x68: {  	[hbm4b:s8+s2] =	stream.indirect_vreg.scatter [tilespmem:s31], [sflag:$0x2], $0x80, v3, vm0, $0xb8;
	[tilespmem:$0xC100] =	vst v63  }
0x69: {  	v3 =	vld [tilespmem:$0x80];
	_ =	sdelay $0x4  }
0x6a: {  	v60 =	vshll.u32 v3, $0x2  }
0x6b: {  	v3 =	vand.u32 $0x7, v3;
	v4 =	vand.u32 $0xFFFFFFE0, v60  }
0x6c: {  	v3 =	vor.u32 v3, v4  }
0x6d: {  	v4 =	vperm.xlane v3, v0;
	_ =	sdelay $0x1  }
0x6e: {  	v4 =	vadd.s32 v1, v4;
	_ =	sdelay $0x1  }
0x6f: {  	v3 =	vperm.xlane v3, v2;
	_ =	sdelay $0x1  }
0x70: {  	v3 =	vadd.s32 v1, v3  }
0x71: {  	[hbm4b:s3+s2] =	stream.indirect_vreg.scatter [tilespmem:s13], [sflag:$0x2], $0x80, v4, vm0, $0xb8;
	[tilespmem:$0xC100] =	vst v63  }
0x72: {  	_ = 	snop  }
0x73: {  	[hbm4b:s8+s2] =	stream.indirect_vreg.scatter [tilespmem:s16], [sflag:$0x2], $0x80, v4, vm0, $0xb8;
	[tilespmem:$0xC100] =	vst v63  }
0x74: {  	_ = 	snop  }
0x75: {  	[hbm4b:s3+s2] =	stream.indirect_vreg.scatter [tilespmem:s17], [sflag:$0x2], $0x80, v3, vm0, $0xb8;
	[tilespmem:$0xC100] =	vst v63  }
0x76: {  	_ = 	snop  }
0x77: {  	[hbm4b:s8+s2] =	stream.indirect_vreg.scatter [tilespmem:s18], [sflag:$0x2], $0x80, v3, vm0, $0xb8;
	[tilespmem:$0xC100] =	vst v63  }
0x78: {  	v3 =	vld [tilespmem:$0x90];
	_ =	sdelay $0x4  }
0x79: {  	v61 =	vshll.u32 v3, $0x2  }
0x7a: {  	v3 =	vand.u32 $0x7, v3;
	v4 =	vand.u32 $0xFFFFFFE0, v61  }
0x7b: {  	v3 =	vor.u32 v3, v4  }
0x7c: {  	v4 =	vperm.xlane v3, v0;
	_ =	sdelay $0x1  }
0x7d: {  	v4 =	vadd.s32 v1, v4;
	_ =	sdelay $0x1  }
0x7e: {  	v3 =	vperm.xlane v3, v2;
	_ =	sdelay $0x1  }
0x7f: {  	v3 =	vadd.s32 v1, v3  }
0x80: {  	[hbm4b:s3+s2] =	stream.indirect_vreg.scatter [tilespmem:s19], [sflag:$0x2], $0x80, v4, vm0, $0xb8;
	[tilespmem:$0xC100] =	vst v63  }
0x81: {  	_ = 	snop  }
0x82: {  	[hbm4b:s8+s2] =	stream.indirect_vreg.scatter [tilespmem:s20], [sflag:$0x2], $0x80, v4, vm0, $0xb8;
	[tilespmem:$0xC100] =	vst v63  }
0x83: {  	_ = 	snop  }
0x84: {  	[hbm4b:s3+s2] =	stream.indirect_vreg.scatter [tilespmem:s21], [sflag:$0x2], $0x80, v3, vm0, $0xb8;
	[tilespmem:$0xC100] =	vst v63  }
0x85: {  	_ = 	snop  }
0x86: {  	[hbm4b:s8+s2] =	stream.indirect_vreg.scatter [tilespmem:s22], [sflag:$0x2], $0x80, v3, vm0, $0xb8;
	[tilespmem:$0xC100] =	vst v63  }
0x87: {  	v3 =	vld [tilespmem:$0xA0];
	_ =	sdelay $0x4  }
0x88: {  	v62 =	vshll.u32 v3, $0x2  }
0x89: {  	v3 =	vand.u32 $0x7, v3;
	v4 =	vand.u32 $0xFFFFFFE0, v62  }
0x8a: {  	v3 =	vor.u32 v3, v4  }
0x8b: {  	v4 =	vperm.xlane v3, v0;
	_ =	sdelay $0x1  }
0x8c: {  	v4 =	vadd.s32 v1, v4;
	_ =	sdelay $0x1  }
0x8d: {  	v3 =	vperm.xlane v3, v2;
	_ =	sdelay $0x1  }
0x8e: {  	v3 =	vadd.s32 v1, v3  }
0x8f: {  	[hbm4b:s3+s2] =	stream.indirect_vreg.scatter [tilespmem:s23], [sflag:$0x2], $0x80, v4, vm0, $0xb8;
	[tilespmem:$0xC100] =	vst v63  }
0x90: {  	_ = 	snop  }
0x91: {  	[hbm4b:s8+s2] =	stream.indirect_vreg.scatter [tilespmem:s24], [sflag:$0x2], $0x80, v4, vm0, $0xb8;
	[tilespmem:$0xC100] =	vst v63  }
0x92: {  	_ = 	snop  }
0x93: {  	[hbm4b:s3+s2] =	stream.indirect_vreg.scatter [tilespmem:s25], [sflag:$0x2], $0x80, v3, vm0, $0xb8;
	[tilespmem:$0xC100] =	vst v63  }
0x94: {  	_ = 	snop  }
0x95: {  	[hbm4b:s8+s2] =	stream.indirect_vreg.scatter [tilespmem:s26], [sflag:$0x2], $0x80, v3, vm0, $0xb8;
	[tilespmem:$0xC100] =	vst v63  }
0x96: {  	v3 =	vld [tilespmem:$0xB0];
	_ =	sdelay $0x4  }
0x97: {  	v63 =	vshll.u32 v3, $0x2  }
0x98: {  	v3 =	vand.u32 $0x7, v3;
	v4 =	vand.u32 $0xFFFFFFE0, v63  }
0x99: {  	v3 =	vor.u32 v3, v4  }
0x9a: {  	v4 =	vperm.xlane v3, v0;
	_ =	sdelay $0x1  }
0x9b: {  	v4 =	vadd.s32 v1, v4;
	_ =	sdelay $0x1  }
0x9c: {  	v3 =	vperm.xlane v3, v2;
	_ =	sdelay $0x1  }
0x9d: {  	v3 =	vadd.s32 v1, v3  }
0x9e: {  	[hbm4b:s3+s2] =	stream.indirect_vreg.scatter [tilespmem:s28], [sflag:$0x2], $0x80, v4, vm0, $0xb8;
	[tilespmem:$0xC100] =	vst v63  }
0x9f: {  	_ = 	snop  }
0xa0: {  	[hbm4b:s8+s2] =	stream.indirect_vreg.scatter [tilespmem:s29], [sflag:$0x2], $0x80, v4, vm0, $0xb8;
	[tilespmem:$0xC100] =	vst v63  }
0xa1: {  	_ = 	snop  }
0xa2: {  	[hbm4b:s3+s2] =	stream.indirect_vreg.scatter [tilespmem:s30], [sflag:$0x2], $0x80, v3, vm0, $0xb8;
	[tilespmem:$0xC100] =	vst v63  }
0xa3: {  	_ = 	snop  }
0xa4: {  	[hbm4b:s8+s2] =	stream.indirect_vreg.scatter [tilespmem:s31], [sflag:$0x2], $0x80, v3, vm0, $0xb8;
	[tilespmem:$0xC100] =	vst v63  }
0xa5: {  	_ = 	snop  }
0xa6: {  	[hbm4b:s4+s0] =	stream.indirect.scatter [tilespmem:s11], [sflag:$0x1], $0x80, s2, s0, $0xb8;
	[tilespmem:$0xC100] =	vst v63  }
0xa7: {  	_ = 	snop  }
0xa8: {  	[hbm4b:s4+s0] =	stream.indirect.scatter [tilespmem:s12], [sflag:$0x1], $0x80, s10, s0, $0xb8;
	[tilespmem:$0xC100] =	vst v63  }
0xa9: {  	_ =	swait.ge [sflag:s15], $0x8000  }
0xaa: {  	[sflag:s15] =	ssyncset.done $0x0  }
0xab: {  	[sflag:s15] =	ssyncadd.s32 $0xFFFF8000  }
0xac: {  	_ =	swait.ge [sflag:s15], $0x8000  }
0xad: {  	[sflag:s15] =	ssyncset.done $0x0  }
0xae: {  	[sflag:s15] =	ssyncadd.s32 $0xFFFF8000  }
0xaf: {  	p0 =	sne.s32 s9, $0x1;
	_ =	swait.ge [sflag:s14], $0x2000  }
.Ltmp0:
0xb0: {  	[sflag:s14] =	ssyncset.done $0x0;
	(pc) =	sbr.rel @p0 .LBB2_1-.Ltmp0, $4  }
0xb1: {  	[sflag:s14] =	ssyncadd.s32 $0xFFFFE000  }
0xb2: {  	_ =	swait.ge [sflag:s14], $0x2000  }
0xb3: {  	[sflag:s14] =	ssyncset.done $0x0  }
0xb4: {  	s9 =	sadd.s32 $0xFFFFFFFF, s9;
	[sflag:s14] =	ssyncadd.s32 $0xFFFFE000  }
0xb5: {  	_ =	sfence.sel $0x180000  }
0xb6: {  	[bflag:$0x0] =	sbarrier.arrive $0xFFFF  }
0xb7: {  	_ =	strace $0x90000047  }
0xb8: {  	s0 =	stileid.u32;
	[bflag:$0x2] =	sbarrier.arrive $0xFFFF  }
0xb9: {  	p0 =	sne.s32 s0, $0x0;
	s0 =	rddreg [dreg:$0x2]  }
0xba: {  	s0 =	sadd.s32 @!p0 $0x100000, s0  }
0xbb: {  	[sflag:s0] =	ssyncadd.tile.s32 @!p0 $0x1;
	_ =	shalt  }
.Lfunc_end2:
_tile_overlayer_lowered:
.L_overlay_start_2:
0xbc: {  	(tag) =	ssettag $0x2  }
0xbd: {  	s0 =	rddreg [dreg:$0x0];
	s2 =	stileid.u32  }
0xbe: {  	s1 =	rddreg [dreg:$0x1];
	p0 =	sne.s32 s2, $0x0  }
0xbf: {  	s3 =	rddreg [dreg:$0x2];
	[bflag:$0x3] =	sbarrier.arrive $0xFFFF;
	s2 =	simm.s32 @!p0 $0x1C03  }
0xc0: {  	[timem:s3], [sflag:s2] =	dma.local @!p0 [hbm:s0], s1  }
0xc1: {  	s0 =	simm.s32 @!p0 $0x3  }
0xc2: {  	_ =	swait.ge @!p0 [sflag:s0], s1  }
0xc3: {  	s1 =	ssub.s32 @!p0 $0x0, s1;
	[sflag:s0] =	ssyncset.done @!p0 $0x0  }
0xc4: {  	[sflag:s0] =	ssyncadd.s32 @!p0 s1  }
0xc5: {  	[bflag:$0x3] =	sbarrier.arrive $0xFFFF  }
0xc6: {  	_ =	shalt  }

// kernel: kernel.9.cloned.1.call-start
scs
__scs_entry_jumppad:
0x0: {  	(pc) =	sbr.rel $0x88, $3  }
0x1: {  	(tag) =	ssettag $0x0;
	lr =	simm.s32 $0x1  }
0x2: {  	[smem:$0x3F9C] =	sst lr;
	_ =	strace $0xD0000000  }
0x3: {  	_ = 	snop  }
0x4: {  	_ = 	snop  }
0x5: {  	_ = 	snop  }
0x6: {  	_ = 	snop  }
0x7: {  	_ = 	snop  }
__scs_overlays_trampoline_lowered:
0x8: {  	[smem:$0x3FAB] =	sst s0  }
0x9: {  	[smem:$0x3FAC] =	sst s1  }
0xa: {  	[smem:$0x3FAD] =	sst s2  }
0xb: {  	[smem:$0x3FAE] =	sst s3  }
0xc: {  	[smem:$0x3FAF] =	sst s4  }
0xd: {  	[smem:$0x3FB0] =	sst s5  }
0xe: {  	[smem:$0x3FB1] =	sst s6  }
0xf: {  	[smem:$0x3FB2] =	sst s7  }
0x10: {  	[smem:$0x3FB3] =	sst s8  }
0x11: {  	[smem:$0x3FB4] =	sst s9;
	s0 =	simm.s32 @!p0 $0x0  }
0x12: {  	s1 =	sld [smem:$0x3F9A];
	s0 =	simm.s32 @p0 $0x1  }
0x13: {  	[smem:$0x3FB5] =	sst s0;
	s0 =	simm.s32 @!p1 $0x0  }
0x14: {  	s2 =	sld [smem:$0x3F99];
	s0 =	simm.s32 @p1 $0x1  }
0x15: {  	[smem:$0x3FB6] =	sst s0;
	s0 =	simm.s32 @!p2 $0x0  }
0x16: {  	s3 =	sld [smem:$0x3FDB];
	s0 =	simm.s32 @p2 $0x1  }
0x17: {  	s4 =	simm.s32 $0x1BF5;
	[smem:$0x3FB8] =	sst s0  }
0x18: {  	s0 =	sld [smem:$0x3F9B];
	_ =	swait.ge [sflag:s4], $0x0  }
0x19: {  	s7 =	sld [smem:$0x3F9C]  }
0x1a: {  	s8 =	sadd.s32 $0xFFFFE003, lr  }
0x1b: {  	s9 =	sadd.s32 $0xFFFFFEF7, lr;
	s5 =	simm.s32 $0xFFFFFFFF;
	p2 =	slt.u32 s8, $0xFFFFF086  }
0x1c: {  	p1 =	slt.u32 s9, $0xF7A;
	s5 =	simm.s32 @!p2 $0x0  }
0x1d: {  	s5 =	simm.s32 @p1 $0x1;
	p0 =	seq.s32 s7, s2  }
0x1e: {  	s7 =	smul.u32 @!p0 $0xF7A, s2;
	p2 =	seq.s32 @!p0 s5, $0x0  }
0x1f: {  	s9 =	smul.u32 $0xF7A, s1;
	s8 =	simm.s32 @!p0 $0x1BF5;
	p2 =	por !p2, p0  }
0x20: {  	[sflag:s8] =	ssyncset.s32 @!p0 $0xFFFFF086;
	s6 =	sadd.s32 @!p0 s3, s7;
	s7 =	simm.s32 @!p0 $0x108  }
0x21: {  	s3 =	sadd.s32 s3, s9;
	s6 =	sadd.s32 @!p0 $0x88, s6;
	s7 =	simm.s32 @p2 $0x1082  }
0x22: {  	[simem:s7], [sflag:s8] =	dma.local @!p0 [hbm:s6], $0xF7A  }
0x23: {  	s9 =	sor.u32 $0xD0000000, s2;
	s6 =	simm.s32 $0x108;
	_ =	swait.ge @!p0 [sflag:s8], $0x0  }
0x24: {  	s3 =	sadd.s32 $0x88, s3;
	s6 =	simm.s32 @!p1 $0x1082;
	[sflag:s4] =	ssyncset.s32 $0xFFFFF086  }
0x25: {  	[simem:s6], [sflag:s4] =	dma.local [hbm:s3], $0xF7A  }
0x26: {  	[smem:$0x3F9C] =	sst s1;
	(tag) =	ssettag s2;
	_ =	strace s9  }
0x27: {  	s1 =	sld [smem:$0x3FAC]  }
0x28: {  	s2 =	sld [smem:$0x3FAD]  }
0x29: {  	s4 =	sld [smem:$0x3FAF]  }
0x2a: {  	p0 =	seq.s32 s5, $0x0;
	s5 =	sld [smem:$0x3FB0]  }
0x2b: {  	s6 =	sld [smem:$0x3FB1]  }
0x2c: {  	s7 =	sld [smem:$0x3FB2]  }
0x2d: {  	s3 =	simm.s32 $0x108;
	s8 =	sld [smem:$0x3FB3]  }
0x2e: {  	s3 =	simm.s32 @!p0 $0x1082;
	s9 =	sld [smem:$0x3FB4]  }
0x2f: {  	lr =	sadd.s32 s0, s3;
	s0 =	sld [smem:$0x3FAB]  }
0x30: {  	s3 =	sld [smem:$0x3FAE]  }
0x31: {  	[smem:$0x3FB7] =	sst s10  }
0x32: {  	s10 =	sld [smem:$0x3FB5];
	_ =	sdelay $0x3  }
0x33: {  	p0 =	seq.s32 s10, $0x1;
	s10 =	sld [smem:$0x3FB7];
	_ =	sdelay $0x3  }
0x34: {  	[smem:$0x3FB7] =	sst s10  }
0x35: {  	s10 =	sld [smem:$0x3FB6];
	_ =	sdelay $0x3  }
0x36: {  	p1 =	seq.s32 s10, $0x1;
	s10 =	sld [smem:$0x3FB7];
	_ =	sdelay $0x3  }
0x37: {  	[smem:$0x3FB7] =	sst s10  }
0x38: {  	s10 =	sld [smem:$0x3FB8]  }
0x39: {  	_ = 	snop;
	(pc) =	sbr.ind lr, $3  }
0x3a: {  	_ = 	snop  }
0x3b: {  	_ = 	snop  }
0x3c: {  	p2 =	seq.s32 s10, $0x1;
	s10 =	sld [smem:$0x3FB7]  }
0x3d: {  	_ =	shalt  }
0x3e: {  	_ =	shalt  }
0x3f: {  	_ =	shalt  }
0x40: {  	_ =	shalt  }
0x41: {  	_ =	shalt  }
0x42: {  	_ =	shalt  }
0x43: {  	_ =	shalt  }
0x44: {  	_ =	shalt  }
0x45: {  	_ =	shalt  }
0x46: {  	_ =	shalt  }
0x47: {  	_ =	shalt  }
0x48: {  	_ =	shalt  }
0x49: {  	_ =	shalt  }
0x4a: {  	_ =	shalt  }
0x4b: {  	_ =	shalt  }
0x4c: {  	_ =	shalt  }
0x4d: {  	_ =	shalt  }
0x4e: {  	_ =	shalt  }
0x4f: {  	_ =	shalt  }
0x50: {  	_ =	shalt  }
0x51: {  	_ =	shalt  }
0x52: {  	_ =	shalt  }
0x53: {  	_ =	shalt  }
0x54: {  	_ =	shalt  }
0x55: {  	_ =	shalt  }
0x56: {  	_ =	shalt  }
0x57: {  	_ =	shalt  }
0x58: {  	_ =	shalt  }
0x59: {  	_ =	shalt  }
0x5a: {  	_ =	shalt  }
0x5b: {  	_ =	shalt  }
0x5c: {  	_ =	shalt  }
0x5d: {  	_ =	shalt  }
0x5e: {  	_ =	shalt  }
0x5f: {  	_ =	shalt  }
0x60: {  	_ =	shalt  }
0x61: {  	_ =	shalt  }
0x62: {  	_ =	shalt  }
0x63: {  	_ =	shalt  }
0x64: {  	_ =	shalt  }
0x65: {  	_ =	shalt  }
0x66: {  	_ =	shalt  }
0x67: {  	_ =	shalt  }
0x68: {  	_ =	shalt  }
0x69: {  	_ =	shalt  }
0x6a: {  	_ =	shalt  }
0x6b: {  	_ =	shalt  }
0x6c: {  	_ =	shalt  }
0x6d: {  	_ =	shalt  }
0x6e: {  	_ =	shalt  }
0x6f: {  	_ =	shalt  }
0x70: {  	_ =	shalt  }
0x71: {  	_ =	shalt  }
0x72: {  	_ =	shalt  }
0x73: {  	_ =	shalt  }
0x74: {  	_ =	shalt  }
0x75: {  	_ =	shalt  }
0x76: {  	_ =	shalt  }
0x77: {  	_ =	shalt  }
0x78: {  	_ =	shalt  }
0x79: {  	_ =	shalt  }
0x7a: {  	_ =	shalt  }
0x7b: {  	_ =	shalt  }
0x7c: {  	_ =	shalt  }
0x7d: {  	_ =	shalt  }
0x7e: {  	_ =	shalt  }
0x7f: {  	_ =	shalt  }
0x80: {  	_ =	shalt  }
0x81: {  	_ =	shalt  }
0x82: {  	_ =	shalt  }
0x83: {  	_ =	shalt  }
0x84: {  	_ =	shalt  }
0x85: {  	_ =	shalt  }
0x86: {  	_ =	shalt  }
0x87: {  	_ =	shalt  }
.Lfunc_end0:
.L_simem_size_0:
called_computation.1_lowered:
.L_overlay_start_0:
0x88: {  	s2 =	sld [smem:$0x3FD9]  }
0x89: {  	s3 =	sld [smem:$0x3FFE];
	_ =	sdelay $0x1  }
0x8a: {  	s1 =	srdreg.scid  }
0x8b: {  	s0 =	sand.u32 $0x1, s1  }
0x8c: {  	s17 =	sshll.u32 s0, $0xA;
	s2 =	sadd.s32 s3, s2  }
0x8d: {  	s2 =	sadd.s32 s2, s17  }
0x8e: {  	[smem:$0x3FC3] =	sst s2  }
0x8f: {  	_ = 	snop  }
0x90: {  	s2 =	sld [smem:$0x3FD0];
	(tm) =	ssettm $0x1  }
0x91: {  	s18 =	sld [smem:$0x3FFB];
	_ =	sdelay $0x3  }
0x92: {  	_ =	strace s18  }
0x93: {  	s3 =	sld [smem:$0x3FFC];
	_ =	sdelay $0x3  }
0x94: {  	_ =	strace s3  }
0x95: {  	s3 =	sld [smem:$0x3FFD];
	_ =	sdelay $0x3  }
0x96: {  	_ =	strace s3  }
0x97: {  	_ =	strace $0x8FFFFFFF  }
0x98: {  	s19 =	sld [smem:$0x3FDB];
	_ =	sdelay $0x1  }
0x99: {  	s4 =	simm.s32 $_scs_section_size  }
0x9a: {  	s5 =	simm.s32 $_size__tile_overlayer_lowered;
	s6 =	simm.s32 $_tile_overlayer_lowered  }
0x9b: {  	s22 =	simm.s32 $0x1BFF;
	s21 =	sshll.u32 s6, $0x1;
	s3 =	sadd.s32 s4, s19  }
0x9c: {  	s7 =	simm.s32 $0x0;
	s20 =	sshll.u32 s5, $0x1;
	s5 =	sadd.s32 s21, s3  }
0x9d: {  	[timem:s7], [sflag:s22] =	dma.local [hbm:s5], s20  }
0x9e: {  	_ =	swait.ge [sflag:s22], s20  }
0x9f: {  	s4 =	ssub.s32 $0x0, s20;
	[sflag:s22] =	ssyncset.done $0x0  }
0xa0: {  	[sflag:s22] =	ssyncadd.s32 s4;
	_ =	sdelay $0x1  }
0xa1: {  	s23 =	simm.s32 $0x1B8B  }
0xa2: {  	_ =	swait.ge [sflag:s23], $0x1  }
0xa3: {  	[sflag:s23] =	ssyncset.done $0x0  }
0xa4: {  	s25 =	simm.s32 $0x1B8E;
	s24 =	sld [smem:$0x3FFE];
	[sflag:s23] =	ssyncadd.s32 $0xFFFFFFFF  }
0xa5: {  	s26 =	simm.s32 $execute0_lowered;
	[smem:$0x3FD2] =	sst s25  }
0xa6: {  	s5 =	sshll.u32 s26, $0x1;
	_ =	strace $0x80000049;
	[dreg:$0x1] =	wrdreg $0xFFFFFFFF  }
0xa7: {  	s28 =	simm.s32 $_size_execute0_lowered;
	s3 =	sadd.s32 s3, s5;
	[dreg:$0x0] =	wrdreg $0x0  }
0xa8: {  	s5 =	sshll.u32 s28, $0x1;
	[dreg:$0x2] =	wrdreg s3  }
0xa9: {  	[dreg:$0x3] =	wrdreg s5  }
0xaa: {  	[dreg:$0x4] =	wrdreg $0xC0  }
0xab: {  	_ =	task [dreg:s7], $0x5FFFF  }
0xac: {  	[dreg:$0x1] =	wrdreg $0xFFFFFFFF  }
0xad: {  	[dreg:$0x0] =	wrdreg $0x60  }
0xae: {  	[dreg:$0x2] =	wrdreg s24  }
0xaf: {  	[dreg:$0x3] =	wrdreg s2  }
0xb0: {  	[dreg:$0x4] =	wrdreg $0x9  }
0xb1: {  	_ =	task.clear_ibuf [dreg:s7], $0x5FFFF;
	_ =	strace $0x90000049  }
0xb2: {  	s29 =	simm.s32 $0x9;
	_ =	strace $0x8000004B  }
0xb3: {  	_ =	swait.ge [sflag:s29], $0x1  }
0xb4: {  	[sflag:s29] =	ssyncadd.s32 $0xFFFFFFFF  }
0xb5: {  	_ =	strace $0x9000004B  }
0xb6: {  	_ =	sfence  }
0xb7: {  	s30 =	sld [smem:$0x0];
	_ =	sdelay $0x2  }
0xb8: {  	s31 =	sshll.u32 s1, $0xD;
	s1 =	sshrl.u32 s1, $0x2  }
0xb9: {  	s3 =	sand.u32 $0x4000, s31;
	s1 =	sadd.s32 s1, s30  }
0xba: {  	s0 =	sor.u32 s3, s0;
	s1 =	sshll.u32 s1, $0x11  }
0xbb: {  	s0 =	sor.u32 s1, s0  }
0xbc: {  	s0 =	sadd.s32 $0x8F2B, s0  }
0xbd: {  	[sflag:s0] =	ssyncadd.remote.s32 $0x1  }
0xbe: {  	_ =	sfence.sel $0xFFFF  }
0xbf: {  	[dreg:$0x0] =	wrdreg $0xFFFFFFFF;
	(pc) =	sbr.abs _section_cstart, $3  }
0xc0: {  	[dreg:$0x1] =	wrdreg $0xFFFFFFFF  }
0xc1: {  	_ =	task.clear_ibuf [dreg:s7], $0x2FFFF;
	_ =	strace $0x9FFFFFFF  }
0xc2: {  	(tm) =	ssettm $0x7FFFFFFF  }
0xc3: {  	_ =	shalt  }
tec
execute0_lowered:
.L_overlay_start_1:
0x0: {  	(tag) =	ssettag $0x1  }
0x1: {  	s0 =	rddreg [dreg:$0x0]  }
0x2: {  	s1 =	rddreg [dreg:$0x1]  }
0x3: {  	s3 =	srdreg.scid;
	s4 =	stileid.u32;
	s2 =	simm.s32 $0x0  }
0x4: {  	s15 =	simm.s32 $0x1;
	s16 =	simm.s32 $0x400;
	s14 =	simm.s32 $0x4400  }
0x5: {  	s18 =	simm.s32 $0x6C00;
	s11 =	simm.s32 $0x7400;
	s19 =	simm.s32 $0x7C00  }
0x6: {  	s12 =	simm.s32 $0xC400;
	s20 =	simm.s32 $0xCC00;
	s13 =	simm.s32 $0xD400  }
0x7: {  	s21 =	simm.s32 $0xDC00;
	s3 =	sand.u32 $0x1, s3;
	s4 =	sshll.u32 s4, $0x1  }
0x8: {  	s22 =	simm.s32 $0xE400;
	s28 =	simm.s32 $0x0;
	s4 =	sor.u32 s3, s4  }
0x9: {  	[smem:$0x7FF] =	sst s2;
	s9 =	sadd.s32 $0xB2100, s0;
	s23 =	sshll.u32 s4, $0x6  }
0xa: {  	s5 =	ssub.s32 $0x2, s3;
	_ =	strace $0x8000004A;
	s7 =	sadd.s32 s23, s0  }
0xb: {  	s3 =	sadd.s32 $0xB1E00, s0;
	s4 =	sshll.u32 s4, $0xD;
	s24 =	sadd.s32 $0xB0E00, s7  }
0xc: {  	s8 =	sadd.s32 s1, s4;
	s25 =	sadd.s32 $0xB1600, s7;
	[dreg:$0x3] =	wrdreg s24  }
0xd: {  	s6 =	sshrl.u32 s5, $0x1;
	s26 =	sadd.s32 $0x800, s8;
	[dreg:$0x4] =	wrdreg s25  }
0xe: {  	s5 =	ssub.s32 s5, s6;
	s29 =	sadd.s32 $0x1000, s8;
	[dreg:$0x5] =	wrdreg s26  }
0xf: {  	s6 =	sadd.s32 $0xB1F00, s0;
	s30 =	sadd.s32 $0x1800, s8;
	[dreg:$0x6] =	wrdreg s29  }
0x10: {  	v2 =	vlaneseq.u32;
	s1 =	simm.s32 $0x2;
	s31 =	smax.u32 s5, $0x1;
	[dreg:$0x7] =	wrdreg s30  }
0x11: {  	vm0 =	vmmov $0xffff;
	v1 =	vshrl.u32 v2, $0x3;
	s23 =	simm.s32 $0xEC00;
	s7 =	sadd.s32 $0xB2000, s0;
	[dreg:$0x8] =	wrdreg s31  }
0x12: {  	v0 =	vand.u32 $0x7, v2;
	v2 =	vor.u32 $0x8, v2;
	v1 =	vmul.u32 $0x8, v1;
	s24 =	simm.s32 $0xF400;
	s25 =	simm.s32 $0xFC00;
	s26 =	simm.s32 $0x3  }
.LBB2_1:
0x13: {  	s0 =	rddreg [dreg:$0x3]  }
0x14: {  	[tilespmem:s2], [sflag:$0x1] =	stream.linear.gather [hbm4b:s0+s2], $0x200, $0x38;
	[tilespmem:$0x10400] =	vst v63  }
0x15: {  	s30 =	rddreg [dreg:$0x4];
	s4 =	simm.s32 $0x200  }
0x16: {  	[tilespmem:s4], [sflag:$0x1] =	stream.linear.gather [hbm4b:s30+s2], $0x200, $0x38;
	[tilespmem:$0x10400] =	vst v63  }
0x17: {  	_ =	swait.ge [sflag:s15], $0x200  }
0x18: {  	[sflag:s15] =	ssyncset.done $0x0  }
0x19: {  	[sflag:s15] =	ssyncadd.s32 $0xFFFFFE00  }
0x1a: {  	_ =	swait.ge [sflag:s15], $0x200  }
0x1b: {  	[sflag:s15] =	ssyncset.done $0x0  }
0x1c: {  	[sflag:s15] =	ssyncadd.s32 $0xFFFFFE00  }
0x1d: {  	v3 =	vld [tilespmem:$0x0];
	_ =	sdelay $0x4  }
0x1e: {  	v4 =	vshll.u32 v3, $0x3  }
0x1f: {  	v3 =	vand.u32 $0x7, v3;
	v4 =	vand.u32 $0xFFFFFFC0, v4  }
0x20: {  	v3 =	vor.u32 v3, v4  }
0x21: {  	v4 =	vperm.xlane v3, v0;
	_ =	sdelay $0x1  }
0x22: {  	v4 =	vadd.s32 v1, v4;
	_ =	sdelay $0x4  }
0x23: {  	[tilespmem:s16], [sflag:$0x2] =	stream.indirect_vreg.gather [hbm4b:s3+s2], $0x80, v4, vm0, $0xb8;
	[tilespmem:$0x10400] =	vst v63  }
0x24: {  	s31 =	simm.s32 $0xC00;
	v3 =	vperm.xlane v3, v2  }
0x25: {  	[tilespmem:s31], [sflag:$0x2] =	stream.indirect_vreg.gather [hbm4b:s6+s2], $0x80, v4, vm0, $0xb8;
	[tilespmem:$0x10400] =	vst v63  }
0x26: {  	s4 =	simm.s32 $0x1400;
	v3 =	vadd.s32 v1, v3  }
0x27: {  	[tilespmem:s4], [sflag:$0x2] =	stream.indirect_vreg.gather [hbm4b:s7+s2], $0x80, v4, vm0, $0xb8;
	[tilespmem:$0x10400] =	vst v63  }
0x28: {  	s5 =	simm.s32 $0x1C00  }
0x29: {  	[tilespmem:s5], [sflag:$0x2] =	stream.indirect_vreg.gather [hbm4b:s9+s2], $0x80, v4, vm0, $0xb8;
	[tilespmem:$0x10400] =	vst v63  }
0x2a: {  	s10 =	simm.s32 $0x2400  }
0x2b: {  	[tilespmem:s10], [sflag:$0x2] =	stream.indirect_vreg.gather [hbm4b:s3+s2], $0x80, v3, vm0, $0xb8;
	[tilespmem:$0x10400] =	vst v63  }
0x2c: {  	s17 =	simm.s32 $0x2C00  }
0x2d: {  	[tilespmem:s17], [sflag:$0x2] =	stream.indirect_vreg.gather [hbm4b:s6+s2], $0x80, v3, vm0, $0xb8;
	[tilespmem:$0x10400] =	vst v63  }
0x2e: {  	s30 =	simm.s32 $0x3400  }
0x2f: {  	[tilespmem:s30], [sflag:$0x2] =	stream.indirect_vreg.gather [hbm4b:s7+s2], $0x80, v3, vm0, $0xb8;
	[tilespmem:$0x10400] =	vst v63  }
0x30: {  	s31 =	simm.s32 $0x3C00  }
0x31: {  	[tilespmem:s31], [sflag:$0x2] =	stream.indirect_vreg.gather [hbm4b:s9+s2], $0x80, v3, vm0, $0xb8;
	[tilespmem:$0x10400] =	vst v63  }
0x32: {  	v3 =	vld [tilespmem:$0x200];
	_ =	sdelay $0x4  }
0x33: {  	v61 =	vshll.u32 v3, $0x3  }
0x34: {  	v3 =	vand.u32 $0x7, v3;
	v4 =	vand.u32 $0xFFFFFFC0, v61  }
0x35: {  	v3 =	vor.u32 v3, v4  }
0x36: {  	v4 =	vperm.xlane v3, v0;
	_ =	sdelay $0x1  }
0x37: {  	v4 =	vadd.s32 v1, v4;
	_ =	sdelay $0x3  }
0x38: {  	s4 =	simm.s32 $0x8400  }
0x39: {  	[tilespmem:s4], [sflag:$0x2] =	stream.indirect_vreg.gather [hbm4b:s3+s2], $0x80, v4, vm0, $0xb8;
	[tilespmem:$0x10400] =	vst v63  }
0x3a: {  	s5 =	simm.s32 $0x8C00;
	v3 =	vperm.xlane v3, v2  }
0x3b: {  	[tilespmem:s5], [sflag:$0x2] =	stream.indirect_vreg.gather [hbm4b:s6+s2], $0x80, v4, vm0, $0xb8;
	[tilespmem:$0x10400] =	vst v63  }
0x3c: {  	s10 =	simm.s32 $0x9400;
	v3 =	vadd.s32 v1, v3  }
0x3d: {  	[tilespmem:s10], [sflag:$0x2] =	stream.indirect_vreg.gather [hbm4b:s7+s2], $0x80, v4, vm0, $0xb8;
	[tilespmem:$0x10400] =	vst v63  }
0x3e: {  	s17 =	simm.s32 $0x9C00  }
0x3f: {  	[tilespmem:s17], [sflag:$0x2] =	stream.indirect_vreg.gather [hbm4b:s9+s2], $0x80, v4, vm0, $0xb8;
	[tilespmem:$0x10400] =	vst v63  }
0x40: {  	s30 =	simm.s32 $0xA400  }
0x41: {  	[tilespmem:s30], [sflag:$0x2] =	stream.indirect_vreg.gather [hbm4b:s3+s2], $0x80, v3, vm0, $0xb8;
	[tilespmem:$0x10400] =	vst v63  }
0x42: {  	s31 =	simm.s32 $0xAC00  }
0x43: {  	[tilespmem:s31], [sflag:$0x2] =	stream.indirect_vreg.gather [hbm4b:s6+s2], $0x80, v3, vm0, $0xb8;
	[tilespmem:$0x10400] =	vst v63  }
0x44: {  	s4 =	simm.s32 $0xB400  }
0x45: {  	[tilespmem:s4], [sflag:$0x2] =	stream.indirect_vreg.gather [hbm4b:s7+s2], $0x80, v3, vm0, $0xb8;
	[tilespmem:$0x10400] =	vst v63  }
0x46: {  	s5 =	simm.s32 $0xBC00  }
0x47: {  	[tilespmem:s5], [sflag:$0x2] =	stream.indirect_vreg.gather [hbm4b:s9+s2], $0x80, v3, vm0, $0xb8;
	[tilespmem:$0x10400] =	vst v63  }
0x48: {  	_ =	swait.ge [sflag:s1], $0x4000  }
0x49: {  	[sflag:s1] =	ssyncset.done $0x0  }
0x4a: {  	[sflag:s1] =	ssyncadd.s32 $0xFFFFC000  }
0x4b: {  	_ =	swait.ge [sflag:s1], $0x4000  }
0x4c: {  	[sflag:s1] =	ssyncset.done $0x0  }
0x4d: {  	[sflag:s1] =	ssyncadd.s32 $0xFFFFC000  }
0x4e: {  	v3 =	vld [tilespmem:$0x80];
	_ =	sdelay $0x4  }
0x4f: {  	v62 =	vshll.u32 v3, $0x3  }
0x50: {  	v3 =	vand.u32 $0x7, v3;
	v4 =	vand.u32 $0xFFFFFFC0, v62  }
0x51: {  	v3 =	vor.u32 v3, v4  }
0x52: {  	v4 =	vperm.xlane v3, v0;
	_ =	sdelay $0x1  }
0x53: {  	v4 =	vadd.s32 v1, v4;
	_ =	sdelay $0x4  }
0x54: {  	[tilespmem:s14], [sflag:$0x2] =	stream.indirect_vreg.gather [hbm4b:s3+s2], $0x80, v4, vm0, $0xb8;
	[tilespmem:$0x10400] =	vst v63  }
0x55: {  	s10 =	simm.s32 $0x4C00;
	v3 =	vperm.xlane v3, v2  }
0x56: {  	[tilespmem:s10], [sflag:$0x2] =	stream.indirect_vreg.gather [hbm4b:s6+s2], $0x80, v4, vm0, $0xb8;
	[tilespmem:$0x10400] =	vst v63  }
0x57: {  	s17 =	simm.s32 $0x5400;
	v3 =	vadd.s32 v1, v3  }
0x58: {  	[tilespmem:s17], [sflag:$0x2] =	stream.indirect_vreg.gather [hbm4b:s7+s2], $0x80, v4, vm0, $0xb8;
	[tilespmem:$0x10400] =	vst v63  }
0x59: {  	s30 =	simm.s32 $0x5C00  }
0x5a: {  	[tilespmem:s30], [sflag:$0x2] =	stream.indirect_vreg.gather [hbm4b:s9+s2], $0x80, v4, vm0, $0xb8;
	[tilespmem:$0x10400] =	vst v63  }
0x5b: {  	s31 =	simm.s32 $0x6400  }
0x5c: {  	[tilespmem:s31], [sflag:$0x2] =	stream.indirect_vreg.gather [hbm4b:s3+s2], $0x80, v3, vm0, $0xb8;
	[tilespmem:$0x10400] =	vst v63  }
0x5d: {  	_ = 	snop  }
0x5e: {  	[tilespmem:s18], [sflag:$0x2] =	stream.indirect_vreg.gather [hbm4b:s6+s2], $0x80, v3, vm0, $0xb8;
	[tilespmem:$0x10400] =	vst v63  }
0x5f: {  	_ = 	snop  }
0x60: {  	[tilespmem:s11], [sflag:$0x2] =	stream.indirect_vreg.gather [hbm4b:s7+s2], $0x80, v3, vm0, $0xb8;
	[tilespmem:$0x10400] =	vst v63  }
0x61: {  	_ = 	snop  }
0x62: {  	[tilespmem:s19], [sflag:$0x2] =	stream.indirect_vreg.gather [hbm4b:s9+s2], $0x80, v3, vm0, $0xb8;
	[tilespmem:$0x10400] =	vst v63  }
0x63: {  	v3 =	vld [tilespmem:$0x280];
	_ =	sdelay $0x4  }
0x64: {  	v63 =	vshll.u32 v3, $0x3  }
0x65: {  	v3 =	vand.u32 $0x7, v3;
	v4 =	vand.u32 $0xFFFFFFC0, v63  }
0x66: {  	v3 =	vor.u32 v3, v4  }
0x67: {  	v4 =	vperm.xlane v3, v0;
	_ =	sdelay $0x1  }
0x68: {  	v4 =	vadd.s32 v1, v4;
	_ =	sdelay $0x4  }
0x69: {  	[tilespmem:s12], [sflag:$0x2] =	stream.indirect_vreg.gather [hbm4b:s3+s2], $0x80, v4, vm0, $0xb8;
	[tilespmem:$0x10400] =	vst v63  }
0x6a: {  	v3 =	vperm.xlane v3, v2  }
0x6b: {  	[tilespmem:s20], [sflag:$0x2] =	stream.indirect_vreg.gather [hbm4b:s6+s2], $0x80, v4, vm0, $0xb8;
	[tilespmem:$0x10400] =	vst v63  }
0x6c: {  	v3 =	vadd.s32 v1, v3  }
0x6d: {  	[tilespmem:s13], [sflag:$0x2] =	stream.indirect_vreg.gather [hbm4b:s7+s2], $0x80, v4, vm0, $0xb8;
	[tilespmem:$0x10400] =	vst v63  }
0x6e: {  	_ = 	snop  }
0x6f: {  	[tilespmem:s21], [sflag:$0x2] =	stream.indirect_vreg.gather [hbm4b:s9+s2], $0x80, v4, vm0, $0xb8;
	[tilespmem:$0x10400] =	vst v63  }
0x70: {  	_ = 	snop  }
0x71: {  	[tilespmem:s22], [sflag:$0x2] =	stream.indirect_vreg.gather [hbm4b:s3+s2], $0x80, v3, vm0, $0xb8;
	[tilespmem:$0x10400] =	vst v63  }
0x72: {  	_ = 	snop  }
0x73: {  	[tilespmem:s23], [sflag:$0x2] =	stream.indirect_vreg.gather [hbm4b:s6+s2], $0x80, v3, vm0, $0xb8;
	[tilespmem:$0x10400] =	vst v63  }
0x74: {  	_ = 	snop  }
0x75: {  	[tilespmem:s24], [sflag:$0x2] =	stream.indirect_vreg.gather [hbm4b:s7+s2], $0x80, v3, vm0, $0xb8;
	[tilespmem:$0x10400] =	vst v63  }
0x76: {  	s29 =	simm.s32 $0x0  }
0x77: {  	[tilespmem:s25], [sflag:$0x2] =	stream.indirect_vreg.gather [hbm4b:s9+s2], $0x80, v3, vm0, $0xb8;
	[tilespmem:$0x10400] =	vst v63  }
.LBB2_2:
0x78: {  	s0 =	sshll.u32 s29, $0xA;
	s4 =	sshll.u32 s29, $0x7  }
0x79: {  	s5 =	simm.s32 $0x0;
	s0 =	sand.u32 $0x2000, s0;
	s4 =	sand.u32 $0x380, s4  }
0x7a: {  	s30 =	sor.u32 s0, s4;
	s4 =	sand.u32 $0x1C00, s5  }
0x7b: {  	s10 =	sand.u32 $0x70, s5;
	s0 =	sor.u32 s4, s30  }
0x7c: {  	s31 =	sor.u32 s10, s0  }
0x7d: {  	v3 =	vld [tilespmem:s31+$0x8400]  }
0x7e: {  	v4 =	vld [tilespmem:s31+$0x400];
	_ =	sdelay $0x2  }
0x7f: {  	s0 =	simm.s32 $0x80  }
0x80: {  	s17 =	simm.s32 $0x10;
	s10 =	sand.u32 $0x1C00, s0  }
0x81: {  	s5 =	sand.u32 $0x70, s17;
	s4 =	simm.s32 $0x20;
	s17 =	sor.u32 s10, s30;
	v3 =	vadd.f32 v3, v4  }
.LBB2_3:
0x82: {  	p0 =	sne.s32 s4, $0x3F0;
	s5 =	sor.u32 s5, s17  }
0x83: {  	v4 =	vld [tilespmem:s5+$0x8400];
	[tilespmem:s31+$0x400] =	vst v3;
	s31 =	smov.u32 s5  }
0x84: {  	v3 =	vld [tilespmem:s31+$0x400]  }
.Ltmp0:
0x85: {  	(pc) =	sbr.rel @p0 .LBB2_3-.Ltmp0, $4  }
0x86: {  	_ = 	snop  }
0x87: {  	s0 =	sadd.s32 $0x80, s0  }
0x88: {  	s10 =	sand.u32 $0x1C00, s0  }
0x89: {  	s5 =	sand.u32 $0x70, s4;
	s4 =	sadd.s32 $0x10, s4;
	s17 =	sor.u32 s10, s30;
	v3 =	vadd.f32 v4, v3  }
0x8a: {  	s0 =	sor.u32 s5, s17  }
0x8b: {  	v4 =	vld [tilespmem:s0+$0x8400];
	[tilespmem:s31+$0x400] =	vst v3  }
0x8c: {  	v3 =	vld [tilespmem:s0+$0x400]  }
0x8d: {  	s29 =	sadd.s32 $0x1, s29  }
0x8e: {  	p0 =	sne.s32 s29, $0x10  }
.Ltmp1:
0x8f: {  	_ = 	snop;
	(pc) =	sbr.rel @p0 .LBB2_2-.Ltmp1, $3  }
0x90: {  	_ = 	snop  }
0x91: {  	v3 =	vadd.f32 v4, v3;
	_ =	sdelay $0x1  }
0x92: {  	[tilespmem:s0+$0x400] =	vst v3  }
0x93: {  	s29 =	simm.s32 $0x0  }
0x94: {  	[hbm4b:s8+s29] =	stream.linear.scatter [tilespmem:s16], [sflag:$0x3], $0x4000, $0x38;
	[tilespmem:$0x10400] =	vst v63  }
0x95: {  	_ =	swait.ge [sflag:s1], $0x4000  }
0x96: {  	[sflag:s1] =	ssyncset.done $0x0  }
0x97: {  	[sflag:s1] =	ssyncadd.s32 $0xFFFFC000  }
0x98: {  	_ =	swait.ge [sflag:s1], $0x4000  }
0x99: {  	[sflag:s1] =	ssyncset.done $0x0  }
0x9a: {  	[sflag:s1] =	ssyncadd.s32 $0xFFFFC000  }
0x9b: {  	_ =	swait.ge [sflag:s26], $0x4000  }
0x9c: {  	[sflag:s26] =	ssyncset.done $0x0  }
0x9d: {  	[sflag:s26] =	ssyncadd.s32 $0xFFFFC000  }
0x9e: {  	v3 =	vld [tilespmem:$0x100];
	_ =	sdelay $0x4  }
0x9f: {  	v4 =	vshll.u32 v3, $0x3  }
0xa0: {  	v3 =	vand.u32 $0x7, v3;
	v4 =	vand.u32 $0xFFFFFFC0, v4  }
0xa1: {  	v3 =	vor.u32 v3, v4  }
0xa2: {  	v4 =	vperm.xlane v3, v0;
	_ =	sdelay $0x1  }
0xa3: {  	v4 =	vadd.s32 v1, v4;
	_ =	sdelay $0x4  }
0xa4: {  	[tilespmem:s16], [sflag:$0x2] =	stream.indirect_vreg.gather [hbm4b:s3+s29], $0x80, v4, vm0, $0xb8;
	[tilespmem:$0x10400] =	vst v63  }
0xa5: {  	s0 =	simm.s32 $0xC00;
	v3 =	vperm.xlane v3, v2  }
0xa6: {  	[tilespmem:s0], [sflag:$0x2] =	stream.indirect_vreg.gather [hbm4b:s6+s29], $0x80, v4, vm0, $0xb8;
	[tilespmem:$0x10400] =	vst v63  }
0xa7: {  	s5 =	simm.s32 $0x1400;
	v3 =	vadd.s32 v1, v3  }
0xa8: {  	[tilespmem:s5], [sflag:$0x2] =	stream.indirect_vreg.gather [hbm4b:s7+s29], $0x80, v4, vm0, $0xb8;
	[tilespmem:$0x10400] =	vst v63  }
0xa9: {  	s10 =	simm.s32 $0x1C00  }
0xaa: {  	[tilespmem:s10], [sflag:$0x2] =	stream.indirect_vreg.gather [hbm4b:s9+s29], $0x80, v4, vm0, $0xb8;
	[tilespmem:$0x10400] =	vst v63  }
0xab: {  	s17 =	simm.s32 $0x2400  }
0xac: {  	[tilespmem:s17], [sflag:$0x2] =	stream.indirect_vreg.gather [hbm4b:s3+s29], $0x80, v3, vm0, $0xb8;
	[tilespmem:$0x10400] =	vst v63  }
0xad: {  	s31 =	simm.s32 $0x2C00  }
0xae: {  	[tilespmem:s31], [sflag:$0x2] =	stream.indirect_vreg.gather [hbm4b:s6+s29], $0x80, v3, vm0, $0xb8;
	[tilespmem:$0x10400] =	vst v63  }
0xaf: {  	s4 =	simm.s32 $0x3400  }
0xb0: {  	[tilespmem:s4], [sflag:$0x2] =	stream.indirect_vreg.gather [hbm4b:s7+s29], $0x80, v3, vm0, $0xb8;
	[tilespmem:$0x10400] =	vst v63  }
0xb1: {  	s5 =	simm.s32 $0x3C00  }
0xb2: {  	[tilespmem:s5], [sflag:$0x2] =	stream.indirect_vreg.gather [hbm4b:s9+s29], $0x80, v3, vm0, $0xb8;
	[tilespmem:$0x10400] =	vst v63  }
0xb3: {  	v3 =	vld [tilespmem:$0x300];
	_ =	sdelay $0x4  }
0xb4: {  	v63 =	vshll.u32 v3, $0x3  }
0xb5: {  	v3 =	vand.u32 $0x7, v3;
	v4 =	vand.u32 $0xFFFFFFC0, v63  }
0xb6: {  	v3 =	vor.u32 v3, v4  }
0xb7: {  	v4 =	vperm.xlane v3, v0;
	_ =	sdelay $0x1  }
0xb8: {  	v4 =	vadd.s32 v1, v4;
	_ =	sdelay $0x3  }
0xb9: {  	s10 =	simm.s32 $0x8400  }
0xba: {  	[tilespmem:s10], [sflag:$0x2] =	stream.indirect_vreg.gather [hbm4b:s3+s29], $0x80, v4, vm0, $0xb8;
	[tilespmem:$0x10400] =	vst v63  }
0xbb: {  	s17 =	simm.s32 $0x8C00;
	v3 =	vperm.xlane v3, v2  }
0xbc: {  	[tilespmem:s17], [sflag:$0x2] =	stream.indirect_vreg.gather [hbm4b:s6+s29], $0x80, v4, vm0, $0xb8;
	[tilespmem:$0x10400] =	vst v63  }
0xbd: {  	s31 =	simm.s32 $0x9400;
	v3 =	vadd.s32 v1, v3  }
0xbe: {  	[tilespmem:s31], [sflag:$0x2] =	stream.indirect_vreg.gather [hbm4b:s7+s29], $0x80, v4, vm0, $0xb8;
	[tilespmem:$0x10400] =	vst v63  }
0xbf: {  	s4 =	simm.s32 $0x9C00  }
0xc0: {  	[tilespmem:s4], [sflag:$0x2] =	stream.indirect_vreg.gather [hbm4b:s9+s29], $0x80, v4, vm0, $0xb8;
	[tilespmem:$0x10400] =	vst v63  }
0xc1: {  	s5 =	simm.s32 $0xA400  }
0xc2: {  	[tilespmem:s5], [sflag:$0x2] =	stream.indirect_vreg.gather [hbm4b:s3+s29], $0x80, v3, vm0, $0xb8;
	[tilespmem:$0x10400] =	vst v63  }
0xc3: {  	s10 =	simm.s32 $0xAC00  }
0xc4: {  	[tilespmem:s10], [sflag:$0x2] =	stream.indirect_vreg.gather [hbm4b:s6+s29], $0x80, v3, vm0, $0xb8;
	[tilespmem:$0x10400] =	vst v63  }
0xc5: {  	s17 =	simm.s32 $0xB400  }
0xc6: {  	[tilespmem:s17], [sflag:$0x2] =	stream.indirect_vreg.gather [hbm4b:s7+s29], $0x80, v3, vm0, $0xb8;
	[tilespmem:$0x10400] =	vst v63  }
0xc7: {  	s30 =	simm.s32 $0x0;
	s31 =	simm.s32 $0xBC00  }
0xc8: {  	[tilespmem:s31], [sflag:$0x2] =	stream.indirect_vreg.gather [hbm4b:s9+s29], $0x80, v3, vm0, $0xb8;
	[tilespmem:$0x10400] =	vst v63  }
.LBB2_6:
0xc9: {  	s0 =	sshll.u32 s30, $0xA;
	s4 =	sshll.u32 s30, $0x7  }
0xca: {  	s0 =	sand.u32 $0x2000, s0;
	s4 =	sand.u32 $0x380, s4  }
0xcb: {  	s10 =	sand.u32 $0x1C00, s29;
	s31 =	sor.u32 s4, s0  }
0xcc: {  	s17 =	sand.u32 $0x70, s29;
	s0 =	sor.u32 s10, s31  }
0xcd: {  	s0 =	sor.u32 s17, s0  }
0xce: {  	v3 =	vld [tilespmem:s0+$0xC400]  }
0xcf: {  	v4 =	vld [tilespmem:s0+$0x4400];
	_ =	sdelay $0x2  }
0xd0: {  	s4 =	simm.s32 $0x80  }
0xd1: {  	s5 =	simm.s32 $0x10;
	s10 =	sand.u32 $0x1C00, s4  }
0xd2: {  	s17 =	sand.u32 $0x70, s5;
	s10 =	sor.u32 s10, s31;
	s5 =	simm.s32 $0x20;
	v3 =	vadd.f32 v3, v4  }
.LBB2_7:
0xd3: {  	p0 =	sne.s32 s5, $0x3F0;
	s10 =	sor.u32 s17, s10  }
0xd4: {  	v4 =	vld [tilespmem:s10+$0xC400];
	[tilespmem:s0+$0x4400] =	vst v3;
	s0 =	smov.u32 s10  }
0xd5: {  	v3 =	vld [tilespmem:s0+$0x4400]  }
.Ltmp2:
0xd6: {  	(pc) =	sbr.rel @p0 .LBB2_7-.Ltmp2, $4  }
0xd7: {  	_ = 	snop  }
0xd8: {  	s4 =	sadd.s32 $0x80, s4  }
0xd9: {  	s10 =	sand.u32 $0x1C00, s4  }
0xda: {  	s17 =	sand.u32 $0x70, s5;
	s5 =	sadd.s32 $0x10, s5;
	s10 =	sor.u32 s10, s31;
	v3 =	vadd.f32 v4, v3  }
0xdb: {  	s4 =	sor.u32 s17, s10  }
0xdc: {  	v4 =	vld [tilespmem:s4+$0xC400];
	[tilespmem:s0+$0x4400] =	vst v3  }
0xdd: {  	v3 =	vld [tilespmem:s4+$0x4400]  }
0xde: {  	s30 =	sadd.s32 $0x1, s30  }
0xdf: {  	p0 =	sne.s32 s30, $0x10  }
.Ltmp3:
0xe0: {  	_ = 	snop;
	(pc) =	sbr.rel @p0 .LBB2_6-.Ltmp3, $3  }
0xe1: {  	_ = 	snop  }
0xe2: {  	v3 =	vadd.f32 v4, v3;
	_ =	sdelay $0x1  }
0xe3: {  	[tilespmem:s4+$0x4400] =	vst v3  }
0xe4: {  	s29 =	simm.s32 $0x0;
	s0 =	rddreg [dreg:$0x5]  }
0xe5: {  	[hbm4b:s0+s29] =	stream.linear.scatter [tilespmem:s14], [sflag:$0x3], $0x4000, $0x38;
	[tilespmem:$0x10400] =	vst v63  }
0xe6: {  	_ =	swait.ge [sflag:s1], $0x4000  }
0xe7: {  	[sflag:s1] =	ssyncset.done $0x0  }
0xe8: {  	[sflag:s1] =	ssyncadd.s32 $0xFFFFC000  }
0xe9: {  	_ =	swait.ge [sflag:s1], $0x4000  }
0xea: {  	[sflag:s1] =	ssyncset.done $0x0  }
0xeb: {  	[sflag:s1] =	ssyncadd.s32 $0xFFFFC000  }
0xec: {  	_ =	swait.ge [sflag:s26], $0x4000  }
0xed: {  	[sflag:s26] =	ssyncset.done $0x0  }
0xee: {  	[sflag:s26] =	ssyncadd.s32 $0xFFFFC000  }
0xef: {  	v3 =	vld [tilespmem:$0x180];
	_ =	sdelay $0x4  }
0xf0: {  	v4 =	vshll.u32 v3, $0x3  }
0xf1: {  	v3 =	vand.u32 $0x7, v3;
	v4 =	vand.u32 $0xFFFFFFC0, v4  }
0xf2: {  	v3 =	vor.u32 v3, v4  }
0xf3: {  	v4 =	vperm.xlane v3, v0;
	_ =	sdelay $0x1  }
0xf4: {  	v4 =	vadd.s32 v1, v4;
	_ =	sdelay $0x4  }
0xf5: {  	[tilespmem:s14], [sflag:$0x2] =	stream.indirect_vreg.gather [hbm4b:s3+s29], $0x80, v4, vm0, $0xb8;
	[tilespmem:$0x10400] =	vst v63  }
0xf6: {  	s5 =	simm.s32 $0x4C00;
	v3 =	vperm.xlane v3, v2  }
0xf7: {  	[tilespmem:s5], [sflag:$0x2] =	stream.indirect_vreg.gather [hbm4b:s6+s29], $0x80, v4, vm0, $0xb8;
	[tilespmem:$0x10400] =	vst v63  }
0xf8: {  	s10 =	simm.s32 $0x5400;
	v3 =	vadd.s32 v1, v3  }
0xf9: {  	[tilespmem:s10], [sflag:$0x2] =	stream.indirect_vreg.gather [hbm4b:s7+s29], $0x80, v4, vm0, $0xb8;
	[tilespmem:$0x10400] =	vst v63  }
0xfa: {  	s17 =	simm.s32 $0x5C00  }
0xfb: {  	[tilespmem:s17], [sflag:$0x2] =	stream.indirect_vreg.gather [hbm4b:s9+s29], $0x80, v4, vm0, $0xb8;
	[tilespmem:$0x10400] =	vst v63  }
0xfc: {  	s31 =	simm.s32 $0x6400  }
0xfd: {  	[tilespmem:s31], [sflag:$0x2] =	stream.indirect_vreg.gather [hbm4b:s3+s29], $0x80, v3, vm0, $0xb8;
	[tilespmem:$0x10400] =	vst v63  }
0xfe: {  	_ = 	snop  }
0xff: {  	[tilespmem:s18], [sflag:$0x2] =	stream.indirect_vreg.gather [hbm4b:s6+s29], $0x80, v3, vm0, $0xb8;
	[tilespmem:$0x10400] =	vst v63  }
0x100: {  	_ = 	snop  }
0x101: {  	[tilespmem:s11], [sflag:$0x2] =	stream.indirect_vreg.gather [hbm4b:s7+s29], $0x80, v3, vm0, $0xb8;
	[tilespmem:$0x10400] =	vst v63  }
0x102: {  	_ = 	snop  }
0x103: {  	[tilespmem:s19], [sflag:$0x2] =	stream.indirect_vreg.gather [hbm4b:s9+s29], $0x80, v3, vm0, $0xb8;
	[tilespmem:$0x10400] =	vst v63  }
0x104: {  	v3 =	vld [tilespmem:$0x380];
	_ =	sdelay $0x4  }
0x105: {  	v63 =	vshll.u32 v3, $0x3  }
0x106: {  	v3 =	vand.u32 $0x7, v3;
	v4 =	vand.u32 $0xFFFFFFC0, v63  }
0x107: {  	v3 =	vor.u32 v3, v4  }
0x108: {  	v4 =	vperm.xlane v3, v0;
	_ =	sdelay $0x1  }
0x109: {  	v4 =	vadd.s32 v1, v4;
	_ =	sdelay $0x4  }
0x10a: {  	[tilespmem:s12], [sflag:$0x2] =	stream.indirect_vreg.gather [hbm4b:s3+s29], $0x80, v4, vm0, $0xb8;
	[tilespmem:$0x10400] =	vst v63  }
0x10b: {  	v3 =	vperm.xlane v3, v2  }
0x10c: {  	[tilespmem:s20], [sflag:$0x2] =	stream.indirect_vreg.gather [hbm4b:s6+s29], $0x80, v4, vm0, $0xb8;
	[tilespmem:$0x10400] =	vst v63  }
0x10d: {  	v3 =	vadd.s32 v1, v3  }
0x10e: {  	[tilespmem:s13], [sflag:$0x2] =	stream.indirect_vreg.gather [hbm4b:s7+s29], $0x80, v4, vm0, $0xb8;
	[tilespmem:$0x10400] =	vst v63  }
0x10f: {  	_ = 	snop  }
0x110: {  	[tilespmem:s21], [sflag:$0x2] =	stream.indirect_vreg.gather [hbm4b:s9+s29], $0x80, v4, vm0, $0xb8;
	[tilespmem:$0x10400] =	vst v63  }
0x111: {  	_ = 	snop  }
0x112: {  	[tilespmem:s22], [sflag:$0x2] =	stream.indirect_vreg.gather [hbm4b:s3+s29], $0x80, v3, vm0, $0xb8;
	[tilespmem:$0x10400] =	vst v63  }
0x113: {  	_ = 	snop  }
0x114: {  	[tilespmem:s23], [sflag:$0x2] =	stream.indirect_vreg.gather [hbm4b:s6+s29], $0x80, v3, vm0, $0xb8;
	[tilespmem:$0x10400] =	vst v63  }
0x115: {  	_ = 	snop  }
0x116: {  	[tilespmem:s24], [sflag:$0x2] =	stream.indirect_vreg.gather [hbm4b:s7+s29], $0x80, v3, vm0, $0xb8;
	[tilespmem:$0x10400] =	vst v63  }
0x117: {  	s30 =	simm.s32 $0x0  }
0x118: {  	[tilespmem:s25], [sflag:$0x2] =	stream.indirect_vreg.gather [hbm4b:s9+s29], $0x80, v3, vm0, $0xb8;
	[tilespmem:$0x10400] =	vst v63  }
.LBB2_10:
0x119: {  	s0 =	sshll.u32 s30, $0xA;
	s4 =	sshll.u32 s30, $0x7  }
0x11a: {  	s0 =	sand.u32 $0x2000, s0;
	s4 =	sand.u32 $0x380, s4  }
0x11b: {  	s10 =	sand.u32 $0x1C00, s29;
	s31 =	sor.u32 s0, s4  }
0x11c: {  	s17 =	sand.u32 $0x70, s29;
	s0 =	sor.u32 s10, s31  }
0x11d: {  	s0 =	sor.u32 s17, s0  }
0x11e: {  	v3 =	vld [tilespmem:s0+$0x8400]  }
0x11f: {  	v4 =	vld [tilespmem:s0+$0x400];
	_ =	sdelay $0x2  }
0x120: {  	s4 =	simm.s32 $0x80  }
0x121: {  	s5 =	simm.s32 $0x10;
	s10 =	sand.u32 $0x1C00, s4  }
0x122: {  	s17 =	sand.u32 $0x70, s5;
	s10 =	sor.u32 s10, s31;
	s5 =	simm.s32 $0x20;
	v3 =	vadd.f32 v3, v4  }
.LBB2_11:
0x123: {  	p0 =	sne.s32 s5, $0x3F0;
	s10 =	sor.u32 s17, s10  }
0x124: {  	v4 =	vld [tilespmem:s10+$0x8400];
	[tilespmem:s0+$0x400] =	vst v3;
	s0 =	smov.u32 s10  }
0x125: {  	v3 =	vld [tilespmem:s0+$0x400]  }
.Ltmp4:
0x126: {  	(pc) =	sbr.rel @p0 .LBB2_11-.Ltmp4, $4  }
0x127: {  	_ = 	snop  }
0x128: {  	s4 =	sadd.s32 $0x80, s4  }
0x129: {  	s10 =	sand.u32 $0x1C00, s4  }
0x12a: {  	s17 =	sand.u32 $0x70, s5;
	s5 =	sadd.s32 $0x10, s5;
	s10 =	sor.u32 s10, s31;
	v3 =	vadd.f32 v4, v3  }
0x12b: {  	s4 =	sor.u32 s17, s10  }
0x12c: {  	v4 =	vld [tilespmem:s4+$0x8400];
	[tilespmem:s0+$0x400] =	vst v3  }
0x12d: {  	v3 =	vld [tilespmem:s4+$0x400]  }
0x12e: {  	s30 =	sadd.s32 $0x1, s30  }
0x12f: {  	p0 =	sne.s32 s30, $0x10  }
.Ltmp5:
0x130: {  	_ = 	snop;
	(pc) =	sbr.rel @p0 .LBB2_10-.Ltmp5, $3  }
0x131: {  	_ = 	snop  }
0x132: {  	v3 =	vadd.f32 v4, v3;
	_ =	sdelay $0x1  }
0x133: {  	[tilespmem:s4+$0x400] =	vst v3  }
0x134: {  	s29 =	simm.s32 $0x0;
	s0 =	rddreg [dreg:$0x6]  }
0x135: {  	[hbm4b:s0+s29] =	stream.linear.scatter [tilespmem:s16], [sflag:$0x3], $0x4000, $0x38;
	[tilespmem:$0x10400] =	vst v63  }
0x136: {  	_ =	swait.ge [sflag:s1], $0x4000  }
0x137: {  	[sflag:s1] =	ssyncset.done $0x0  }
0x138: {  	[sflag:s1] =	ssyncadd.s32 $0xFFFFC000  }
0x139: {  	_ =	swait.ge [sflag:s1], $0x4000  }
0x13a: {  	[sflag:s1] =	ssyncset.done $0x0  }
0x13b: {  	[sflag:s1] =	ssyncadd.s32 $0xFFFFC000  }
0x13c: {  	_ =	swait.ge [sflag:s26], $0x4000  }
0x13d: {  	[sflag:s26] =	ssyncset.done $0x0  }
0x13e: {  	s30 =	simm.s32 $0x0;
	[sflag:s26] =	ssyncadd.s32 $0xFFFFC000  }
.LBB2_14:
0x13f: {  	s0 =	sshll.u32 s30, $0xA;
	s4 =	sshll.u32 s30, $0x7  }
0x140: {  	s0 =	sand.u32 $0x2000, s0;
	s4 =	sand.u32 $0x380, s4  }
0x141: {  	s10 =	sand.u32 $0x1C00, s29;
	s31 =	sor.u32 s4, s0  }
0x142: {  	s17 =	sand.u32 $0x70, s29;
	s0 =	sor.u32 s10, s31  }
0x143: {  	s0 =	sor.u32 s17, s0  }
0x144: {  	v3 =	vld [tilespmem:s0+$0xC400]  }
0x145: {  	v4 =	vld [tilespmem:s0+$0x4400];
	_ =	sdelay $0x2  }
0x146: {  	s4 =	simm.s32 $0x80  }
0x147: {  	s5 =	simm.s32 $0x10;
	s10 =	sand.u32 $0x1C00, s4  }
0x148: {  	s17 =	sand.u32 $0x70, s5;
	s10 =	sor.u32 s10, s31;
	s5 =	simm.s32 $0x20;
	v3 =	vadd.f32 v3, v4  }
.LBB2_15:
0x149: {  	p0 =	sne.s32 s5, $0x3F0;
	s10 =	sor.u32 s17, s10  }
0x14a: {  	v4 =	vld [tilespmem:s10+$0xC400];
	[tilespmem:s0+$0x4400] =	vst v3;
	s0 =	smov.u32 s10  }
0x14b: {  	v3 =	vld [tilespmem:s0+$0x4400]  }
.Ltmp6:
0x14c: {  	(pc) =	sbr.rel @p0 .LBB2_15-.Ltmp6, $4  }
0x14d: {  	_ = 	snop  }
0x14e: {  	s4 =	sadd.s32 $0x80, s4  }
0x14f: {  	s10 =	sand.u32 $0x1C00, s4  }
0x150: {  	s17 =	sand.u32 $0x70, s5;
	s5 =	sadd.s32 $0x10, s5;
	s10 =	sor.u32 s10, s31;
	v3 =	vadd.f32 v4, v3  }
0x151: {  	s4 =	sor.u32 s17, s10  }
0x152: {  	v4 =	vld [tilespmem:s4+$0xC400];
	[tilespmem:s0+$0x4400] =	vst v3  }
0x153: {  	v3 =	vld [tilespmem:s4+$0x4400]  }
0x154: {  	s30 =	sadd.s32 $0x1, s30  }
0x155: {  	p0 =	sne.s32 s30, $0x10  }
.Ltmp7:
0x156: {  	_ = 	snop;
	(pc) =	sbr.rel @p0 .LBB2_14-.Ltmp7, $3  }
0x157: {  	_ = 	snop  }
0x158: {  	v3 =	vadd.f32 v4, v3;
	_ =	sdelay $0x1  }
0x159: {  	[tilespmem:s4+$0x4400] =	vst v3  }
0x15a: {  	s0 =	rddreg [dreg:$0x7]  }
0x15b: {  	[hbm4b:s0+s2] =	stream.linear.scatter [tilespmem:s14], [sflag:$0x3], $0x4000, $0x38;
	[tilespmem:$0x10400] =	vst v63  }
0x15c: {  	_ =	swait.ge [sflag:s26], $0x4000  }
0x15d: {  	s28 =	sadd.s32 $0x1, s28;
	s31 =	rddreg [dreg:$0x8]  }
0x15e: {  	p0 =	sne.s32 s28, s31  }
.Ltmp8:
0x15f: {  	_ = 	snop;
	(pc) =	sbr.rel @p0 .LBB2_1-.Ltmp8, $3  }
0x160: {  	_ =	sdelay $0x1  }
0x161: {  	[sflag:s26] =	ssyncset.done $0x0  }
0x162: {  	[sflag:s26] =	ssyncadd.s32 $0xFFFFC000  }
0x163: {  	_ =	sfence.sel $0x180000  }
0x164: {  	[bflag:$0x0] =	sbarrier.arrive $0xFFFF  }
0x165: {  	_ =	strace $0x9000004A  }
0x166: {  	s0 =	stileid.u32;
	[bflag:$0x2] =	sbarrier.arrive $0xFFFF  }
0x167: {  	p0 =	sne.s32 s0, $0x0;
	s0 =	rddreg [dreg:$0x2]  }
0x168: {  	s0 =	sadd.s32 @!p0 $0x100000, s0  }
0x169: {  	[sflag:s0] =	ssyncadd.tile.s32 @!p0 $0x1;
	_ =	shalt  }
.Lfunc_end2:
_tile_overlayer_lowered:
.L_overlay_start_2:
0x16a: {  	(tag) =	ssettag $0x2  }
0x16b: {  	s0 =	rddreg [dreg:$0x0];
	s2 =	stileid.u32  }
0x16c: {  	s1 =	rddreg [dreg:$0x1];
	p0 =	sne.s32 s2, $0x0  }
0x16d: {  	s3 =	rddreg [dreg:$0x2];
	[bflag:$0x3] =	sbarrier.arrive $0xFFFF;
	s2 =	simm.s32 @!p0 $0x1C04  }
0x16e: {  	[timem:s3], [sflag:s2] =	dma.local @!p0 [hbm:s0], s1  }
0x16f: {  	s0 =	simm.s32 @!p0 $0x4  }
0x170: {  	_ =	swait.ge @!p0 [sflag:s0], s1  }
0x171: {  	s1 =	ssub.s32 @!p0 $0x0, s1;
	[sflag:s0] =	ssyncset.done @!p0 $0x0  }
0x172: {  	[sflag:s0] =	ssyncadd.s32 @!p0 s1  }
0x173: {  	[bflag:$0x3] =	sbarrier.arrive $0xFFFF  }
0x174: {  	_ =	shalt  }

</sc_bundles>
